<compile_context>
chip_gen: v7x
topology: tpu7x:2x2x1
jax: 0.10.2.dev20260603
libtpu: 0.0.44.dev20260713+nightly
codegen_flags: <defaults>
</compile_context>

<pallas_src>
import jax
import jax.numpy as jnp
from jax import lax
from jax.experimental import pallas as pl
from jax.experimental.pallas import tpu as pltpu
from jax.experimental.pallas import tpu_sc as plsc

BATCH = 16384
D = 32
LANE = 128
NC = 2
NS = 16
NW = NC * NS
BPW = BATCH // NW
NBUF = 8


def _body(uid_ref, iid_ref, utab, itab, out_hbm,
          uidx_v, iidx_v, ubufs, ibufs, out_v, usems, isems):
    wid = lax.axis_index("s") * NC + lax.axis_index("c")
    base = wid * BPW

    pltpu.sync_copy(uid_ref.at[pl.ds(base, BPW)], uidx_v.at[pl.ds(0, BPW)])
    pltpu.sync_copy(iid_ref.at[pl.ds(base, BPW)], iidx_v.at[pl.ds(0, BPW)])

    lanes = lax.iota(jnp.int32, 16)

    def ids_at(e):
        uvec = plsc.load_gather(uidx_v, [jnp.full((16,), 0, jnp.int32) + e])
        ivec = plsc.load_gather(iidx_v, [jnp.full((16,), 0, jnp.int32) + e])
        return uvec[0], ivec[0]

    def fire(e, s):
        uid, iid = ids_at(e)
        uoff = pl.multiple_of((uid >> 7) << 7, LANE)
        ioff = pl.multiple_of((iid >> 7) << 7, LANE)
        pltpu.async_copy(utab.at[:, pl.ds(uoff, LANE)], ubufs[s], usems[s])
        pltpu.async_copy(itab.at[:, pl.ds(ioff, LANE)], ibufs[s], isems[s])

    def drain(s):
        pltpu.make_async_copy(utab.at[:, pl.ds(0, LANE)], ubufs[s],
                              usems[s]).wait()
        pltpu.make_async_copy(itab.at[:, pl.ds(0, LANE)], ibufs[s],
                              isems[s]).wait()

    def compute(e, s):
        uid, iid = ids_at(e)
        lu = jnp.full((16,), 0, jnp.int32) + (uid & (LANE - 1))
        li = jnp.full((16,), 0, jnp.int32) + (iid & (LANE - 1))
        u_lo = plsc.load_gather(ubufs[s], [lanes, lu])
        u_hi = plsc.load_gather(ubufs[s], [lanes + 16, lu])
        i_lo = plsc.load_gather(ibufs[s], [lanes, li])
        i_hi = plsc.load_gather(ibufs[s], [lanes + 16, li])
        p = u_lo * i_lo + u_hi * i_hi
        sv = jnp.sum(p)
        plsc.store_scatter(out_v, [jnp.full((16,), 0, jnp.int32) + e],
                           jnp.full((16,), 0.0, jnp.float32) + sv,
                           mask=lanes == 0)

    for s in range(NBUF):
        fire(s, s)

    def i_body(i, _):
        for s in range(NBUF):
            e = i * NBUF + s
            drain(s)
            compute(e, s)
            fire(e + NBUF, s)
        return 0

    lax.fori_loop(0, BPW // NBUF - 1, i_body, 0)
    for s in range(NBUF):
        e = BPW - NBUF + s
        drain(s)
        compute(e, s)

    pltpu.sync_copy(out_v, out_hbm.at[pl.ds(base, BPW)])


def kernel(user_ids, item_ids, user_table, item_table):
    utT = user_table.T
    itT = item_table.T
    mesh = plsc.VectorSubcoreMesh(core_axis_name="c", subcore_axis_name="s")
    run = pl.kernel(
        _body,
        mesh=mesh,
        out_type=jax.ShapeDtypeStruct((BATCH,), jnp.float32),
        scratch_types=dict(
            uidx_v=pltpu.VMEM((BPW + 16,), jnp.int32),
            iidx_v=pltpu.VMEM((BPW + 16,), jnp.int32),
            ubufs=[pltpu.VMEM((D, LANE), jnp.float32)] * NBUF,
            ibufs=[pltpu.VMEM((D, LANE), jnp.float32)] * NBUF,
            out_v=pltpu.VMEM((BPW,), jnp.float32),
            usems=[pltpu.SemaphoreType.DMA] * NBUF,
            isems=[pltpu.SemaphoreType.DMA] * NBUF,
        ),
        compiler_params=pltpu.CompilerParams(
            needs_layout_passes=False, use_tc_tiling_on_sc=True),
    )
    return run(user_ids.astype(jnp.int32), item_ids.astype(jnp.int32),
               utT, itT)

# --- scband reference (transcript-rebuilt; emitter-appended) ---
"""Pipeline reference for scband-garmodel-49246095016240 (READ-ONLY COPY).

The authoritative reference and input builder live on the scoring server;
editing this copy changes nothing except your own understanding.
"""

import jax, jax.numpy as jnp
import numpy as np

NUM_USERS = 1000000
NUM_ITEMS = 1000000
EMBED_DIM = 32
BATCH = 16384


def setup_inputs(seed: int = 0) -> dict:
    key = jax.random.key(seed)
    k1, k2, k3, k4 = jax.random.split(key, 4)
    user_ids = jax.random.randint(k1, (BATCH,), 0, NUM_USERS, dtype=jnp.int64 if jax.config.jax_enable_x64 else jnp.int32)
    item_ids = jax.random.randint(k2, (BATCH,), 0, NUM_ITEMS, dtype=jnp.int64 if jax.config.jax_enable_x64 else jnp.int32)
    user_table = jax.random.normal(k3, (NUM_USERS, EMBED_DIM), dtype=jnp.float32)
    item_table = jax.random.normal(k4, (NUM_ITEMS, EMBED_DIM), dtype=jnp.float32)
    return {"user_ids": user_ids, "item_ids": item_ids, "user_table": user_table, "item_table": item_table}


def reference(user_ids, item_ids, user_table, item_table):
    user_embeds = jnp.take(user_table, user_ids, axis=0)
    item_embeds = jnp.take(item_table, item_ids, axis=0)
    return jnp.sum(user_embeds * item_embeds, axis=1)

if __name__ == "__main__":
    import jax
    _d = setup_inputs()
    print(jax.jit(kernel)(*tuple(_d.values())))

</pallas_src>

<mosaic_0001>
#map = affine_map<(d0, d1) -> (0)>
#map1 = affine_map<(d0, d1) -> (0, 0)>
module attributes {stable_mosaic.version = 14 : i64} {
  func.func @_body(%arg0: i32, %arg1: i32, %arg2: memref<16384xi32, #tpu.memory_space<hbm>>, %arg3: memref<16384xi32, #tpu.memory_space<hbm>>, %arg4: memref<32x1000000xf32, #tpu.memory_space<hbm>>, %arg5: memref<32x1000000xf32, #tpu.memory_space<hbm>>, %arg6: memref<16384xf32, #tpu.memory_space<hbm>>, %arg7: memref<32x128xf32, #tpu.memory_space<vmem>>, %arg8: memref<32x128xf32, #tpu.memory_space<vmem>>, %arg9: memref<32x128xf32, #tpu.memory_space<vmem>>, %arg10: memref<32x128xf32, #tpu.memory_space<vmem>>, %arg11: memref<32x128xf32, #tpu.memory_space<vmem>>, %arg12: memref<32x128xf32, #tpu.memory_space<vmem>>, %arg13: memref<32x128xf32, #tpu.memory_space<vmem>>, %arg14: memref<32x128xf32, #tpu.memory_space<vmem>>, %arg15: memref<528xi32, #tpu.memory_space<vmem>>, %arg16: memref<!tpu.dma_semaphore, #tpu.memory_space<semaphore_mem>>, %arg17: memref<!tpu.dma_semaphore, #tpu.memory_space<semaphore_mem>>, %arg18: memref<!tpu.dma_semaphore, #tpu.memory_space<semaphore_mem>>, %arg19: memref<!tpu.dma_semaphore, #tpu.memory_space<semaphore_mem>>, %arg20: memref<!tpu.dma_semaphore, #tpu.memory_space<semaphore_mem>>, %arg21: memref<!tpu.dma_semaphore, #tpu.memory_space<semaphore_mem>>, %arg22: memref<!tpu.dma_semaphore, #tpu.memory_space<semaphore_mem>>, %arg23: memref<!tpu.dma_semaphore, #tpu.memory_space<semaphore_mem>>, %arg24: memref<512xf32, #tpu.memory_space<vmem>>, %arg25: memref<32x128xf32, #tpu.memory_space<vmem>>, %arg26: memref<32x128xf32, #tpu.memory_space<vmem>>, %arg27: memref<32x128xf32, #tpu.memory_space<vmem>>, %arg28: memref<32x128xf32, #tpu.memory_space<vmem>>, %arg29: memref<32x128xf32, #tpu.memory_space<vmem>>, %arg30: memref<32x128xf32, #tpu.memory_space<vmem>>, %arg31: memref<32x128xf32, #tpu.memory_space<vmem>>, %arg32: memref<32x128xf32, #tpu.memory_space<vmem>>, %arg33: memref<528xi32, #tpu.memory_space<vmem>>, %arg34: memref<!tpu.dma_semaphore, #tpu.memory_space<semaphore_mem>>, %arg35: memref<!tpu.dma_semaphore, #tpu.memory_space<semaphore_mem>>, %arg36: memref<!tpu.dma_semaphore, #tpu.memory_space<semaphore_mem>>, %arg37: memref<!tpu.dma_semaphore, #tpu.memory_space<semaphore_mem>>, %arg38: memref<!tpu.dma_semaphore, #tpu.memory_space<semaphore_mem>>, %arg39: memref<!tpu.dma_semaphore, #tpu.memory_space<semaphore_mem>>, %arg40: memref<!tpu.dma_semaphore, #tpu.memory_space<semaphore_mem>>, %arg41: memref<!tpu.dma_semaphore, #tpu.memory_space<semaphore_mem>>) attributes {dimension_semantics = [#tpu.dimension_semantics<core_parallel>, #tpu.dimension_semantics<subcore_parallel>], iteration_bounds = array<i64: 2, 16>, scalar_prefetch = 0 : i64, scratch_operands = 35 : i64, tpu.core_type = #tpu.core_type<sc_vector_subcore>, window_params = [{transform_indices = #map}, {transform_indices = #map}, {transform_indices = #map1}, {transform_indices = #map1}, {transform_indices = #map}]} {
    %mul3A = arith.constant 2 : i32
    %mul3A_0 = arith.muli %arg1, %mul3A : i32
    %add3A = arith.addi %mul3A_0, %arg0 : i32
    %mul3A_1 = arith.constant 512 : i32
    %mul3A_2 = arith.muli %add3A, %mul3A_1 : i32
    "tpu.region"() ({
      %run_scoped3A = tpu.sem_alloc : memref<!tpu.dma_semaphore, #tpu.memory_space<semaphore_mem>>
      %dma_start3A_821 = arith.constant 0 : i32
      %dma_start3A_822 = tpu.memref_slice %arg33[%dma_start3A_821] : memref<528xi32, #tpu.memory_space<vmem>> -> memref<512xi32, #tpu.memory_space<vmem>>
      %dma_start3A_823 = tpu.memref_slice %arg2[%mul3A_2] : memref<16384xi32, #tpu.memory_space<hbm>> -> memref<512xi32, #tpu.memory_space<hbm>>
      %dma_start3A_824 = arith.constant 0 : i32
      %dma_start3A_825 = tpu.memref_slice %arg33[%dma_start3A_824] : memref<528xi32, #tpu.memory_space<vmem>> -> memref<512xi32, #tpu.memory_space<vmem>>
      %dma_start3A_826 = tpu.memref_slice %arg2[%mul3A_2] : memref<16384xi32, #tpu.memory_space<hbm>> -> memref<512xi32, #tpu.memory_space<hbm>>
      tpu.enqueue_dma source(%dma_start3A_826 : memref<512xi32, #tpu.memory_space<hbm>>) target(%dma_start3A_825 : memref<512xi32, #tpu.memory_space<vmem>>) target_semaphore(%run_scoped3A : memref<!tpu.dma_semaphore, #tpu.memory_space<semaphore_mem>>)
      %dma_wait3A_827 = arith.constant 0 : i32
      %dma_wait3A_828 = tpu.memref_slice %arg33[%dma_wait3A_827] : memref<528xi32, #tpu.memory_space<vmem>> -> memref<512xi32, #tpu.memory_space<vmem>>
      %dma_wait3A_829 = tpu.memref_slice %arg2[%mul3A_2] : memref<16384xi32, #tpu.memory_space<hbm>> -> memref<512xi32, #tpu.memory_space<hbm>>
      %dma_wait3A_830 = arith.constant 0 : i32
      %dma_wait3A_831 = tpu.memref_slice %arg33[%dma_wait3A_830] : memref<528xi32, #tpu.memory_space<vmem>> -> memref<512xi32, #tpu.memory_space<vmem>>
      %dma_wait3A_832 = tpu.memref_slice %arg2[%mul3A_2] : memref<16384xi32, #tpu.memory_space<hbm>> -> memref<512xi32, #tpu.memory_space<hbm>>
      tpu.wait_dma2 semaphore(%run_scoped3A : memref<!tpu.dma_semaphore, #tpu.memory_space<semaphore_mem>>) src(%dma_wait3A_832 : memref<512xi32, #tpu.memory_space<hbm>>) dst(%dma_wait3A_831 : memref<512xi32, #tpu.memory_space<vmem>>)
      tpu.yield
    }) : () -> ()
    "tpu.region"() ({
      %run_scoped3A = tpu.sem_alloc : memref<!tpu.dma_semaphore, #tpu.memory_space<semaphore_mem>>
      %dma_start3A_821 = arith.constant 0 : i32
      %dma_start3A_822 = tpu.memref_slice %arg15[%dma_start3A_821] : memref<528xi32, #tpu.memory_space<vmem>> -> memref<512xi32, #tpu.memory_space<vmem>>
      %dma_start3A_823 = tpu.memref_slice %arg3[%mul3A_2] : memref<16384xi32, #tpu.memory_space<hbm>> -> memref<512xi32, #tpu.memory_space<hbm>>
      %dma_start3A_824 = arith.constant 0 : i32
      %dma_start3A_825 = tpu.memref_slice %arg15[%dma_start3A_824] : memref<528xi32, #tpu.memory_space<vmem>> -> memref<512xi32, #tpu.memory_space<vmem>>
      %dma_start3A_826 = tpu.memref_slice %arg3[%mul3A_2] : memref<16384xi32, #tpu.memory_space<hbm>> -> memref<512xi32, #tpu.memory_space<hbm>>
      tpu.enqueue_dma source(%dma_start3A_826 : memref<512xi32, #tpu.memory_space<hbm>>) target(%dma_start3A_825 : memref<512xi32, #tpu.memory_space<vmem>>) target_semaphore(%run_scoped3A : memref<!tpu.dma_semaphore, #tpu.memory_space<semaphore_mem>>)
      %dma_wait3A_827 = arith.constant 0 : i32
      %dma_wait3A_828 = tpu.memref_slice %arg15[%dma_wait3A_827] : memref<528xi32, #tpu.memory_space<vmem>> -> memref<512xi32, #tpu.memory_space<vmem>>
      %dma_wait3A_829 = tpu.memref_slice %arg3[%mul3A_2] : memref<16384xi32, #tpu.memory_space<hbm>> -> memref<512xi32, #tpu.memory_space<hbm>>
      %dma_wait3A_830 = arith.constant 0 : i32
      %dma_wait3A_831 = tpu.memref_slice %arg15[%dma_wait3A_830] : memref<528xi32, #tpu.memory_space<vmem>> -> memref<512xi32, #tpu.memory_space<vmem>>
      %dma_wait3A_832 = tpu.memref_slice %arg3[%mul3A_2] : memref<16384xi32, #tpu.memory_space<hbm>> -> memref<512xi32, #tpu.memory_space<hbm>>
      tpu.wait_dma2 semaphore(%run_scoped3A : memref<!tpu.dma_semaphore, #tpu.memory_space<semaphore_mem>>) src(%dma_wait3A_832 : memref<512xi32, #tpu.memory_space<hbm>>) dst(%dma_wait3A_831 : memref<512xi32, #tpu.memory_space<vmem>>)
      tpu.yield
    }) : () -> ()
    %iota3A = tpu.iota {dimensions = array<i32: 0>} : vector<16xi32>
    %broadcast_in_dim3A = arith.constant 0 : i32
    %broadcast_in_dim3A_3 = vector.broadcast %broadcast_in_dim3A : i32 to vector<16xi32>
    %add3A_4 = arith.constant 0 : i32
    %add3A_5 = vector.broadcast %add3A_4 : i32 to vector<16xi32>
    %add3A_6 = arith.addi %broadcast_in_dim3A_3, %add3A_5 : vector<16xi32>
    %gather3A = tpu.vector_load_idx %arg33[%add3A_6] : memref<528xi32, #tpu.memory_space<vmem>>[vector<16xi32>], vector<16xi32>,
    %broadcast_in_dim3A_7 = arith.constant 0 : i32
    %broadcast_in_dim3A_8 = vector.broadcast %broadcast_in_dim3A_7 : i32 to vector<16xi32>
    %add3A_9 = arith.constant 0 : i32
    %add3A_10 = vector.broadcast %add3A_9 : i32 to vector<16xi32>
    %add3A_11 = arith.addi %broadcast_in_dim3A_8, %add3A_10 : vector<16xi32>
    %gather3A_12 = tpu.vector_load_idx %arg15[%add3A_11] : memref<528xi32, #tpu.memory_space<vmem>>[vector<16xi32>], vector<16xi32>,
    %slice3A = vector.extract_strided_slice %gather3A {offsets = [0], sizes = [1], strides = [1]} : vector<16xi32> to vector<1xi32>
    %squeeze3A = vector.extract %slice3A[0] : i32 from vector<1xi32>
    %slice3A_13 = vector.extract_strided_slice %gather3A_12 {offsets = [0], sizes = [1], strides = [1]} : vector<16xi32> to vector<1xi32>
    %squeeze3A_14 = vector.extract %slice3A_13[0] : i32 from vector<1xi32>
    %shift_right_arithmetic3A = arith.constant 7 : i32
    %shift_right_arithmetic3A_15 = arith.shrsi %squeeze3A, %shift_right_arithmetic3A : i32
    %shift_left3A = arith.constant 7 : i32
    %shift_left3A_16 = arith.shli %shift_right_arithmetic3A_15, %shift_left3A : i32
    %multiple_of3A = tpu.assume_multiple %shift_left3A_16, 128 : i32
    %shift_right_arithmetic3A_17 = arith.constant 7 : i32
    %shift_right_arithmetic3A_18 = arith.shrsi %squeeze3A_14, %shift_right_arithmetic3A_17 : i32
    %shift_left3A_19 = arith.constant 7 : i32
    %shift_left3A_20 = arith.shli %shift_right_arithmetic3A_18, %shift_left3A_19 : i32
    %multiple_of3A_21 = tpu.assume_multiple %shift_left3A_20, 128 : i32
    %dma_start3A = arith.constant 0 : i32
    %dma_start3A_22 = tpu.memref_slice %arg4[%dma_start3A, %multiple_of3A] : memref<32x1000000xf32, #tpu.memory_space<hbm>> -> memref<32x128xf32, #tpu.memory_space<hbm>>
    %dma_start3A_23 = arith.constant 0 : i32
    %dma_start3A_24 = tpu.memref_slice %arg4[%dma_start3A_23, %multiple_of3A] : memref<32x1000000xf32, #tpu.memory_space<hbm>> -> memref<32x128xf32, #tpu.memory_space<hbm>>
    tpu.enqueue_dma source(%dma_start3A_24 : memref<32x128xf32, #tpu.memory_space<hbm>>) target(%arg25 : memref<32x128xf32, #tpu.memory_space<vmem>>) target_semaphore(%arg34 : memref<!tpu.dma_semaphore, #tpu.memory_space<semaphore_mem>>)
    %dma_start3A_25 = arith.constant 0 : i32
    %dma_start3A_26 = tpu.memref_slice %arg5[%dma_start3A_25, %multiple_of3A_21] : memref<32x1000000xf32, #tpu.memory_space<hbm>> -> memref<32x128xf32, #tpu.memory_space<hbm>>
    %dma_start3A_27 = arith.constant 0 : i32
    %dma_start3A_28 = tpu.memref_slice %arg5[%dma_start3A_27, %multiple_of3A_21] : memref<32x1000000xf32, #tpu.memory_space<hbm>> -> memref<32x128xf32, #tpu.memory_space<hbm>>
    tpu.enqueue_dma source(%dma_start3A_28 : memref<32x128xf32, #tpu.memory_space<hbm>>) target(%arg7 : memref<32x128xf32, #tpu.memory_space<vmem>>) target_semaphore(%arg16 : memref<!tpu.dma_semaphore, #tpu.memory_space<semaphore_mem>>)
    %broadcast_in_dim3A_29 = arith.constant 0 : i32
    %broadcast_in_dim3A_30 = vector.broadcast %broadcast_in_dim3A_29 : i32 to vector<16xi32>
    %add3A_31 = arith.constant 1 : i32
    %add3A_32 = vector.broadcast %add3A_31 : i32 to vector<16xi32>
    %add3A_33 = arith.addi %broadcast_in_dim3A_30, %add3A_32 : vector<16xi32>
    %gather3A_34 = tpu.vector_load_idx %arg33[%add3A_33] : memref<528xi32, #tpu.memory_space<vmem>>[vector<16xi32>], vector<16xi32>,
    %broadcast_in_dim3A_35 = arith.constant 0 : i32
    %broadcast_in_dim3A_36 = vector.broadcast %broadcast_in_dim3A_35 : i32 to vector<16xi32>
    %add3A_37 = arith.constant 1 : i32
    %add3A_38 = vector.broadcast %add3A_37 : i32 to vector<16xi32>
    %add3A_39 = arith.addi %broadcast_in_dim3A_36, %add3A_38 : vector<16xi32>
    %gather3A_40 = tpu.vector_load_idx %arg15[%add3A_39] : memref<528xi32, #tpu.memory_space<vmem>>[vector<16xi32>], vector<16xi32>,
    %slice3A_41 = vector.extract_strided_slice %gather3A_34 {offsets = [0], sizes = [1], strides = [1]} : vector<16xi32> to vector<1xi32>
    %squeeze3A_42 = vector.extract %slice3A_41[0] : i32 from vector<1xi32>
    %slice3A_43 = vector.extract_strided_slice %gather3A_40 {offsets = [0], sizes = [1], strides = [1]} : vector<16xi32> to vector<1xi32>
    %squeeze3A_44 = vector.extract %slice3A_43[0] : i32 from vector<1xi32>
    %shift_right_arithmetic3A_45 = arith.constant 7 : i32
    %shift_right_arithmetic3A_46 = arith.shrsi %squeeze3A_42, %shift_right_arithmetic3A_45 : i32
    %shift_left3A_47 = arith.constant 7 : i32
    %shift_left3A_48 = arith.shli %shift_right_arithmetic3A_46, %shift_left3A_47 : i32
    %multiple_of3A_49 = tpu.assume_multiple %shift_left3A_48, 128 : i32
    %shift_right_arithmetic3A_50 = arith.constant 7 : i32
    %shift_right_arithmetic3A_51 = arith.shrsi %squeeze3A_44, %shift_right_arithmetic3A_50 : i32
    %shift_left3A_52 = arith.constant 7 : i32
    %shift_left3A_53 = arith.shli %shift_right_arithmetic3A_51, %shift_left3A_52 : i32
    %multiple_of3A_54 = tpu.assume_multiple %shift_left3A_53, 128 : i32
    %dma_start3A_55 = arith.constant 0 : i32
    %dma_start3A_56 = tpu.memref_slice %arg4[%dma_start3A_55, %multiple_of3A_49] : memref<32x1000000xf32, #tpu.memory_space<hbm>> -> memref<32x128xf32, #tpu.memory_space<hbm>>
    %dma_start3A_57 = arith.constant 0 : i32
    %dma_start3A_58 = tpu.memref_slice %arg4[%dma_start3A_57, %multiple_of3A_49] : memref<32x1000000xf32, #tpu.memory_space<hbm>> -> memref<32x128xf32, #tpu.memory_space<hbm>>
    tpu.enqueue_dma source(%dma_start3A_58 : memref<32x128xf32, #tpu.memory_space<hbm>>) target(%arg26 : memref<32x128xf32, #tpu.memory_space<vmem>>) target_semaphore(%arg35 : memref<!tpu.dma_semaphore, #tpu.memory_space<semaphore_mem>>)
    %dma_start3A_59 = arith.constant 0 : i32
    %dma_start3A_60 = tpu.memref_slice %arg5[%dma_start3A_59, %multiple_of3A_54] : memref<32x1000000xf32, #tpu.memory_space<hbm>> -> memref<32x128xf32, #tpu.memory_space<hbm>>
    %dma_start3A_61 = arith.constant 0 : i32
    %dma_start3A_62 = tpu.memref_slice %arg5[%dma_start3A_61, %multiple_of3A_54] : memref<32x1000000xf32, #tpu.memory_space<hbm>> -> memref<32x128xf32, #tpu.memory_space<hbm>>
    tpu.enqueue_dma source(%dma_start3A_62 : memref<32x128xf32, #tpu.memory_space<hbm>>) target(%arg8 : memref<32x128xf32, #tpu.memory_space<vmem>>) target_semaphore(%arg17 : memref<!tpu.dma_semaphore, #tpu.memory_space<semaphore_mem>>)
    %broadcast_in_dim3A_63 = arith.constant 0 : i32
    %broadcast_in_dim3A_64 = vector.broadcast %broadcast_in_dim3A_63 : i32 to vector<16xi32>
    %add3A_65 = arith.constant 2 : i32
    %add3A_66 = vector.broadcast %add3A_65 : i32 to vector<16xi32>
    %add3A_67 = arith.addi %broadcast_in_dim3A_64, %add3A_66 : vector<16xi32>
    %gather3A_68 = tpu.vector_load_idx %arg33[%add3A_67] : memref<528xi32, #tpu.memory_space<vmem>>[vector<16xi32>], vector<16xi32>,
    %broadcast_in_dim3A_69 = arith.constant 0 : i32
    %broadcast_in_dim3A_70 = vector.broadcast %broadcast_in_dim3A_69 : i32 to vector<16xi32>
    %add3A_71 = arith.constant 2 : i32
    %add3A_72 = vector.broadcast %add3A_71 : i32 to vector<16xi32>
    %add3A_73 = arith.addi %broadcast_in_dim3A_70, %add3A_72 : vector<16xi32>
    %gather3A_74 = tpu.vector_load_idx %arg15[%add3A_73] : memref<528xi32, #tpu.memory_space<vmem>>[vector<16xi32>], vector<16xi32>,
    %slice3A_75 = vector.extract_strided_slice %gather3A_68 {offsets = [0], sizes = [1], strides = [1]} : vector<16xi32> to vector<1xi32>
    %squeeze3A_76 = vector.extract %slice3A_75[0] : i32 from vector<1xi32>
    %slice3A_77 = vector.extract_strided_slice %gather3A_74 {offsets = [0], sizes = [1], strides = [1]} : vector<16xi32> to vector<1xi32>
    %squeeze3A_78 = vector.extract %slice3A_77[0] : i32 from vector<1xi32>
    %shift_right_arithmetic3A_79 = arith.constant 7 : i32
    %shift_right_arithmetic3A_80 = arith.shrsi %squeeze3A_76, %shift_right_arithmetic3A_79 : i32
    %shift_left3A_81 = arith.constant 7 : i32
    %shift_left3A_82 = arith.shli %shift_right_arithmetic3A_80, %shift_left3A_81 : i32
    %multiple_of3A_83 = tpu.assume_multiple %shift_left3A_82, 128 : i32
    %shift_right_arithmetic3A_84 = arith.constant 7 : i32
    %shift_right_arithmetic3A_85 = arith.shrsi %squeeze3A_78, %shift_right_arithmetic3A_84 : i32
    %shift_left3A_86 = arith.constant 7 : i32
    %shift_left3A_87 = arith.shli %shift_right_arithmetic3A_85, %shift_left3A_86 : i32
    %multiple_of3A_88 = tpu.assume_multiple %shift_left3A_87, 128 : i32
    %dma_start3A_89 = arith.constant 0 : i32
    %dma_start3A_90 = tpu.memref_slice %arg4[%dma_start3A_89, %multiple_of3A_83] : memref<32x1000000xf32, #tpu.memory_space<hbm>> -> memref<32x128xf32, #tpu.memory_space<hbm>>
    %dma_start3A_91 = arith.constant 0 : i32
    %dma_start3A_92 = tpu.memref_slice %arg4[%dma_start3A_91, %multiple_of3A_83] : memref<32x1000000xf32, #tpu.memory_space<hbm>> -> memref<32x128xf32, #tpu.memory_space<hbm>>
    tpu.enqueue_dma source(%dma_start3A_92 : memref<32x128xf32, #tpu.memory_space<hbm>>) target(%arg27 : memref<32x128xf32, #tpu.memory_space<vmem>>) target_semaphore(%arg36 : memref<!tpu.dma_semaphore, #tpu.memory_space<semaphore_mem>>)
    %dma_start3A_93 = arith.constant 0 : i32
    %dma_start3A_94 = tpu.memref_slice %arg5[%dma_start3A_93, %multiple_of3A_88] : memref<32x1000000xf32, #tpu.memory_space<hbm>> -> memref<32x128xf32, #tpu.memory_space<hbm>>
    %dma_start3A_95 = arith.constant 0 : i32
    %dma_start3A_96 = tpu.memref_slice %arg5[%dma_start3A_95, %multiple_of3A_88] : memref<32x1000000xf32, #tpu.memory_space<hbm>> -> memref<32x128xf32, #tpu.memory_space<hbm>>
    tpu.enqueue_dma source(%dma_start3A_96 : memref<32x128xf32, #tpu.memory_space<hbm>>) target(%arg9 : memref<32x128xf32, #tpu.memory_space<vmem>>) target_semaphore(%arg18 : memref<!tpu.dma_semaphore, #tpu.memory_space<semaphore_mem>>)
    %broadcast_in_dim3A_97 = arith.constant 0 : i32
    %broadcast_in_dim3A_98 = vector.broadcast %broadcast_in_dim3A_97 : i32 to vector<16xi32>
    %add3A_99 = arith.constant 3 : i32
    %add3A_100 = vector.broadcast %add3A_99 : i32 to vector<16xi32>
    %add3A_101 = arith.addi %broadcast_in_dim3A_98, %add3A_100 : vector<16xi32>
    %gather3A_102 = tpu.vector_load_idx %arg33[%add3A_101] : memref<528xi32, #tpu.memory_space<vmem>>[vector<16xi32>], vector<16xi32>,
    %broadcast_in_dim3A_103 = arith.constant 0 : i32
    %broadcast_in_dim3A_104 = vector.broadcast %broadcast_in_dim3A_103 : i32 to vector<16xi32>
    %add3A_105 = arith.constant 3 : i32
    %add3A_106 = vector.broadcast %add3A_105 : i32 to vector<16xi32>
    %add3A_107 = arith.addi %broadcast_in_dim3A_104, %add3A_106 : vector<16xi32>
    %gather3A_108 = tpu.vector_load_idx %arg15[%add3A_107] : memref<528xi32, #tpu.memory_space<vmem>>[vector<16xi32>], vector<16xi32>,
    %slice3A_109 = vector.extract_strided_slice %gather3A_102 {offsets = [0], sizes = [1], strides = [1]} : vector<16xi32> to vector<1xi32>
    %squeeze3A_110 = vector.extract %slice3A_109[0] : i32 from vector<1xi32>
    %slice3A_111 = vector.extract_strided_slice %gather3A_108 {offsets = [0], sizes = [1], strides = [1]} : vector<16xi32> to vector<1xi32>
    %squeeze3A_112 = vector.extract %slice3A_111[0] : i32 from vector<1xi32>
    %shift_right_arithmetic3A_113 = arith.constant 7 : i32
    %shift_right_arithmetic3A_114 = arith.shrsi %squeeze3A_110, %shift_right_arithmetic3A_113 : i32
    %shift_left3A_115 = arith.constant 7 : i32
    %shift_left3A_116 = arith.shli %shift_right_arithmetic3A_114, %shift_left3A_115 : i32
    %multiple_of3A_117 = tpu.assume_multiple %shift_left3A_116, 128 : i32
    %shift_right_arithmetic3A_118 = arith.constant 7 : i32
    %shift_right_arithmetic3A_119 = arith.shrsi %squeeze3A_112, %shift_right_arithmetic3A_118 : i32
    %shift_left3A_120 = arith.constant 7 : i32
    %shift_left3A_121 = arith.shli %shift_right_arithmetic3A_119, %shift_left3A_120 : i32
    %multiple_of3A_122 = tpu.assume_multiple %shift_left3A_121, 128 : i32
    %dma_start3A_123 = arith.constant 0 : i32
    %dma_start3A_124 = tpu.memref_slice %arg4[%dma_start3A_123, %multiple_of3A_117] : memref<32x1000000xf32, #tpu.memory_space<hbm>> -> memref<32x128xf32, #tpu.memory_space<hbm>>
    %dma_start3A_125 = arith.constant 0 : i32
    %dma_start3A_126 = tpu.memref_slice %arg4[%dma_start3A_125, %multiple_of3A_117] : memref<32x1000000xf32, #tpu.memory_space<hbm>> -> memref<32x128xf32, #tpu.memory_space<hbm>>
    tpu.enqueue_dma source(%dma_start3A_126 : memref<32x128xf32, #tpu.memory_space<hbm>>) target(%arg28 : memref<32x128xf32, #tpu.memory_space<vmem>>) target_semaphore(%arg37 : memref<!tpu.dma_semaphore, #tpu.memory_space<semaphore_mem>>)
    %dma_start3A_127 = arith.constant 0 : i32
    %dma_start3A_128 = tpu.memref_slice %arg5[%dma_start3A_127, %multiple_of3A_122] : memref<32x1000000xf32, #tpu.memory_space<hbm>> -> memref<32x128xf32, #tpu.memory_space<hbm>>
    %dma_start3A_129 = arith.constant 0 : i32
    %dma_start3A_130 = tpu.memref_slice %arg5[%dma_start3A_129, %multiple_of3A_122] : memref<32x1000000xf32, #tpu.memory_space<hbm>> -> memref<32x128xf32, #tpu.memory_space<hbm>>
    tpu.enqueue_dma source(%dma_start3A_130 : memref<32x128xf32, #tpu.memory_space<hbm>>) target(%arg10 : memref<32x128xf32, #tpu.memory_space<vmem>>) target_semaphore(%arg19 : memref<!tpu.dma_semaphore, #tpu.memory_space<semaphore_mem>>)
    %broadcast_in_dim3A_131 = arith.constant 0 : i32
    %broadcast_in_dim3A_132 = vector.broadcast %broadcast_in_dim3A_131 : i32 to vector<16xi32>
    %add3A_133 = arith.constant 4 : i32
    %add3A_134 = vector.broadcast %add3A_133 : i32 to vector<16xi32>
    %add3A_135 = arith.addi %broadcast_in_dim3A_132, %add3A_134 : vector<16xi32>
    %gather3A_136 = tpu.vector_load_idx %arg33[%add3A_135] : memref<528xi32, #tpu.memory_space<vmem>>[vector<16xi32>], vector<16xi32>,
    %broadcast_in_dim3A_137 = arith.constant 0 : i32
    %broadcast_in_dim3A_138 = vector.broadcast %broadcast_in_dim3A_137 : i32 to vector<16xi32>
    %add3A_139 = arith.constant 4 : i32
    %add3A_140 = vector.broadcast %add3A_139 : i32 to vector<16xi32>
    %add3A_141 = arith.addi %broadcast_in_dim3A_138, %add3A_140 : vector<16xi32>
    %gather3A_142 = tpu.vector_load_idx %arg15[%add3A_141] : memref<528xi32, #tpu.memory_space<vmem>>[vector<16xi32>], vector<16xi32>,
    %slice3A_143 = vector.extract_strided_slice %gather3A_136 {offsets = [0], sizes = [1], strides = [1]} : vector<16xi32> to vector<1xi32>
    %squeeze3A_144 = vector.extract %slice3A_143[0] : i32 from vector<1xi32>
    %slice3A_145 = vector.extract_strided_slice %gather3A_142 {offsets = [0], sizes = [1], strides = [1]} : vector<16xi32> to vector<1xi32>
    %squeeze3A_146 = vector.extract %slice3A_145[0] : i32 from vector<1xi32>
    %shift_right_arithmetic3A_147 = arith.constant 7 : i32
    %shift_right_arithmetic3A_148 = arith.shrsi %squeeze3A_144, %shift_right_arithmetic3A_147 : i32
    %shift_left3A_149 = arith.constant 7 : i32
    %shift_left3A_150 = arith.shli %shift_right_arithmetic3A_148, %shift_left3A_149 : i32
    %multiple_of3A_151 = tpu.assume_multiple %shift_left3A_150, 128 : i32
    %shift_right_arithmetic3A_152 = arith.constant 7 : i32
    %shift_right_arithmetic3A_153 = arith.shrsi %squeeze3A_146, %shift_right_arithmetic3A_152 : i32
    %shift_left3A_154 = arith.constant 7 : i32
    %shift_left3A_155 = arith.shli %shift_right_arithmetic3A_153, %shift_left3A_154 : i32
    %multiple_of3A_156 = tpu.assume_multiple %shift_left3A_155, 128 : i32
    %dma_start3A_157 = arith.constant 0 : i32
    %dma_start3A_158 = tpu.memref_slice %arg4[%dma_start3A_157, %multiple_of3A_151] : memref<32x1000000xf32, #tpu.memory_space<hbm>> -> memref<32x128xf32, #tpu.memory_space<hbm>>
    %dma_start3A_159 = arith.constant 0 : i32
    %dma_start3A_160 = tpu.memref_slice %arg4[%dma_start3A_159, %multiple_of3A_151] : memref<32x1000000xf32, #tpu.memory_space<hbm>> -> memref<32x128xf32, #tpu.memory_space<hbm>>
    tpu.enqueue_dma source(%dma_start3A_160 : memref<32x128xf32, #tpu.memory_space<hbm>>) target(%arg29 : memref<32x128xf32, #tpu.memory_space<vmem>>) target_semaphore(%arg38 : memref<!tpu.dma_semaphore, #tpu.memory_space<semaphore_mem>>)
    %dma_start3A_161 = arith.constant 0 : i32
    %dma_start3A_162 = tpu.memref_slice %arg5[%dma_start3A_161, %multiple_of3A_156] : memref<32x1000000xf32, #tpu.memory_space<hbm>> -> memref<32x128xf32, #tpu.memory_space<hbm>>
    %dma_start3A_163 = arith.constant 0 : i32
    %dma_start3A_164 = tpu.memref_slice %arg5[%dma_start3A_163, %multiple_of3A_156] : memref<32x1000000xf32, #tpu.memory_space<hbm>> -> memref<32x128xf32, #tpu.memory_space<hbm>>
    tpu.enqueue_dma source(%dma_start3A_164 : memref<32x128xf32, #tpu.memory_space<hbm>>) target(%arg11 : memref<32x128xf32, #tpu.memory_space<vmem>>) target_semaphore(%arg20 : memref<!tpu.dma_semaphore, #tpu.memory_space<semaphore_mem>>)
    %broadcast_in_dim3A_165 = arith.constant 0 : i32
    %broadcast_in_dim3A_166 = vector.broadcast %broadcast_in_dim3A_165 : i32 to vector<16xi32>
    %add3A_167 = arith.constant 5 : i32
    %add3A_168 = vector.broadcast %add3A_167 : i32 to vector<16xi32>
    %add3A_169 = arith.addi %broadcast_in_dim3A_166, %add3A_168 : vector<16xi32>
    %gather3A_170 = tpu.vector_load_idx %arg33[%add3A_169] : memref<528xi32, #tpu.memory_space<vmem>>[vector<16xi32>], vector<16xi32>,
    %broadcast_in_dim3A_171 = arith.constant 0 : i32
    %broadcast_in_dim3A_172 = vector.broadcast %broadcast_in_dim3A_171 : i32 to vector<16xi32>
    %add3A_173 = arith.constant 5 : i32
    %add3A_174 = vector.broadcast %add3A_173 : i32 to vector<16xi32>
    %add3A_175 = arith.addi %broadcast_in_dim3A_172, %add3A_174 : vector<16xi32>
    %gather3A_176 = tpu.vector_load_idx %arg15[%add3A_175] : memref<528xi32, #tpu.memory_space<vmem>>[vector<16xi32>], vector<16xi32>,
    %slice3A_177 = vector.extract_strided_slice %gather3A_170 {offsets = [0], sizes = [1], strides = [1]} : vector<16xi32> to vector<1xi32>
    %squeeze3A_178 = vector.extract %slice3A_177[0] : i32 from vector<1xi32>
    %slice3A_179 = vector.extract_strided_slice %gather3A_176 {offsets = [0], sizes = [1], strides = [1]} : vector<16xi32> to vector<1xi32>
    %squeeze3A_180 = vector.extract %slice3A_179[0] : i32 from vector<1xi32>
    %shift_right_arithmetic3A_181 = arith.constant 7 : i32
    %shift_right_arithmetic3A_182 = arith.shrsi %squeeze3A_178, %shift_right_arithmetic3A_181 : i32
    %shift_left3A_183 = arith.constant 7 : i32
    %shift_left3A_184 = arith.shli %shift_right_arithmetic3A_182, %shift_left3A_183 : i32
    %multiple_of3A_185 = tpu.assume_multiple %shift_left3A_184, 128 : i32
    %shift_right_arithmetic3A_186 = arith.constant 7 : i32
    %shift_right_arithmetic3A_187 = arith.shrsi %squeeze3A_180, %shift_right_arithmetic3A_186 : i32
    %shift_left3A_188 = arith.constant 7 : i32
    %shift_left3A_189 = arith.shli %shift_right_arithmetic3A_187, %shift_left3A_188 : i32
    %multiple_of3A_190 = tpu.assume_multiple %shift_left3A_189, 128 : i32
    %dma_start3A_191 = arith.constant 0 : i32
    %dma_start3A_192 = tpu.memref_slice %arg4[%dma_start3A_191, %multiple_of3A_185] : memref<32x1000000xf32, #tpu.memory_space<hbm>> -> memref<32x128xf32, #tpu.memory_space<hbm>>
    %dma_start3A_193 = arith.constant 0 : i32
    %dma_start3A_194 = tpu.memref_slice %arg4[%dma_start3A_193, %multiple_of3A_185] : memref<32x1000000xf32, #tpu.memory_space<hbm>> -> memref<32x128xf32, #tpu.memory_space<hbm>>
    tpu.enqueue_dma source(%dma_start3A_194 : memref<32x128xf32, #tpu.memory_space<hbm>>) target(%arg30 : memref<32x128xf32, #tpu.memory_space<vmem>>) target_semaphore(%arg39 : memref<!tpu.dma_semaphore, #tpu.memory_space<semaphore_mem>>)
    %dma_start3A_195 = arith.constant 0 : i32
    %dma_start3A_196 = tpu.memref_slice %arg5[%dma_start3A_195, %multiple_of3A_190] : memref<32x1000000xf32, #tpu.memory_space<hbm>> -> memref<32x128xf32, #tpu.memory_space<hbm>>
    %dma_start3A_197 = arith.constant 0 : i32
    %dma_start3A_198 = tpu.memref_slice %arg5[%dma_start3A_197, %multiple_of3A_190] : memref<32x1000000xf32, #tpu.memory_space<hbm>> -> memref<32x128xf32, #tpu.memory_space<hbm>>
    tpu.enqueue_dma source(%dma_start3A_198 : memref<32x128xf32, #tpu.memory_space<hbm>>) target(%arg12 : memref<32x128xf32, #tpu.memory_space<vmem>>) target_semaphore(%arg21 : memref<!tpu.dma_semaphore, #tpu.memory_space<semaphore_mem>>)
    %broadcast_in_dim3A_199 = arith.constant 0 : i32
    %broadcast_in_dim3A_200 = vector.broadcast %broadcast_in_dim3A_199 : i32 to vector<16xi32>
    %add3A_201 = arith.constant 6 : i32
    %add3A_202 = vector.broadcast %add3A_201 : i32 to vector<16xi32>
    %add3A_203 = arith.addi %broadcast_in_dim3A_200, %add3A_202 : vector<16xi32>
    %gather3A_204 = tpu.vector_load_idx %arg33[%add3A_203] : memref<528xi32, #tpu.memory_space<vmem>>[vector<16xi32>], vector<16xi32>,
    %broadcast_in_dim3A_205 = arith.constant 0 : i32
    %broadcast_in_dim3A_206 = vector.broadcast %broadcast_in_dim3A_205 : i32 to vector<16xi32>
    %add3A_207 = arith.constant 6 : i32
    %add3A_208 = vector.broadcast %add3A_207 : i32 to vector<16xi32>
    %add3A_209 = arith.addi %broadcast_in_dim3A_206, %add3A_208 : vector<16xi32>
    %gather3A_210 = tpu.vector_load_idx %arg15[%add3A_209] : memref<528xi32, #tpu.memory_space<vmem>>[vector<16xi32>], vector<16xi32>,
    %slice3A_211 = vector.extract_strided_slice %gather3A_204 {offsets = [0], sizes = [1], strides = [1]} : vector<16xi32> to vector<1xi32>
    %squeeze3A_212 = vector.extract %slice3A_211[0] : i32 from vector<1xi32>
    %slice3A_213 = vector.extract_strided_slice %gather3A_210 {offsets = [0], sizes = [1], strides = [1]} : vector<16xi32> to vector<1xi32>
    %squeeze3A_214 = vector.extract %slice3A_213[0] : i32 from vector<1xi32>
    %shift_right_arithmetic3A_215 = arith.constant 7 : i32
    %shift_right_arithmetic3A_216 = arith.shrsi %squeeze3A_212, %shift_right_arithmetic3A_215 : i32
    %shift_left3A_217 = arith.constant 7 : i32
    %shift_left3A_218 = arith.shli %shift_right_arithmetic3A_216, %shift_left3A_217 : i32
    %multiple_of3A_219 = tpu.assume_multiple %shift_left3A_218, 128 : i32
    %shift_right_arithmetic3A_220 = arith.constant 7 : i32
    %shift_right_arithmetic3A_221 = arith.shrsi %squeeze3A_214, %shift_right_arithmetic3A_220 : i32
    %shift_left3A_222 = arith.constant 7 : i32
    %shift_left3A_223 = arith.shli %shift_right_arithmetic3A_221, %shift_left3A_222 : i32
    %multiple_of3A_224 = tpu.assume_multiple %shift_left3A_223, 128 : i32
    %dma_start3A_225 = arith.constant 0 : i32
    %dma_start3A_226 = tpu.memref_slice %arg4[%dma_start3A_225, %multiple_of3A_219] : memref<32x1000000xf32, #tpu.memory_space<hbm>> -> memref<32x128xf32, #tpu.memory_space<hbm>>
    %dma_start3A_227 = arith.constant 0 : i32
    %dma_start3A_228 = tpu.memref_slice %arg4[%dma_start3A_227, %multiple_of3A_219] : memref<32x1000000xf32, #tpu.memory_space<hbm>> -> memref<32x128xf32, #tpu.memory_space<hbm>>
    tpu.enqueue_dma source(%dma_start3A_228 : memref<32x128xf32, #tpu.memory_space<hbm>>) target(%arg31 : memref<32x128xf32, #tpu.memory_space<vmem>>) target_semaphore(%arg40 : memref<!tpu.dma_semaphore, #tpu.memory_space<semaphore_mem>>)
    %dma_start3A_229 = arith.constant 0 : i32
    %dma_start3A_230 = tpu.memref_slice %arg5[%dma_start3A_229, %multiple_of3A_224] : memref<32x1000000xf32, #tpu.memory_space<hbm>> -> memref<32x128xf32, #tpu.memory_space<hbm>>
    %dma_start3A_231 = arith.constant 0 : i32
    %dma_start3A_232 = tpu.memref_slice %arg5[%dma_start3A_231, %multiple_of3A_224] : memref<32x1000000xf32, #tpu.memory_space<hbm>> -> memref<32x128xf32, #tpu.memory_space<hbm>>
    tpu.enqueue_dma source(%dma_start3A_232 : memref<32x128xf32, #tpu.memory_space<hbm>>) target(%arg13 : memref<32x128xf32, #tpu.memory_space<vmem>>) target_semaphore(%arg22 : memref<!tpu.dma_semaphore, #tpu.memory_space<semaphore_mem>>)
    %broadcast_in_dim3A_233 = arith.constant 0 : i32
    %broadcast_in_dim3A_234 = vector.broadcast %broadcast_in_dim3A_233 : i32 to vector<16xi32>
    %add3A_235 = arith.constant 7 : i32
    %add3A_236 = vector.broadcast %add3A_235 : i32 to vector<16xi32>
    %add3A_237 = arith.addi %broadcast_in_dim3A_234, %add3A_236 : vector<16xi32>
    %gather3A_238 = tpu.vector_load_idx %arg33[%add3A_237] : memref<528xi32, #tpu.memory_space<vmem>>[vector<16xi32>], vector<16xi32>,
    %broadcast_in_dim3A_239 = arith.constant 0 : i32
    %broadcast_in_dim3A_240 = vector.broadcast %broadcast_in_dim3A_239 : i32 to vector<16xi32>
    %add3A_241 = arith.constant 7 : i32
    %add3A_242 = vector.broadcast %add3A_241 : i32 to vector<16xi32>
    %add3A_243 = arith.addi %broadcast_in_dim3A_240, %add3A_242 : vector<16xi32>
    %gather3A_244 = tpu.vector_load_idx %arg15[%add3A_243] : memref<528xi32, #tpu.memory_space<vmem>>[vector<16xi32>], vector<16xi32>,
    %slice3A_245 = vector.extract_strided_slice %gather3A_238 {offsets = [0], sizes = [1], strides = [1]} : vector<16xi32> to vector<1xi32>
    %squeeze3A_246 = vector.extract %slice3A_245[0] : i32 from vector<1xi32>
    %slice3A_247 = vector.extract_strided_slice %gather3A_244 {offsets = [0], sizes = [1], strides = [1]} : vector<16xi32> to vector<1xi32>
    %squeeze3A_248 = vector.extract %slice3A_247[0] : i32 from vector<1xi32>
    %shift_right_arithmetic3A_249 = arith.constant 7 : i32
    %shift_right_arithmetic3A_250 = arith.shrsi %squeeze3A_246, %shift_right_arithmetic3A_249 : i32
    %shift_left3A_251 = arith.constant 7 : i32
    %shift_left3A_252 = arith.shli %shift_right_arithmetic3A_250, %shift_left3A_251 : i32
    %multiple_of3A_253 = tpu.assume_multiple %shift_left3A_252, 128 : i32
    %shift_right_arithmetic3A_254 = arith.constant 7 : i32
    %shift_right_arithmetic3A_255 = arith.shrsi %squeeze3A_248, %shift_right_arithmetic3A_254 : i32
    %shift_left3A_256 = arith.constant 7 : i32
    %shift_left3A_257 = arith.shli %shift_right_arithmetic3A_255, %shift_left3A_256 : i32
    %multiple_of3A_258 = tpu.assume_multiple %shift_left3A_257, 128 : i32
    %dma_start3A_259 = arith.constant 0 : i32
    %dma_start3A_260 = tpu.memref_slice %arg4[%dma_start3A_259, %multiple_of3A_253] : memref<32x1000000xf32, #tpu.memory_space<hbm>> -> memref<32x128xf32, #tpu.memory_space<hbm>>
    %dma_start3A_261 = arith.constant 0 : i32
    %dma_start3A_262 = tpu.memref_slice %arg4[%dma_start3A_261, %multiple_of3A_253] : memref<32x1000000xf32, #tpu.memory_space<hbm>> -> memref<32x128xf32, #tpu.memory_space<hbm>>
    tpu.enqueue_dma source(%dma_start3A_262 : memref<32x128xf32, #tpu.memory_space<hbm>>) target(%arg32 : memref<32x128xf32, #tpu.memory_space<vmem>>) target_semaphore(%arg41 : memref<!tpu.dma_semaphore, #tpu.memory_space<semaphore_mem>>)
    %dma_start3A_263 = arith.constant 0 : i32
    %dma_start3A_264 = tpu.memref_slice %arg5[%dma_start3A_263, %multiple_of3A_258] : memref<32x1000000xf32, #tpu.memory_space<hbm>> -> memref<32x128xf32, #tpu.memory_space<hbm>>
    %dma_start3A_265 = arith.constant 0 : i32
    %dma_start3A_266 = tpu.memref_slice %arg5[%dma_start3A_265, %multiple_of3A_258] : memref<32x1000000xf32, #tpu.memory_space<hbm>> -> memref<32x128xf32, #tpu.memory_space<hbm>>
    tpu.enqueue_dma source(%dma_start3A_266 : memref<32x128xf32, #tpu.memory_space<hbm>>) target(%arg14 : memref<32x128xf32, #tpu.memory_space<vmem>>) target_semaphore(%arg23 : memref<!tpu.dma_semaphore, #tpu.memory_space<semaphore_mem>>)
    %scan3A = arith.constant 0 : i32
    %scan3A_267 = arith.constant 0 : i32
    %scan3A_268 = arith.constant 63 : i32
    %scan3A_269 = arith.addi %scan3A_267, %scan3A_268 : i32
    %scan3A_270 = arith.constant 1 : i32
    %scan3A_271 = scf.for %scan3A_821 = %scan3A_267 to %scan3A_269 step %scan3A_270 iter_args(%scan3A_822 = %scan3A) -> (i32)  : i32 {
      %mul3A_823 = arith.constant 8 : i32
      %mul3A_824 = arith.muli %scan3A_821, %mul3A_823 : i32
      %add3A_825 = arith.constant 0 : i32
      %add3A_826 = arith.addi %mul3A_824, %add3A_825 : i32
      %dma_wait3A_827 = arith.constant 0 : i32
      %dma_wait3A_828 = arith.constant 0 : i32
      %dma_wait3A_829 = tpu.memref_slice %arg4[%dma_wait3A_827, %dma_wait3A_828] : memref<32x1000000xf32, #tpu.memory_space<hbm>> -> memref<32x128xf32, #tpu.memory_space<hbm>>
      %dma_wait3A_830 = arith.constant 0 : i32
      %dma_wait3A_831 = arith.constant 0 : i32
      %dma_wait3A_832 = tpu.memref_slice %arg4[%dma_wait3A_830, %dma_wait3A_831] : memref<32x1000000xf32, #tpu.memory_space<hbm>> -> memref<32x128xf32, #tpu.memory_space<hbm>>
      tpu.wait_dma2 semaphore(%arg34 : memref<!tpu.dma_semaphore, #tpu.memory_space<semaphore_mem>>) src(%dma_wait3A_832 : memref<32x128xf32, #tpu.memory_space<hbm>>) dst(%arg25 : memref<32x128xf32, #tpu.memory_space<vmem>>)
      %dma_wait3A_833 = arith.constant 0 : i32
      %dma_wait3A_834 = arith.constant 0 : i32
      %dma_wait3A_835 = tpu.memref_slice %arg5[%dma_wait3A_833, %dma_wait3A_834] : memref<32x1000000xf32, #tpu.memory_space<hbm>> -> memref<32x128xf32, #tpu.memory_space<hbm>>
      %dma_wait3A_836 = arith.constant 0 : i32
      %dma_wait3A_837 = arith.constant 0 : i32
      %dma_wait3A_838 = tpu.memref_slice %arg5[%dma_wait3A_836, %dma_wait3A_837] : memref<32x1000000xf32, #tpu.memory_space<hbm>> -> memref<32x128xf32, #tpu.memory_space<hbm>>
      tpu.wait_dma2 semaphore(%arg16 : memref<!tpu.dma_semaphore, #tpu.memory_space<semaphore_mem>>) src(%dma_wait3A_838 : memref<32x128xf32, #tpu.memory_space<hbm>>) dst(%arg7 : memref<32x128xf32, #tpu.memory_space<vmem>>)
      %broadcast_in_dim3A_839 = arith.constant 0 : i32
      %broadcast_in_dim3A_840 = vector.broadcast %broadcast_in_dim3A_839 : i32 to vector<16xi32>
      %add3A_841 = vector.broadcast %add3A_826 : i32 to vector<16xi32>
      %add3A_842 = arith.addi %broadcast_in_dim3A_840, %add3A_841 : vector<16xi32>
      %gather3A_843 = tpu.vector_load_idx %arg33[%add3A_842] : memref<528xi32, #tpu.memory_space<vmem>>[vector<16xi32>], vector<16xi32>,
      %broadcast_in_dim3A_844 = arith.constant 0 : i32
      %broadcast_in_dim3A_845 = vector.broadcast %broadcast_in_dim3A_844 : i32 to vector<16xi32>
      %add3A_846 = vector.broadcast %add3A_826 : i32 to vector<16xi32>
      %add3A_847 = arith.addi %broadcast_in_dim3A_845, %add3A_846 : vector<16xi32>
      %gather3A_848 = tpu.vector_load_idx %arg15[%add3A_847] : memref<528xi32, #tpu.memory_space<vmem>>[vector<16xi32>], vector<16xi32>,
      %slice3A_849 = vector.extract_strided_slice %gather3A_843 {offsets = [0], sizes = [1], strides = [1]} : vector<16xi32> to vector<1xi32>
      %squeeze3A_850 = vector.extract %slice3A_849[0] : i32 from vector<1xi32>
      %slice3A_851 = vector.extract_strided_slice %gather3A_848 {offsets = [0], sizes = [1], strides = [1]} : vector<16xi32> to vector<1xi32>
      %squeeze3A_852 = vector.extract %slice3A_851[0] : i32 from vector<1xi32>
      %broadcast_in_dim3A_853 = arith.constant 0 : i32
      %broadcast_in_dim3A_854 = vector.broadcast %broadcast_in_dim3A_853 : i32 to vector<16xi32>
      %and3A_855 = arith.constant 127 : i32
      %and3A_856 = arith.andi %squeeze3A_850, %and3A_855 : i32
      %add3A_857 = vector.broadcast %and3A_856 : i32 to vector<16xi32>
      %add3A_858 = arith.addi %broadcast_in_dim3A_854, %add3A_857 : vector<16xi32>
      %broadcast_in_dim3A_859 = arith.constant 0 : i32
      %broadcast_in_dim3A_860 = vector.broadcast %broadcast_in_dim3A_859 : i32 to vector<16xi32>
      %and3A_861 = arith.constant 127 : i32
      %and3A_862 = arith.andi %squeeze3A_852, %and3A_861 : i32
      %add3A_863 = vector.broadcast %and3A_862 : i32 to vector<16xi32>
      %add3A_864 = arith.addi %broadcast_in_dim3A_860, %add3A_863 : vector<16xi32>
      %gather3A_865 = tpu.vector_load_idx %arg25[%iota3A, %add3A_858] : memref<32x128xf32, #tpu.memory_space<vmem>>[vector<16xi32>, vector<16xi32>], vector<16xf32>,
      %add3A_866 = arith.constant 16 : i32
      %add3A_867 = vector.broadcast %add3A_866 : i32 to vector<16xi32>
      %add3A_868 = arith.addi %iota3A, %add3A_867 : vector<16xi32>
      %gather3A_869 = tpu.vector_load_idx %arg25[%add3A_868, %add3A_858] : memref<32x128xf32, #tpu.memory_space<vmem>>[vector<16xi32>, vector<16xi32>], vector<16xf32>,
      %gather3A_870 = tpu.vector_load_idx %arg7[%iota3A, %add3A_864] : memref<32x128xf32, #tpu.memory_space<vmem>>[vector<16xi32>, vector<16xi32>], vector<16xf32>,
      %add3A_871 = arith.constant 16 : i32
      %add3A_872 = vector.broadcast %add3A_871 : i32 to vector<16xi32>
      %add3A_873 = arith.addi %iota3A, %add3A_872 : vector<16xi32>
      %gather3A_874 = tpu.vector_load_idx %arg7[%add3A_873, %add3A_864] : memref<32x128xf32, #tpu.memory_space<vmem>>[vector<16xi32>, vector<16xi32>], vector<16xf32>,
      %mul3A_875 = arith.mulf %gather3A_865, %gather3A_870 : vector<16xf32>
      %mul3A_876 = arith.mulf %gather3A_869, %gather3A_874 : vector<16xf32>
      %add3A_877 = arith.addf %mul3A_875, %mul3A_876 : vector<16xf32>
      %reduce_sum3A_878 = arith.constant true
      %reduce_sum3A_879 = vector.broadcast %reduce_sum3A_878 : i1 to vector<16xi1>
      %reduce_sum3A_880 = tpu.scan <sum>, %add3A_877 masked %reduce_sum3A_879 : vector<16xf32>, vector<16xi1> -> vector<16xf32>
      %reduce_sum3A_881 = vector.extract %reduce_sum3A_880[15] : f32 from vector<16xf32>
      %broadcast_in_dim3A_882 = arith.constant 0 : i32
      %broadcast_in_dim3A_883 = vector.broadcast %broadcast_in_dim3A_882 : i32 to vector<16xi32>
      %add3A_884 = vector.broadcast %add3A_826 : i32 to vector<16xi32>
      %add3A_885 = arith.addi %broadcast_in_dim3A_883, %add3A_884 : vector<16xi32>
      %broadcast_in_dim3A_886 = arith.constant 0.000000e+00 : f32
      %broadcast_in_dim3A_887 = vector.broadcast %broadcast_in_dim3A_886 : f32 to vector<16xf32>
      %add3A_888 = vector.broadcast %reduce_sum3A_881 : f32 to vector<16xf32>
      %add3A_889 = arith.addf %broadcast_in_dim3A_887, %add3A_888 : vector<16xf32>
      %eq3A_890 = arith.constant 0 : i32
      %eq3A_891 = vector.broadcast %eq3A_890 : i32 to vector<16xi32>
      %eq3A_892 = arith.cmpi eq, %iota3A, %eq3A_891 : vector<16xi32>
      tpu.vector_store_idx %arg24[%add3A_885], %add3A_889 masked %eq3A_892 : memref<512xf32, #tpu.memory_space<vmem>>[vector<16xi32>], vector<16xf32>, vector<16xi1>
      %add3A_893 = arith.constant 8 : i32
      %add3A_894 = arith.addi %add3A_826, %add3A_893 : i32
      %broadcast_in_dim3A_895 = arith.constant 0 : i32
      %broadcast_in_dim3A_896 = vector.broadcast %broadcast_in_dim3A_895 : i32 to vector<16xi32>
      %add3A_897 = vector.broadcast %add3A_894 : i32 to vector<16xi32>
      %add3A_898 = arith.addi %broadcast_in_dim3A_896, %add3A_897 : vector<16xi32>
      %gather3A_899 = tpu.vector_load_idx %arg33[%add3A_898] : memref<528xi32, #tpu.memory_space<vmem>>[vector<16xi32>], vector<16xi32>,
      %broadcast_in_dim3A_900 = arith.constant 0 : i32
      %broadcast_in_dim3A_901 = vector.broadcast %broadcast_in_dim3A_900 : i32 to vector<16xi32>
      %add3A_902 = vector.broadcast %add3A_894 : i32 to vector<16xi32>
      %add3A_903 = arith.addi %broadcast_in_dim3A_901, %add3A_902 : vector<16xi32>
      %gather3A_904 = tpu.vector_load_idx %arg15[%add3A_903] : memref<528xi32, #tpu.memory_space<vmem>>[vector<16xi32>], vector<16xi32>,
      %slice3A_905 = vector.extract_strided_slice %gather3A_899 {offsets = [0], sizes = [1], strides = [1]} : vector<16xi32> to vector<1xi32>
      %squeeze3A_906 = vector.extract %slice3A_905[0] : i32 from vector<1xi32>
      %slice3A_907 = vector.extract_strided_slice %gather3A_904 {offsets = [0], sizes = [1], strides = [1]} : vector<16xi32> to vector<1xi32>
      %squeeze3A_908 = vector.extract %slice3A_907[0] : i32 from vector<1xi32>
      %shift_right_arithmetic3A_909 = arith.constant 7 : i32
      %shift_right_arithmetic3A_910 = arith.shrsi %squeeze3A_906, %shift_right_arithmetic3A_909 : i32
      %shift_left3A_911 = arith.constant 7 : i32
      %shift_left3A_912 = arith.shli %shift_right_arithmetic3A_910, %shift_left3A_911 : i32
      %multiple_of3A_913 = tpu.assume_multiple %shift_left3A_912, 128 : i32
      %shift_right_arithmetic3A_914 = arith.constant 7 : i32
      %shift_right_arithmetic3A_915 = arith.shrsi %squeeze3A_908, %shift_right_arithmetic3A_914 : i32
      %shift_left3A_916 = arith.constant 7 : i32
      %shift_left3A_917 = arith.shli %shift_right_arithmetic3A_915, %shift_left3A_916 : i32
      %multiple_of3A_918 = tpu.assume_multiple %shift_left3A_917, 128 : i32
      %dma_start3A_919 = arith.constant 0 : i32
      %dma_start3A_920 = tpu.memref_slice %arg4[%dma_start3A_919, %multiple_of3A_913] : memref<32x1000000xf32, #tpu.memory_space<hbm>> -> memref<32x128xf32, #tpu.memory_space<hbm>>
      %dma_start3A_921 = arith.constant 0 : i32
      %dma_start3A_922 = tpu.memref_slice %arg4[%dma_start3A_921, %multiple_of3A_913] : memref<32x1000000xf32, #tpu.memory_space<hbm>> -> memref<32x128xf32, #tpu.memory_space<hbm>>
      tpu.enqueue_dma source(%dma_start3A_922 : memref<32x128xf32, #tpu.memory_space<hbm>>) target(%arg25 : memref<32x128xf32, #tpu.memory_space<vmem>>) target_semaphore(%arg34 : memref<!tpu.dma_semaphore, #tpu.memory_space<semaphore_mem>>)
      %dma_start3A_923 = arith.constant 0 : i32
      %dma_start3A_924 = tpu.memref_slice %arg5[%dma_start3A_923, %multiple_of3A_918] : memref<32x1000000xf32, #tpu.memory_space<hbm>> -> memref<32x128xf32, #tpu.memory_space<hbm>>
      %dma_start3A_925 = arith.constant 0 : i32
      %dma_start3A_926 = tpu.memref_slice %arg5[%dma_start3A_925, %multiple_of3A_918] : memref<32x1000000xf32, #tpu.memory_space<hbm>> -> memref<32x128xf32, #tpu.memory_space<hbm>>
      tpu.enqueue_dma source(%dma_start3A_926 : memref<32x128xf32, #tpu.memory_space<hbm>>) target(%arg7 : memref<32x128xf32, #tpu.memory_space<vmem>>) target_semaphore(%arg16 : memref<!tpu.dma_semaphore, #tpu.memory_space<semaphore_mem>>)
      %mul3A_927 = arith.constant 8 : i32
      %mul3A_928 = arith.muli %scan3A_821, %mul3A_927 : i32
      %add3A_929 = arith.constant 1 : i32
      %add3A_930 = arith.addi %mul3A_928, %add3A_929 : i32
      %dma_wait3A_931 = arith.constant 0 : i32
      %dma_wait3A_932 = arith.constant 0 : i32
      %dma_wait3A_933 = tpu.memref_slice %arg4[%dma_wait3A_931, %dma_wait3A_932] : memref<32x1000000xf32, #tpu.memory_space<hbm>> -> memref<32x128xf32, #tpu.memory_space<hbm>>
      %dma_wait3A_934 = arith.constant 0 : i32
      %dma_wait3A_935 = arith.constant 0 : i32
      %dma_wait3A_936 = tpu.memref_slice %arg4[%dma_wait3A_934, %dma_wait3A_935] : memref<32x1000000xf32, #tpu.memory_space<hbm>> -> memref<32x128xf32, #tpu.memory_space<hbm>>
      tpu.wait_dma2 semaphore(%arg35 : memref<!tpu.dma_semaphore, #tpu.memory_space<semaphore_mem>>) src(%dma_wait3A_936 : memref<32x128xf32, #tpu.memory_space<hbm>>) dst(%arg26 : memref<32x128xf32, #tpu.memory_space<vmem>>)
      %dma_wait3A_937 = arith.constant 0 : i32
      %dma_wait3A_938 = arith.constant 0 : i32
      %dma_wait3A_939 = tpu.memref_slice %arg5[%dma_wait3A_937, %dma_wait3A_938] : memref<32x1000000xf32, #tpu.memory_space<hbm>> -> memref<32x128xf32, #tpu.memory_space<hbm>>
      %dma_wait3A_940 = arith.constant 0 : i32
      %dma_wait3A_941 = arith.constant 0 : i32
      %dma_wait3A_942 = tpu.memref_slice %arg5[%dma_wait3A_940, %dma_wait3A_941] : memref<32x1000000xf32, #tpu.memory_space<hbm>> -> memref<32x128xf32, #tpu.memory_space<hbm>>
      tpu.wait_dma2 semaphore(%arg17 : memref<!tpu.dma_semaphore, #tpu.memory_space<semaphore_mem>>) src(%dma_wait3A_942 : memref<32x128xf32, #tpu.memory_space<hbm>>) dst(%arg8 : memref<32x128xf32, #tpu.memory_space<vmem>>)
      %broadcast_in_dim3A_943 = arith.constant 0 : i32
      %broadcast_in_dim3A_944 = vector.broadcast %broadcast_in_dim3A_943 : i32 to vector<16xi32>
      %add3A_945 = vector.broadcast %add3A_930 : i32 to vector<16xi32>
      %add3A_946 = arith.addi %broadcast_in_dim3A_944, %add3A_945 : vector<16xi32>
      %gather3A_947 = tpu.vector_load_idx %arg33[%add3A_946] : memref<528xi32, #tpu.memory_space<vmem>>[vector<16xi32>], vector<16xi32>,
      %broadcast_in_dim3A_948 = arith.constant 0 : i32
      %broadcast_in_dim3A_949 = vector.broadcast %broadcast_in_dim3A_948 : i32 to vector<16xi32>
      %add3A_950 = vector.broadcast %add3A_930 : i32 to vector<16xi32>
      %add3A_951 = arith.addi %broadcast_in_dim3A_949, %add3A_950 : vector<16xi32>
      %gather3A_952 = tpu.vector_load_idx %arg15[%add3A_951] : memref<528xi32, #tpu.memory_space<vmem>>[vector<16xi32>], vector<16xi32>,
      %slice3A_953 = vector.extract_strided_slice %gather3A_947 {offsets = [0], sizes = [1], strides = [1]} : vector<16xi32> to vector<1xi32>
      %squeeze3A_954 = vector.extract %slice3A_953[0] : i32 from vector<1xi32>
      %slice3A_955 = vector.extract_strided_slice %gather3A_952 {offsets = [0], sizes = [1], strides = [1]} : vector<16xi32> to vector<1xi32>
      %squeeze3A_956 = vector.extract %slice3A_955[0] : i32 from vector<1xi32>
      %broadcast_in_dim3A_957 = arith.constant 0 : i32
      %broadcast_in_dim3A_958 = vector.broadcast %broadcast_in_dim3A_957 : i32 to vector<16xi32>
      %and3A_959 = arith.constant 127 : i32
      %and3A_960 = arith.andi %squeeze3A_954, %and3A_959 : i32
      %add3A_961 = vector.broadcast %and3A_960 : i32 to vector<16xi32>
      %add3A_962 = arith.addi %broadcast_in_dim3A_958, %add3A_961 : vector<16xi32>
      %broadcast_in_dim3A_963 = arith.constant 0 : i32
      %broadcast_in_dim3A_964 = vector.broadcast %broadcast_in_dim3A_963 : i32 to vector<16xi32>
      %and3A_965 = arith.constant 127 : i32
      %and3A_966 = arith.andi %squeeze3A_956, %and3A_965 : i32
      %add3A_967 = vector.broadcast %and3A_966 : i32 to vector<16xi32>
      %add3A_968 = arith.addi %broadcast_in_dim3A_964, %add3A_967 : vector<16xi32>
      %gather3A_969 = tpu.vector_load_idx %arg26[%iota3A, %add3A_962] : memref<32x128xf32, #tpu.memory_space<vmem>>[vector<16xi32>, vector<16xi32>], vector<16xf32>,
      %add3A_970 = arith.constant 16 : i32
      %add3A_971 = vector.broadcast %add3A_970 : i32 to vector<16xi32>
      %add3A_972 = arith.addi %iota3A, %add3A_971 : vector<16xi32>
      %gather3A_973 = tpu.vector_load_idx %arg26[%add3A_972, %add3A_962] : memref<32x128xf32, #tpu.memory_space<vmem>>[vector<16xi32>, vector<16xi32>], vector<16xf32>,
      %gather3A_974 = tpu.vector_load_idx %arg8[%iota3A, %add3A_968] : memref<32x128xf32, #tpu.memory_space<vmem>>[vector<16xi32>, vector<16xi32>], vector<16xf32>,
      %add3A_975 = arith.constant 16 : i32
      %add3A_976 = vector.broadcast %add3A_975 : i32 to vector<16xi32>
      %add3A_977 = arith.addi %iota3A, %add3A_976 : vector<16xi32>
      %gather3A_978 = tpu.vector_load_idx %arg8[%add3A_977, %add3A_968] : memref<32x128xf32, #tpu.memory_space<vmem>>[vector<16xi32>, vector<16xi32>], vector<16xf32>,
      %mul3A_979 = arith.mulf %gather3A_969, %gather3A_974 : vector<16xf32>
      %mul3A_980 = arith.mulf %gather3A_973, %gather3A_978 : vector<16xf32>
      %add3A_981 = arith.addf %mul3A_979, %mul3A_980 : vector<16xf32>
      %reduce_sum3A_982 = arith.constant true
      %reduce_sum3A_983 = vector.broadcast %reduce_sum3A_982 : i1 to vector<16xi1>
      %reduce_sum3A_984 = tpu.scan <sum>, %add3A_981 masked %reduce_sum3A_983 : vector<16xf32>, vector<16xi1> -> vector<16xf32>
      %reduce_sum3A_985 = vector.extract %reduce_sum3A_984[15] : f32 from vector<16xf32>
      %broadcast_in_dim3A_986 = arith.constant 0 : i32
      %broadcast_in_dim3A_987 = vector.broadcast %broadcast_in_dim3A_986 : i32 to vector<16xi32>
      %add3A_988 = vector.broadcast %add3A_930 : i32 to vector<16xi32>
      %add3A_989 = arith.addi %broadcast_in_dim3A_987, %add3A_988 : vector<16xi32>
      %broadcast_in_dim3A_990 = arith.constant 0.000000e+00 : f32
      %broadcast_in_dim3A_991 = vector.broadcast %broadcast_in_dim3A_990 : f32 to vector<16xf32>
      %add3A_992 = vector.broadcast %reduce_sum3A_985 : f32 to vector<16xf32>
      %add3A_993 = arith.addf %broadcast_in_dim3A_991, %add3A_992 : vector<16xf32>
      %eq3A_994 = arith.constant 0 : i32
      %eq3A_995 = vector.broadcast %eq3A_994 : i32 to vector<16xi32>
      %eq3A_996 = arith.cmpi eq, %iota3A, %eq3A_995 : vector<16xi32>
      tpu.vector_store_idx %arg24[%add3A_989], %add3A_993 masked %eq3A_996 : memref<512xf32, #tpu.memory_space<vmem>>[vector<16xi32>], vector<16xf32>, vector<16xi1>
      %add3A_997 = arith.constant 8 : i32
      %add3A_998 = arith.addi %add3A_930, %add3A_997 : i32
      %broadcast_in_dim3A_999 = arith.constant 0 : i32
      %broadcast_in_dim3A_1000 = vector.broadcast %broadcast_in_dim3A_999 : i32 to vector<16xi32>
      %add3A_1001 = vector.broadcast %add3A_998 : i32 to vector<16xi32>
      %add3A_1002 = arith.addi %broadcast_in_dim3A_1000, %add3A_1001 : vector<16xi32>
      %gather3A_1003 = tpu.vector_load_idx %arg33[%add3A_1002] : memref<528xi32, #tpu.memory_space<vmem>>[vector<16xi32>], vector<16xi32>,
      %broadcast_in_dim3A_1004 = arith.constant 0 : i32
      %broadcast_in_dim3A_1005 = vector.broadcast %broadcast_in_dim3A_1004 : i32 to vector<16xi32>
      %add3A_1006 = vector.broadcast %add3A_998 : i32 to vector<16xi32>
      %add3A_1007 = arith.addi %broadcast_in_dim3A_1005, %add3A_1006 : vector<16xi32>
      %gather3A_1008 = tpu.vector_load_idx %arg15[%add3A_1007] : memref<528xi32, #tpu.memory_space<vmem>>[vector<16xi32>], vector<16xi32>,
      %slice3A_1009 = vector.extract_strided_slice %gather3A_1003 {offsets = [0], sizes = [1], strides = [1]} : vector<16xi32> to vector<1xi32>
      %squeeze3A_1010 = vector.extract %slice3A_1009[0] : i32 from vector<1xi32>
      %slice3A_1011 = vector.extract_strided_slice %gather3A_1008 {offsets = [0], sizes = [1], strides = [1]} : vector<16xi32> to vector<1xi32>
      %squeeze3A_1012 = vector.extract %slice3A_1011[0] : i32 from vector<1xi32>
      %shift_right_arithmetic3A_1013 = arith.constant 7 : i32
      %shift_right_arithmetic3A_1014 = arith.shrsi %squeeze3A_1010, %shift_right_arithmetic3A_1013 : i32
      %shift_left3A_1015 = arith.constant 7 : i32
      %shift_left3A_1016 = arith.shli %shift_right_arithmetic3A_1014, %shift_left3A_1015 : i32
      %multiple_of3A_1017 = tpu.assume_multiple %shift_left3A_1016, 128 : i32
      %shift_right_arithmetic3A_1018 = arith.constant 7 : i32
      %shift_right_arithmetic3A_1019 = arith.shrsi %squeeze3A_1012, %shift_right_arithmetic3A_1018 : i32
      %shift_left3A_1020 = arith.constant 7 : i32
      %shift_left3A_1021 = arith.shli %shift_right_arithmetic3A_1019, %shift_left3A_1020 : i32
      %multiple_of3A_1022 = tpu.assume_multiple %shift_left3A_1021, 128 : i32
      %dma_start3A_1023 = arith.constant 0 : i32
      %dma_start3A_1024 = tpu.memref_slice %arg4[%dma_start3A_1023, %multiple_of3A_1017] : memref<32x1000000xf32, #tpu.memory_space<hbm>> -> memref<32x128xf32, #tpu.memory_space<hbm>>
      %dma_start3A_1025 = arith.constant 0 : i32
      %dma_start3A_1026 = tpu.memref_slice %arg4[%dma_start3A_1025, %multiple_of3A_1017] : memref<32x1000000xf32, #tpu.memory_space<hbm>> -> memref<32x128xf32, #tpu.memory_space<hbm>>
      tpu.enqueue_dma source(%dma_start3A_1026 : memref<32x128xf32, #tpu.memory_space<hbm>>) target(%arg26 : memref<32x128xf32, #tpu.memory_space<vmem>>) target_semaphore(%arg35 : memref<!tpu.dma_semaphore, #tpu.memory_space<semaphore_mem>>)
      %dma_start3A_1027 = arith.constant 0 : i32
      %dma_start3A_1028 = tpu.memref_slice %arg5[%dma_start3A_1027, %multiple_of3A_1022] : memref<32x1000000xf32, #tpu.memory_space<hbm>> -> memref<32x128xf32, #tpu.memory_space<hbm>>
      %dma_start3A_1029 = arith.constant 0 : i32
      %dma_start3A_1030 = tpu.memref_slice %arg5[%dma_start3A_1029, %multiple_of3A_1022] : memref<32x1000000xf32, #tpu.memory_space<hbm>> -> memref<32x128xf32, #tpu.memory_space<hbm>>
      tpu.enqueue_dma source(%dma_start3A_1030 : memref<32x128xf32, #tpu.memory_space<hbm>>) target(%arg8 : memref<32x128xf32, #tpu.memory_space<vmem>>) target_semaphore(%arg17 : memref<!tpu.dma_semaphore, #tpu.memory_space<semaphore_mem>>)
      %mul3A_1031 = arith.constant 8 : i32
      %mul3A_1032 = arith.muli %scan3A_821, %mul3A_1031 : i32
      %add3A_1033 = arith.constant 2 : i32
      %add3A_1034 = arith.addi %mul3A_1032, %add3A_1033 : i32
      %dma_wait3A_1035 = arith.constant 0 : i32
      %dma_wait3A_1036 = arith.constant 0 : i32
      %dma_wait3A_1037 = tpu.memref_slice %arg4[%dma_wait3A_1035, %dma_wait3A_1036] : memref<32x1000000xf32, #tpu.memory_space<hbm>> -> memref<32x128xf32, #tpu.memory_space<hbm>>
      %dma_wait3A_1038 = arith.constant 0 : i32
      %dma_wait3A_1039 = arith.constant 0 : i32
      %dma_wait3A_1040 = tpu.memref_slice %arg4[%dma_wait3A_1038, %dma_wait3A_1039] : memref<32x1000000xf32, #tpu.memory_space<hbm>> -> memref<32x128xf32, #tpu.memory_space<hbm>>
      tpu.wait_dma2 semaphore(%arg36 : memref<!tpu.dma_semaphore, #tpu.memory_space<semaphore_mem>>) src(%dma_wait3A_1040 : memref<32x128xf32, #tpu.memory_space<hbm>>) dst(%arg27 : memref<32x128xf32, #tpu.memory_space<vmem>>)
      %dma_wait3A_1041 = arith.constant 0 : i32
      %dma_wait3A_1042 = arith.constant 0 : i32
      %dma_wait3A_1043 = tpu.memref_slice %arg5[%dma_wait3A_1041, %dma_wait3A_1042] : memref<32x1000000xf32, #tpu.memory_space<hbm>> -> memref<32x128xf32, #tpu.memory_space<hbm>>
      %dma_wait3A_1044 = arith.constant 0 : i32
      %dma_wait3A_1045 = arith.constant 0 : i32
      %dma_wait3A_1046 = tpu.memref_slice %arg5[%dma_wait3A_1044, %dma_wait3A_1045] : memref<32x1000000xf32, #tpu.memory_space<hbm>> -> memref<32x128xf32, #tpu.memory_space<hbm>>
      tpu.wait_dma2 semaphore(%arg18 : memref<!tpu.dma_semaphore, #tpu.memory_space<semaphore_mem>>) src(%dma_wait3A_1046 : memref<32x128xf32, #tpu.memory_space<hbm>>) dst(%arg9 : memref<32x128xf32, #tpu.memory_space<vmem>>)
      %broadcast_in_dim3A_1047 = arith.constant 0 : i32
      %broadcast_in_dim3A_1048 = vector.broadcast %broadcast_in_dim3A_1047 : i32 to vector<16xi32>
      %add3A_1049 = vector.broadcast %add3A_1034 : i32 to vector<16xi32>
      %add3A_1050 = arith.addi %broadcast_in_dim3A_1048, %add3A_1049 : vector<16xi32>
      %gather3A_1051 = tpu.vector_load_idx %arg33[%add3A_1050] : memref<528xi32, #tpu.memory_space<vmem>>[vector<16xi32>], vector<16xi32>,
      %broadcast_in_dim3A_1052 = arith.constant 0 : i32
      %broadcast_in_dim3A_1053 = vector.broadcast %broadcast_in_dim3A_1052 : i32 to vector<16xi32>
      %add3A_1054 = vector.broadcast %add3A_1034 : i32 to vector<16xi32>
      %add3A_1055 = arith.addi %broadcast_in_dim3A_1053, %add3A_1054 : vector<16xi32>
      %gather3A_1056 = tpu.vector_load_idx %arg15[%add3A_1055] : memref<528xi32, #tpu.memory_space<vmem>>[vector<16xi32>], vector<16xi32>,
      %slice3A_1057 = vector.extract_strided_slice %gather3A_1051 {offsets = [0], sizes = [1], strides = [1]} : vector<16xi32> to vector<1xi32>
      %squeeze3A_1058 = vector.extract %slice3A_1057[0] : i32 from vector<1xi32>
      %slice3A_1059 = vector.extract_strided_slice %gather3A_1056 {offsets = [0], sizes = [1], strides = [1]} : vector<16xi32> to vector<1xi32>
      %squeeze3A_1060 = vector.extract %slice3A_1059[0] : i32 from vector<1xi32>
      %broadcast_in_dim3A_1061 = arith.constant 0 : i32
      %broadcast_in_dim3A_1062 = vector.broadcast %broadcast_in_dim3A_1061 : i32 to vector<16xi32>
      %and3A_1063 = arith.constant 127 : i32
      %and3A_1064 = arith.andi %squeeze3A_1058, %and3A_1063 : i32
      %add3A_1065 = vector.broadcast %and3A_1064 : i32 to vector<16xi32>
      %add3A_1066 = arith.addi %broadcast_in_dim3A_1062, %add3A_1065 : vector<16xi32>
      %broadcast_in_dim3A_1067 = arith.constant 0 : i32
      %broadcast_in_dim3A_1068 = vector.broadcast %broadcast_in_dim3A_1067 : i32 to vector<16xi32>
      %and3A_1069 = arith.constant 127 : i32
      %and3A_1070 = arith.andi %squeeze3A_1060, %and3A_1069 : i32
      %add3A_1071 = vector.broadcast %and3A_1070 : i32 to vector<16xi32>
      %add3A_1072 = arith.addi %broadcast_in_dim3A_1068, %add3A_1071 : vector<16xi32>
      %gather3A_1073 = tpu.vector_load_idx %arg27[%iota3A, %add3A_1066] : memref<32x128xf32, #tpu.memory_space<vmem>>[vector<16xi32>, vector<16xi32>], vector<16xf32>,
      %add3A_1074 = arith.constant 16 : i32
      %add3A_1075 = vector.broadcast %add3A_1074 : i32 to vector<16xi32>
      %add3A_1076 = arith.addi %iota3A, %add3A_1075 : vector<16xi32>
      %gather3A_1077 = tpu.vector_load_idx %arg27[%add3A_1076, %add3A_1066] : memref<32x128xf32, #tpu.memory_space<vmem>>[vector<16xi32>, vector<16xi32>], vector<16xf32>,
      %gather3A_1078 = tpu.vector_load_idx %arg9[%iota3A, %add3A_1072] : memref<32x128xf32, #tpu.memory_space<vmem>>[vector<16xi32>, vector<16xi32>], vector<16xf32>,
      %add3A_1079 = arith.constant 16 : i32
      %add3A_1080 = vector.broadcast %add3A_1079 : i32 to vector<16xi32>
      %add3A_1081 = arith.addi %iota3A, %add3A_1080 : vector<16xi32>
      %gather3A_1082 = tpu.vector_load_idx %arg9[%add3A_1081, %add3A_1072] : memref<32x128xf32, #tpu.memory_space<vmem>>[vector<16xi32>, vector<16xi32>], vector<16xf32>,
      %mul3A_1083 = arith.mulf %gather3A_1073, %gather3A_1078 : vector<16xf32>
      %mul3A_1084 = arith.mulf %gather3A_1077, %gather3A_1082 : vector<16xf32>
      %add3A_1085 = arith.addf %mul3A_1083, %mul3A_1084 : vector<16xf32>
      %reduce_sum3A_1086 = arith.constant true
      %reduce_sum3A_1087 = vector.broadcast %reduce_sum3A_1086 : i1 to vector<16xi1>
      %reduce_sum3A_1088 = tpu.scan <sum>, %add3A_1085 masked %reduce_sum3A_1087 : vector<16xf32>, vector<16xi1> -> vector<16xf32>
      %reduce_sum3A_1089 = vector.extract %reduce_sum3A_1088[15] : f32 from vector<16xf32>
      %broadcast_in_dim3A_1090 = arith.constant 0 : i32
      %broadcast_in_dim3A_1091 = vector.broadcast %broadcast_in_dim3A_1090 : i32 to vector<16xi32>
      %add3A_1092 = vector.broadcast %add3A_1034 : i32 to vector<16xi32>
      %add3A_1093 = arith.addi %broadcast_in_dim3A_1091, %add3A_1092 : vector<16xi32>
      %broadcast_in_dim3A_1094 = arith.constant 0.000000e+00 : f32
      %broadcast_in_dim3A_1095 = vector.broadcast %broadcast_in_dim3A_1094 : f32 to vector<16xf32>
      %add3A_1096 = vector.broadcast %reduce_sum3A_1089 : f32 to vector<16xf32>
      %add3A_1097 = arith.addf %broadcast_in_dim3A_1095, %add3A_1096 : vector<16xf32>
      %eq3A_1098 = arith.constant 0 : i32
      %eq3A_1099 = vector.broadcast %eq3A_1098 : i32 to vector<16xi32>
      %eq3A_1100 = arith.cmpi eq, %iota3A, %eq3A_1099 : vector<16xi32>
      tpu.vector_store_idx %arg24[%add3A_1093], %add3A_1097 masked %eq3A_1100 : memref<512xf32, #tpu.memory_space<vmem>>[vector<16xi32>], vector<16xf32>, vector<16xi1>
      %add3A_1101 = arith.constant 8 : i32
      %add3A_1102 = arith.addi %add3A_1034, %add3A_1101 : i32
      %broadcast_in_dim3A_1103 = arith.constant 0 : i32
      %broadcast_in_dim3A_1104 = vector.broadcast %broadcast_in_dim3A_1103 : i32 to vector<16xi32>
      %add3A_1105 = vector.broadcast %add3A_1102 : i32 to vector<16xi32>
      %add3A_1106 = arith.addi %broadcast_in_dim3A_1104, %add3A_1105 : vector<16xi32>
      %gather3A_1107 = tpu.vector_load_idx %arg33[%add3A_1106] : memref<528xi32, #tpu.memory_space<vmem>>[vector<16xi32>], vector<16xi32>,
      %broadcast_in_dim3A_1108 = arith.constant 0 : i32
      %broadcast_in_dim3A_1109 = vector.broadcast %broadcast_in_dim3A_1108 : i32 to vector<16xi32>
      %add3A_1110 = vector.broadcast %add3A_1102 : i32 to vector<16xi32>
      %add3A_1111 = arith.addi %broadcast_in_dim3A_1109, %add3A_1110 : vector<16xi32>
      %gather3A_1112 = tpu.vector_load_idx %arg15[%add3A_1111] : memref<528xi32, #tpu.memory_space<vmem>>[vector<16xi32>], vector<16xi32>,
      %slice3A_1113 = vector.extract_strided_slice %gather3A_1107 {offsets = [0], sizes = [1], strides = [1]} : vector<16xi32> to vector<1xi32>
      %squeeze3A_1114 = vector.extract %slice3A_1113[0] : i32 from vector<1xi32>
      %slice3A_1115 = vector.extract_strided_slice %gather3A_1112 {offsets = [0], sizes = [1], strides = [1]} : vector<16xi32> to vector<1xi32>
      %squeeze3A_1116 = vector.extract %slice3A_1115[0] : i32 from vector<1xi32>
      %shift_right_arithmetic3A_1117 = arith.constant 7 : i32
      %shift_right_arithmetic3A_1118 = arith.shrsi %squeeze3A_1114, %shift_right_arithmetic3A_1117 : i32
      %shift_left3A_1119 = arith.constant 7 : i32
      %shift_left3A_1120 = arith.shli %shift_right_arithmetic3A_1118, %shift_left3A_1119 : i32
      %multiple_of3A_1121 = tpu.assume_multiple %shift_left3A_1120, 128 : i32
      %shift_right_arithmetic3A_1122 = arith.constant 7 : i32
      %shift_right_arithmetic3A_1123 = arith.shrsi %squeeze3A_1116, %shift_right_arithmetic3A_1122 : i32
      %shift_left3A_1124 = arith.constant 7 : i32
      %shift_left3A_1125 = arith.shli %shift_right_arithmetic3A_1123, %shift_left3A_1124 : i32
      %multiple_of3A_1126 = tpu.assume_multiple %shift_left3A_1125, 128 : i32
      %dma_start3A_1127 = arith.constant 0 : i32
      %dma_start3A_1128 = tpu.memref_slice %arg4[%dma_start3A_1127, %multiple_of3A_1121] : memref<32x1000000xf32, #tpu.memory_space<hbm>> -> memref<32x128xf32, #tpu.memory_space<hbm>>
      %dma_start3A_1129 = arith.constant 0 : i32
      %dma_start3A_1130 = tpu.memref_slice %arg4[%dma_start3A_1129, %multiple_of3A_1121] : memref<32x1000000xf32, #tpu.memory_space<hbm>> -> memref<32x128xf32, #tpu.memory_space<hbm>>
      tpu.enqueue_dma source(%dma_start3A_1130 : memref<32x128xf32, #tpu.memory_space<hbm>>) target(%arg27 : memref<32x128xf32, #tpu.memory_space<vmem>>) target_semaphore(%arg36 : memref<!tpu.dma_semaphore, #tpu.memory_space<semaphore_mem>>)
      %dma_start3A_1131 = arith.constant 0 : i32
      %dma_start3A_1132 = tpu.memref_slice %arg5[%dma_start3A_1131, %multiple_of3A_1126] : memref<32x1000000xf32, #tpu.memory_space<hbm>> -> memref<32x128xf32, #tpu.memory_space<hbm>>
      %dma_start3A_1133 = arith.constant 0 : i32
      %dma_start3A_1134 = tpu.memref_slice %arg5[%dma_start3A_1133, %multiple_of3A_1126] : memref<32x1000000xf32, #tpu.memory_space<hbm>> -> memref<32x128xf32, #tpu.memory_space<hbm>>
      tpu.enqueue_dma source(%dma_start3A_1134 : memref<32x128xf32, #tpu.memory_space<hbm>>) target(%arg9 : memref<32x128xf32, #tpu.memory_space<vmem>>) target_semaphore(%arg18 : memref<!tpu.dma_semaphore, #tpu.memory_space<semaphore_mem>>)
      %mul3A_1135 = arith.constant 8 : i32
      %mul3A_1136 = arith.muli %scan3A_821, %mul3A_1135 : i32
      %add3A_1137 = arith.constant 3 : i32
      %add3A_1138 = arith.addi %mul3A_1136, %add3A_1137 : i32
      %dma_wait3A_1139 = arith.constant 0 : i32
      %dma_wait3A_1140 = arith.constant 0 : i32
      %dma_wait3A_1141 = tpu.memref_slice %arg4[%dma_wait3A_1139, %dma_wait3A_1140] : memref<32x1000000xf32, #tpu.memory_space<hbm>> -> memref<32x128xf32, #tpu.memory_space<hbm>>
      %dma_wait3A_1142 = arith.constant 0 : i32
      %dma_wait3A_1143 = arith.constant 0 : i32
      %dma_wait3A_1144 = tpu.memref_slice %arg4[%dma_wait3A_1142, %dma_wait3A_1143] : memref<32x1000000xf32, #tpu.memory_space<hbm>> -> memref<32x128xf32, #tpu.memory_space<hbm>>
      tpu.wait_dma2 semaphore(%arg37 : memref<!tpu.dma_semaphore, #tpu.memory_space<semaphore_mem>>) src(%dma_wait3A_1144 : memref<32x128xf32, #tpu.memory_space<hbm>>) dst(%arg28 : memref<32x128xf32, #tpu.memory_space<vmem>>)
      %dma_wait3A_1145 = arith.constant 0 : i32
      %dma_wait3A_1146 = arith.constant 0 : i32
      %dma_wait3A_1147 = tpu.memref_slice %arg5[%dma_wait3A_1145, %dma_wait3A_1146] : memref<32x1000000xf32, #tpu.memory_space<hbm>> -> memref<32x128xf32, #tpu.memory_space<hbm>>
      %dma_wait3A_1148 = arith.constant 0 : i32
      %dma_wait3A_1149 = arith.constant 0 : i32
      %dma_wait3A_1150 = tpu.memref_slice %arg5[%dma_wait3A_1148, %dma_wait3A_1149] : memref<32x1000000xf32, #tpu.memory_space<hbm>> -> memref<32x128xf32, #tpu.memory_space<hbm>>
      tpu.wait_dma2 semaphore(%arg19 : memref<!tpu.dma_semaphore, #tpu.memory_space<semaphore_mem>>) src(%dma_wait3A_1150 : memref<32x128xf32, #tpu.memory_space<hbm>>) dst(%arg10 : memref<32x128xf32, #tpu.memory_space<vmem>>)
      %broadcast_in_dim3A_1151 = arith.constant 0 : i32
      %broadcast_in_dim3A_1152 = vector.broadcast %broadcast_in_dim3A_1151 : i32 to vector<16xi32>
      %add3A_1153 = vector.broadcast %add3A_1138 : i32 to vector<16xi32>
      %add3A_1154 = arith.addi %broadcast_in_dim3A_1152, %add3A_1153 : vector<16xi32>
      %gather3A_1155 = tpu.vector_load_idx %arg33[%add3A_1154] : memref<528xi32, #tpu.memory_space<vmem>>[vector<16xi32>], vector<16xi32>,
      %broadcast_in_dim3A_1156 = arith.constant 0 : i32
      %broadcast_in_dim3A_1157 = vector.broadcast %broadcast_in_dim3A_1156 : i32 to vector<16xi32>
      %add3A_1158 = vector.broadcast %add3A_1138 : i32 to vector<16xi32>
      %add3A_1159 = arith.addi %broadcast_in_dim3A_1157, %add3A_1158 : vector<16xi32>
      %gather3A_1160 = tpu.vector_load_idx %arg15[%add3A_1159] : memref<528xi32, #tpu.memory_space<vmem>>[vector<16xi32>], vector<16xi32>,
      %slice3A_1161 = vector.extract_strided_slice %gather3A_1155 {offsets = [0], sizes = [1], strides = [1]} : vector<16xi32> to vector<1xi32>
      %squeeze3A_1162 = vector.extract %slice3A_1161[0] : i32 from vector<1xi32>
      %slice3A_1163 = vector.extract_strided_slice %gather3A_1160 {offsets = [0], sizes = [1], strides = [1]} : vector<16xi32> to vector<1xi32>
      %squeeze3A_1164 = vector.extract %slice3A_1163[0] : i32 from vector<1xi32>
      %broadcast_in_dim3A_1165 = arith.constant 0 : i32
      %broadcast_in_dim3A_1166 = vector.broadcast %broadcast_in_dim3A_1165 : i32 to vector<16xi32>
      %and3A_1167 = arith.constant 127 : i32
      %and3A_1168 = arith.andi %squeeze3A_1162, %and3A_1167 : i32
      %add3A_1169 = vector.broadcast %and3A_1168 : i32 to vector<16xi32>
      %add3A_1170 = arith.addi %broadcast_in_dim3A_1166, %add3A_1169 : vector<16xi32>
      %broadcast_in_dim3A_1171 = arith.constant 0 : i32
      %broadcast_in_dim3A_1172 = vector.broadcast %broadcast_in_dim3A_1171 : i32 to vector<16xi32>
      %and3A_1173 = arith.constant 127 : i32
      %and3A_1174 = arith.andi %squeeze3A_1164, %and3A_1173 : i32
      %add3A_1175 = vector.broadcast %and3A_1174 : i32 to vector<16xi32>
      %add3A_1176 = arith.addi %broadcast_in_dim3A_1172, %add3A_1175 : vector<16xi32>
      %gather3A_1177 = tpu.vector_load_idx %arg28[%iota3A, %add3A_1170] : memref<32x128xf32, #tpu.memory_space<vmem>>[vector<16xi32>, vector<16xi32>], vector<16xf32>,
      %add3A_1178 = arith.constant 16 : i32
      %add3A_1179 = vector.broadcast %add3A_1178 : i32 to vector<16xi32>
      %add3A_1180 = arith.addi %iota3A, %add3A_1179 : vector<16xi32>
      %gather3A_1181 = tpu.vector_load_idx %arg28[%add3A_1180, %add3A_1170] : memref<32x128xf32, #tpu.memory_space<vmem>>[vector<16xi32>, vector<16xi32>], vector<16xf32>,
      %gather3A_1182 = tpu.vector_load_idx %arg10[%iota3A, %add3A_1176] : memref<32x128xf32, #tpu.memory_space<vmem>>[vector<16xi32>, vector<16xi32>], vector<16xf32>,
      %add3A_1183 = arith.constant 16 : i32
      %add3A_1184 = vector.broadcast %add3A_1183 : i32 to vector<16xi32>
      %add3A_1185 = arith.addi %iota3A, %add3A_1184 : vector<16xi32>
      %gather3A_1186 = tpu.vector_load_idx %arg10[%add3A_1185, %add3A_1176] : memref<32x128xf32, #tpu.memory_space<vmem>>[vector<16xi32>, vector<16xi32>], vector<16xf32>,
      %mul3A_1187 = arith.mulf %gather3A_1177, %gather3A_1182 : vector<16xf32>
      %mul3A_1188 = arith.mulf %gather3A_1181, %gather3A_1186 : vector<16xf32>
      %add3A_1189 = arith.addf %mul3A_1187, %mul3A_1188 : vector<16xf32>
      %reduce_sum3A_1190 = arith.constant true
      %reduce_sum3A_1191 = vector.broadcast %reduce_sum3A_1190 : i1 to vector<16xi1>
      %reduce_sum3A_1192 = tpu.scan <sum>, %add3A_1189 masked %reduce_sum3A_1191 : vector<16xf32>, vector<16xi1> -> vector<16xf32>
      %reduce_sum3A_1193 = vector.extract %reduce_sum3A_1192[15] : f32 from vector<16xf32>
      %broadcast_in_dim3A_1194 = arith.constant 0 : i32
      %broadcast_in_dim3A_1195 = vector.broadcast %broadcast_in_dim3A_1194 : i32 to vector<16xi32>
      %add3A_1196 = vector.broadcast %add3A_1138 : i32 to vector<16xi32>
      %add3A_1197 = arith.addi %broadcast_in_dim3A_1195, %add3A_1196 : vector<16xi32>
      %broadcast_in_dim3A_1198 = arith.constant 0.000000e+00 : f32
      %broadcast_in_dim3A_1199 = vector.broadcast %broadcast_in_dim3A_1198 : f32 to vector<16xf32>
      %add3A_1200 = vector.broadcast %reduce_sum3A_1193 : f32 to vector<16xf32>
      %add3A_1201 = arith.addf %broadcast_in_dim3A_1199, %add3A_1200 : vector<16xf32>
      %eq3A_1202 = arith.constant 0 : i32
      %eq3A_1203 = vector.broadcast %eq3A_1202 : i32 to vector<16xi32>
      %eq3A_1204 = arith.cmpi eq, %iota3A, %eq3A_1203 : vector<16xi32>
      tpu.vector_store_idx %arg24[%add3A_1197], %add3A_1201 masked %eq3A_1204 : memref<512xf32, #tpu.memory_space<vmem>>[vector<16xi32>], vector<16xf32>, vector<16xi1>
      %add3A_1205 = arith.constant 8 : i32
      %add3A_1206 = arith.addi %add3A_1138, %add3A_1205 : i32
      %broadcast_in_dim3A_1207 = arith.constant 0 : i32
      %broadcast_in_dim3A_1208 = vector.broadcast %broadcast_in_dim3A_1207 : i32 to vector<16xi32>
      %add3A_1209 = vector.broadcast %add3A_1206 : i32 to vector<16xi32>
      %add3A_1210 = arith.addi %broadcast_in_dim3A_1208, %add3A_1209 : vector<16xi32>
      %gather3A_1211 = tpu.vector_load_idx %arg33[%add3A_1210] : memref<528xi32, #tpu.memory_space<vmem>>[vector<16xi32>], vector<16xi32>,
      %broadcast_in_dim3A_1212 = arith.constant 0 : i32
      %broadcast_in_dim3A_1213 = vector.broadcast %broadcast_in_dim3A_1212 : i32 to vector<16xi32>
      %add3A_1214 = vector.broadcast %add3A_1206 : i32 to vector<16xi32>
      %add3A_1215 = arith.addi %broadcast_in_dim3A_1213, %add3A_1214 : vector<16xi32>
      %gather3A_1216 = tpu.vector_load_idx %arg15[%add3A_1215] : memref<528xi32, #tpu.memory_space<vmem>>[vector<16xi32>], vector<16xi32>,
      %slice3A_1217 = vector.extract_strided_slice %gather3A_1211 {offsets = [0], sizes = [1], strides = [1]} : vector<16xi32> to vector<1xi32>
      %squeeze3A_1218 = vector.extract %slice3A_1217[0] : i32 from vector<1xi32>
      %slice3A_1219 = vector.extract_strided_slice %gather3A_1216 {offsets = [0], sizes = [1], strides = [1]} : vector<16xi32> to vector<1xi32>
      %squeeze3A_1220 = vector.extract %slice3A_1219[0] : i32 from vector<1xi32>
      %shift_right_arithmetic3A_1221 = arith.constant 7 : i32
      %shift_right_arithmetic3A_1222 = arith.shrsi %squeeze3A_1218, %shift_right_arithmetic3A_1221 : i32
      %shift_left3A_1223 = arith.constant 7 : i32
      %shift_left3A_1224 = arith.shli %shift_right_arithmetic3A_1222, %shift_left3A_1223 : i32
      %multiple_of3A_1225 = tpu.assume_multiple %shift_left3A_1224, 128 : i32
      %shift_right_arithmetic3A_1226 = arith.constant 7 : i32
      %shift_right_arithmetic3A_1227 = arith.shrsi %squeeze3A_1220, %shift_right_arithmetic3A_1226 : i32
      %shift_left3A_1228 = arith.constant 7 : i32
      %shift_left3A_1229 = arith.shli %shift_right_arithmetic3A_1227, %shift_left3A_1228 : i32
      %multiple_of3A_1230 = tpu.assume_multiple %shift_left3A_1229, 128 : i32
      %dma_start3A_1231 = arith.constant 0 : i32
      %dma_start3A_1232 = tpu.memref_slice %arg4[%dma_start3A_1231, %multiple_of3A_1225] : memref<32x1000000xf32, #tpu.memory_space<hbm>> -> memref<32x128xf32, #tpu.memory_space<hbm>>
      %dma_start3A_1233 = arith.constant 0 : i32
      %dma_start3A_1234 = tpu.memref_slice %arg4[%dma_start3A_1233, %multiple_of3A_1225] : memref<32x1000000xf32, #tpu.memory_space<hbm>> -> memref<32x128xf32, #tpu.memory_space<hbm>>
      tpu.enqueue_dma source(%dma_start3A_1234 : memref<32x128xf32, #tpu.memory_space<hbm>>) target(%arg28 : memref<32x128xf32, #tpu.memory_space<vmem>>) target_semaphore(%arg37 : memref<!tpu.dma_semaphore, #tpu.memory_space<semaphore_mem>>)
      %dma_start3A_1235 = arith.constant 0 : i32
      %dma_start3A_1236 = tpu.memref_slice %arg5[%dma_start3A_1235, %multiple_of3A_1230] : memref<32x1000000xf32, #tpu.memory_space<hbm>> -> memref<32x128xf32, #tpu.memory_space<hbm>>
      %dma_start3A_1237 = arith.constant 0 : i32
      %dma_start3A_1238 = tpu.memref_slice %arg5[%dma_start3A_1237, %multiple_of3A_1230] : memref<32x1000000xf32, #tpu.memory_space<hbm>> -> memref<32x128xf32, #tpu.memory_space<hbm>>
      tpu.enqueue_dma source(%dma_start3A_1238 : memref<32x128xf32, #tpu.memory_space<hbm>>) target(%arg10 : memref<32x128xf32, #tpu.memory_space<vmem>>) target_semaphore(%arg19 : memref<!tpu.dma_semaphore, #tpu.memory_space<semaphore_mem>>)
      %mul3A_1239 = arith.constant 8 : i32
      %mul3A_1240 = arith.muli %scan3A_821, %mul3A_1239 : i32
      %add3A_1241 = arith.constant 4 : i32
      %add3A_1242 = arith.addi %mul3A_1240, %add3A_1241 : i32
      %dma_wait3A_1243 = arith.constant 0 : i32
      %dma_wait3A_1244 = arith.constant 0 : i32
      %dma_wait3A_1245 = tpu.memref_slice %arg4[%dma_wait3A_1243, %dma_wait3A_1244] : memref<32x1000000xf32, #tpu.memory_space<hbm>> -> memref<32x128xf32, #tpu.memory_space<hbm>>
      %dma_wait3A_1246 = arith.constant 0 : i32
      %dma_wait3A_1247 = arith.constant 0 : i32
      %dma_wait3A_1248 = tpu.memref_slice %arg4[%dma_wait3A_1246, %dma_wait3A_1247] : memref<32x1000000xf32, #tpu.memory_space<hbm>> -> memref<32x128xf32, #tpu.memory_space<hbm>>
      tpu.wait_dma2 semaphore(%arg38 : memref<!tpu.dma_semaphore, #tpu.memory_space<semaphore_mem>>) src(%dma_wait3A_1248 : memref<32x128xf32, #tpu.memory_space<hbm>>) dst(%arg29 : memref<32x128xf32, #tpu.memory_space<vmem>>)
      %dma_wait3A_1249 = arith.constant 0 : i32
      %dma_wait3A_1250 = arith.constant 0 : i32
      %dma_wait3A_1251 = tpu.memref_slice %arg5[%dma_wait3A_1249, %dma_wait3A_1250] : memref<32x1000000xf32, #tpu.memory_space<hbm>> -> memref<32x128xf32, #tpu.memory_space<hbm>>
      %dma_wait3A_1252 = arith.constant 0 : i32
      %dma_wait3A_1253 = arith.constant 0 : i32
      %dma_wait3A_1254 = tpu.memref_slice %arg5[%dma_wait3A_1252, %dma_wait3A_1253] : memref<32x1000000xf32, #tpu.memory_space<hbm>> -> memref<32x128xf32, #tpu.memory_space<hbm>>
      tpu.wait_dma2 semaphore(%arg20 : memref<!tpu.dma_semaphore, #tpu.memory_space<semaphore_mem>>) src(%dma_wait3A_1254 : memref<32x128xf32, #tpu.memory_space<hbm>>) dst(%arg11 : memref<32x128xf32, #tpu.memory_space<vmem>>)
      %broadcast_in_dim3A_1255 = arith.constant 0 : i32
      %broadcast_in_dim3A_1256 = vector.broadcast %broadcast_in_dim3A_1255 : i32 to vector<16xi32>
      %add3A_1257 = vector.broadcast %add3A_1242 : i32 to vector<16xi32>
      %add3A_1258 = arith.addi %broadcast_in_dim3A_1256, %add3A_1257 : vector<16xi32>
      %gather3A_1259 = tpu.vector_load_idx %arg33[%add3A_1258] : memref<528xi32, #tpu.memory_space<vmem>>[vector<16xi32>], vector<16xi32>,
      %broadcast_in_dim3A_1260 = arith.constant 0 : i32
      %broadcast_in_dim3A_1261 = vector.broadcast %broadcast_in_dim3A_1260 : i32 to vector<16xi32>
      %add3A_1262 = vector.broadcast %add3A_1242 : i32 to vector<16xi32>
      %add3A_1263 = arith.addi %broadcast_in_dim3A_1261, %add3A_1262 : vector<16xi32>
      %gather3A_1264 = tpu.vector_load_idx %arg15[%add3A_1263] : memref<528xi32, #tpu.memory_space<vmem>>[vector<16xi32>], vector<16xi32>,
      %slice3A_1265 = vector.extract_strided_slice %gather3A_1259 {offsets = [0], sizes = [1], strides = [1]} : vector<16xi32> to vector<1xi32>
      %squeeze3A_1266 = vector.extract %slice3A_1265[0] : i32 from vector<1xi32>
      %slice3A_1267 = vector.extract_strided_slice %gather3A_1264 {offsets = [0], sizes = [1], strides = [1]} : vector<16xi32> to vector<1xi32>
      %squeeze3A_1268 = vector.extract %slice3A_1267[0] : i32 from vector<1xi32>
      %broadcast_in_dim3A_1269 = arith.constant 0 : i32
      %broadcast_in_dim3A_1270 = vector.broadcast %broadcast_in_dim3A_1269 : i32 to vector<16xi32>
      %and3A_1271 = arith.constant 127 : i32
      %and3A_1272 = arith.andi %squeeze3A_1266, %and3A_1271 : i32
      %add3A_1273 = vector.broadcast %and3A_1272 : i32 to vector<16xi32>
      %add3A_1274 = arith.addi %broadcast_in_dim3A_1270, %add3A_1273 : vector<16xi32>
      %broadcast_in_dim3A_1275 = arith.constant 0 : i32
      %broadcast_in_dim3A_1276 = vector.broadcast %broadcast_in_dim3A_1275 : i32 to vector<16xi32>
      %and3A_1277 = arith.constant 127 : i32
      %and3A_1278 = arith.andi %squeeze3A_1268, %and3A_1277 : i32
      %add3A_1279 = vector.broadcast %and3A_1278 : i32 to vector<16xi32>
      %add3A_1280 = arith.addi %broadcast_in_dim3A_1276, %add3A_1279 : vector<16xi32>
      %gather3A_1281 = tpu.vector_load_idx %arg29[%iota3A, %add3A_1274] : memref<32x128xf32, #tpu.memory_space<vmem>>[vector<16xi32>, vector<16xi32>], vector<16xf32>,
      %add3A_1282 = arith.constant 16 : i32
      %add3A_1283 = vector.broadcast %add3A_1282 : i32 to vector<16xi32>
      %add3A_1284 = arith.addi %iota3A, %add3A_1283 : vector<16xi32>
      %gather3A_1285 = tpu.vector_load_idx %arg29[%add3A_1284, %add3A_1274] : memref<32x128xf32, #tpu.memory_space<vmem>>[vector<16xi32>, vector<16xi32>], vector<16xf32>,
      %gather3A_1286 = tpu.vector_load_idx %arg11[%iota3A, %add3A_1280] : memref<32x128xf32, #tpu.memory_space<vmem>>[vector<16xi32>, vector<16xi32>], vector<16xf32>,
      %add3A_1287 = arith.constant 16 : i32
      %add3A_1288 = vector.broadcast %add3A_1287 : i32 to vector<16xi32>
      %add3A_1289 = arith.addi %iota3A, %add3A_1288 : vector<16xi32>
      %gather3A_1290 = tpu.vector_load_idx %arg11[%add3A_1289, %add3A_1280] : memref<32x128xf32, #tpu.memory_space<vmem>>[vector<16xi32>, vector<16xi32>], vector<16xf32>,
      %mul3A_1291 = arith.mulf %gather3A_1281, %gather3A_1286 : vector<16xf32>
      %mul3A_1292 = arith.mulf %gather3A_1285, %gather3A_1290 : vector<16xf32>
      %add3A_1293 = arith.addf %mul3A_1291, %mul3A_1292 : vector<16xf32>
      %reduce_sum3A_1294 = arith.constant true
      %reduce_sum3A_1295 = vector.broadcast %reduce_sum3A_1294 : i1 to vector<16xi1>
      %reduce_sum3A_1296 = tpu.scan <sum>, %add3A_1293 masked %reduce_sum3A_1295 : vector<16xf32>, vector<16xi1> -> vector<16xf32>
      %reduce_sum3A_1297 = vector.extract %reduce_sum3A_1296[15] : f32 from vector<16xf32>
      %broadcast_in_dim3A_1298 = arith.constant 0 : i32
      %broadcast_in_dim3A_1299 = vector.broadcast %broadcast_in_dim3A_1298 : i32 to vector<16xi32>
      %add3A_1300 = vector.broadcast %add3A_1242 : i32 to vector<16xi32>
      %add3A_1301 = arith.addi %broadcast_in_dim3A_1299, %add3A_1300 : vector<16xi32>
      %broadcast_in_dim3A_1302 = arith.constant 0.000000e+00 : f32
      %broadcast_in_dim3A_1303 = vector.broadcast %broadcast_in_dim3A_1302 : f32 to vector<16xf32>
      %add3A_1304 = vector.broadcast %reduce_sum3A_1297 : f32 to vector<16xf32>
      %add3A_1305 = arith.addf %broadcast_in_dim3A_1303, %add3A_1304 : vector<16xf32>
      %eq3A_1306 = arith.constant 0 : i32
      %eq3A_1307 = vector.broadcast %eq3A_1306 : i32 to vector<16xi32>
      %eq3A_1308 = arith.cmpi eq, %iota3A, %eq3A_1307 : vector<16xi32>
      tpu.vector_store_idx %arg24[%add3A_1301], %add3A_1305 masked %eq3A_1308 : memref<512xf32, #tpu.memory_space<vmem>>[vector<16xi32>], vector<16xf32>, vector<16xi1>
      %add3A_1309 = arith.constant 8 : i32
      %add3A_1310 = arith.addi %add3A_1242, %add3A_1309 : i32
      %broadcast_in_dim3A_1311 = arith.constant 0 : i32
      %broadcast_in_dim3A_1312 = vector.broadcast %broadcast_in_dim3A_1311 : i32 to vector<16xi32>
      %add3A_1313 = vector.broadcast %add3A_1310 : i32 to vector<16xi32>
      %add3A_1314 = arith.addi %broadcast_in_dim3A_1312, %add3A_1313 : vector<16xi32>
      %gather3A_1315 = tpu.vector_load_idx %arg33[%add3A_1314] : memref<528xi32, #tpu.memory_space<vmem>>[vector<16xi32>], vector<16xi32>,
      %broadcast_in_dim3A_1316 = arith.constant 0 : i32
      %broadcast_in_dim3A_1317 = vector.broadcast %broadcast_in_dim3A_1316 : i32 to vector<16xi32>
      %add3A_1318 = vector.broadcast %add3A_1310 : i32 to vector<16xi32>
      %add3A_1319 = arith.addi %broadcast_in_dim3A_1317, %add3A_1318 : vector<16xi32>
      %gather3A_1320 = tpu.vector_load_idx %arg15[%add3A_1319] : memref<528xi32, #tpu.memory_space<vmem>>[vector<16xi32>], vector<16xi32>,
      %slice3A_1321 = vector.extract_strided_slice %gather3A_1315 {offsets = [0], sizes = [1], strides = [1]} : vector<16xi32> to vector<1xi32>
      %squeeze3A_1322 = vector.extract %slice3A_1321[0] : i32 from vector<1xi32>
      %slice3A_1323 = vector.extract_strided_slice %gather3A_1320 {offsets = [0], sizes = [1], strides = [1]} : vector<16xi32> to vector<1xi32>
      %squeeze3A_1324 = vector.extract %slice3A_1323[0] : i32 from vector<1xi32>
      %shift_right_arithmetic3A_1325 = arith.constant 7 : i32
      %shift_right_arithmetic3A_1326 = arith.shrsi %squeeze3A_1322, %shift_right_arithmetic3A_1325 : i32
      %shift_left3A_1327 = arith.constant 7 : i32
      %shift_left3A_1328 = arith.shli %shift_right_arithmetic3A_1326, %shift_left3A_1327 : i32
      %multiple_of3A_1329 = tpu.assume_multiple %shift_left3A_1328, 128 : i32
      %shift_right_arithmetic3A_1330 = arith.constant 7 : i32
      %shift_right_arithmetic3A_1331 = arith.shrsi %squeeze3A_1324, %shift_right_arithmetic3A_1330 : i32
      %shift_left3A_1332 = arith.constant 7 : i32
      %shift_left3A_1333 = arith.shli %shift_right_arithmetic3A_1331, %shift_left3A_1332 : i32
      %multiple_of3A_1334 = tpu.assume_multiple %shift_left3A_1333, 128 : i32
      %dma_start3A_1335 = arith.constant 0 : i32
      %dma_start3A_1336 = tpu.memref_slice %arg4[%dma_start3A_1335, %multiple_of3A_1329] : memref<32x1000000xf32, #tpu.memory_space<hbm>> -> memref<32x128xf32, #tpu.memory_space<hbm>>
      %dma_start3A_1337 = arith.constant 0 : i32
      %dma_start3A_1338 = tpu.memref_slice %arg4[%dma_start3A_1337, %multiple_of3A_1329] : memref<32x1000000xf32, #tpu.memory_space<hbm>> -> memref<32x128xf32, #tpu.memory_space<hbm>>
      tpu.enqueue_dma source(%dma_start3A_1338 : memref<32x128xf32, #tpu.memory_space<hbm>>) target(%arg29 : memref<32x128xf32, #tpu.memory_space<vmem>>) target_semaphore(%arg38 : memref<!tpu.dma_semaphore, #tpu.memory_space<semaphore_mem>>)
      %dma_start3A_1339 = arith.constant 0 : i32
      %dma_start3A_1340 = tpu.memref_slice %arg5[%dma_start3A_1339, %multiple_of3A_1334] : memref<32x1000000xf32, #tpu.memory_space<hbm>> -> memref<32x128xf32, #tpu.memory_space<hbm>>
      %dma_start3A_1341 = arith.constant 0 : i32
      %dma_start3A_1342 = tpu.memref_slice %arg5[%dma_start3A_1341, %multiple_of3A_1334] : memref<32x1000000xf32, #tpu.memory_space<hbm>> -> memref<32x128xf32, #tpu.memory_space<hbm>>
      tpu.enqueue_dma source(%dma_start3A_1342 : memref<32x128xf32, #tpu.memory_space<hbm>>) target(%arg11 : memref<32x128xf32, #tpu.memory_space<vmem>>) target_semaphore(%arg20 : memref<!tpu.dma_semaphore, #tpu.memory_space<semaphore_mem>>)
      %mul3A_1343 = arith.constant 8 : i32
      %mul3A_1344 = arith.muli %scan3A_821, %mul3A_1343 : i32
      %add3A_1345 = arith.constant 5 : i32
      %add3A_1346 = arith.addi %mul3A_1344, %add3A_1345 : i32
      %dma_wait3A_1347 = arith.constant 0 : i32
      %dma_wait3A_1348 = arith.constant 0 : i32
      %dma_wait3A_1349 = tpu.memref_slice %arg4[%dma_wait3A_1347, %dma_wait3A_1348] : memref<32x1000000xf32, #tpu.memory_space<hbm>> -> memref<32x128xf32, #tpu.memory_space<hbm>>
      %dma_wait3A_1350 = arith.constant 0 : i32
      %dma_wait3A_1351 = arith.constant 0 : i32
      %dma_wait3A_1352 = tpu.memref_slice %arg4[%dma_wait3A_1350, %dma_wait3A_1351] : memref<32x1000000xf32, #tpu.memory_space<hbm>> -> memref<32x128xf32, #tpu.memory_space<hbm>>
      tpu.wait_dma2 semaphore(%arg39 : memref<!tpu.dma_semaphore, #tpu.memory_space<semaphore_mem>>) src(%dma_wait3A_1352 : memref<32x128xf32, #tpu.memory_space<hbm>>) dst(%arg30 : memref<32x128xf32, #tpu.memory_space<vmem>>)
      %dma_wait3A_1353 = arith.constant 0 : i32
      %dma_wait3A_1354 = arith.constant 0 : i32
      %dma_wait3A_1355 = tpu.memref_slice %arg5[%dma_wait3A_1353, %dma_wait3A_1354] : memref<32x1000000xf32, #tpu.memory_space<hbm>> -> memref<32x128xf32, #tpu.memory_space<hbm>>
      %dma_wait3A_1356 = arith.constant 0 : i32
      %dma_wait3A_1357 = arith.constant 0 : i32
      %dma_wait3A_1358 = tpu.memref_slice %arg5[%dma_wait3A_1356, %dma_wait3A_1357] : memref<32x1000000xf32, #tpu.memory_space<hbm>> -> memref<32x128xf32, #tpu.memory_space<hbm>>
      tpu.wait_dma2 semaphore(%arg21 : memref<!tpu.dma_semaphore, #tpu.memory_space<semaphore_mem>>) src(%dma_wait3A_1358 : memref<32x128xf32, #tpu.memory_space<hbm>>) dst(%arg12 : memref<32x128xf32, #tpu.memory_space<vmem>>)
      %broadcast_in_dim3A_1359 = arith.constant 0 : i32
      %broadcast_in_dim3A_1360 = vector.broadcast %broadcast_in_dim3A_1359 : i32 to vector<16xi32>
      %add3A_1361 = vector.broadcast %add3A_1346 : i32 to vector<16xi32>
      %add3A_1362 = arith.addi %broadcast_in_dim3A_1360, %add3A_1361 : vector<16xi32>
      %gather3A_1363 = tpu.vector_load_idx %arg33[%add3A_1362] : memref<528xi32, #tpu.memory_space<vmem>>[vector<16xi32>], vector<16xi32>,
      %broadcast_in_dim3A_1364 = arith.constant 0 : i32
      %broadcast_in_dim3A_1365 = vector.broadcast %broadcast_in_dim3A_1364 : i32 to vector<16xi32>
      %add3A_1366 = vector.broadcast %add3A_1346 : i32 to vector<16xi32>
      %add3A_1367 = arith.addi %broadcast_in_dim3A_1365, %add3A_1366 : vector<16xi32>
      %gather3A_1368 = tpu.vector_load_idx %arg15[%add3A_1367] : memref<528xi32, #tpu.memory_space<vmem>>[vector<16xi32>], vector<16xi32>,
      %slice3A_1369 = vector.extract_strided_slice %gather3A_1363 {offsets = [0], sizes = [1], strides = [1]} : vector<16xi32> to vector<1xi32>
      %squeeze3A_1370 = vector.extract %slice3A_1369[0] : i32 from vector<1xi32>
      %slice3A_1371 = vector.extract_strided_slice %gather3A_1368 {offsets = [0], sizes = [1], strides = [1]} : vector<16xi32> to vector<1xi32>
      %squeeze3A_1372 = vector.extract %slice3A_1371[0] : i32 from vector<1xi32>
      %broadcast_in_dim3A_1373 = arith.constant 0 : i32
      %broadcast_in_dim3A_1374 = vector.broadcast %broadcast_in_dim3A_1373 : i32 to vector<16xi32>
      %and3A_1375 = arith.constant 127 : i32
      %and3A_1376 = arith.andi %squeeze3A_1370, %and3A_1375 : i32
      %add3A_1377 = vector.broadcast %and3A_1376 : i32 to vector<16xi32>
      %add3A_1378 = arith.addi %broadcast_in_dim3A_1374, %add3A_1377 : vector<16xi32>
      %broadcast_in_dim3A_1379 = arith.constant 0 : i32
      %broadcast_in_dim3A_1380 = vector.broadcast %broadcast_in_dim3A_1379 : i32 to vector<16xi32>
      %and3A_1381 = arith.constant 127 : i32
      %and3A_1382 = arith.andi %squeeze3A_1372, %and3A_1381 : i32
      %add3A_1383 = vector.broadcast %and3A_1382 : i32 to vector<16xi32>
      %add3A_1384 = arith.addi %broadcast_in_dim3A_1380, %add3A_1383 : vector<16xi32>
      %gather3A_1385 = tpu.vector_load_idx %arg30[%iota3A, %add3A_1378] : memref<32x128xf32, #tpu.memory_space<vmem>>[vector<16xi32>, vector<16xi32>], vector<16xf32>,
      %add3A_1386 = arith.constant 16 : i32
      %add3A_1387 = vector.broadcast %add3A_1386 : i32 to vector<16xi32>
      %add3A_1388 = arith.addi %iota3A, %add3A_1387 : vector<16xi32>
      %gather3A_1389 = tpu.vector_load_idx %arg30[%add3A_1388, %add3A_1378] : memref<32x128xf32, #tpu.memory_space<vmem>>[vector<16xi32>, vector<16xi32>], vector<16xf32>,
      %gather3A_1390 = tpu.vector_load_idx %arg12[%iota3A, %add3A_1384] : memref<32x128xf32, #tpu.memory_space<vmem>>[vector<16xi32>, vector<16xi32>], vector<16xf32>,
      %add3A_1391 = arith.constant 16 : i32
      %add3A_1392 = vector.broadcast %add3A_1391 : i32 to vector<16xi32>
      %add3A_1393 = arith.addi %iota3A, %add3A_1392 : vector<16xi32>
      %gather3A_1394 = tpu.vector_load_idx %arg12[%add3A_1393, %add3A_1384] : memref<32x128xf32, #tpu.memory_space<vmem>>[vector<16xi32>, vector<16xi32>], vector<16xf32>,
      %mul3A_1395 = arith.mulf %gather3A_1385, %gather3A_1390 : vector<16xf32>
      %mul3A_1396 = arith.mulf %gather3A_1389, %gather3A_1394 : vector<16xf32>
      %add3A_1397 = arith.addf %mul3A_1395, %mul3A_1396 : vector<16xf32>
      %reduce_sum3A_1398 = arith.constant true
      %reduce_sum3A_1399 = vector.broadcast %reduce_sum3A_1398 : i1 to vector<16xi1>
      %reduce_sum3A_1400 = tpu.scan <sum>, %add3A_1397 masked %reduce_sum3A_1399 : vector<16xf32>, vector<16xi1> -> vector<16xf32>
      %reduce_sum3A_1401 = vector.extract %reduce_sum3A_1400[15] : f32 from vector<16xf32>
      %broadcast_in_dim3A_1402 = arith.constant 0 : i32
      %broadcast_in_dim3A_1403 = vector.broadcast %broadcast_in_dim3A_1402 : i32 to vector<16xi32>
      %add3A_1404 = vector.broadcast %add3A_1346 : i32 to vector<16xi32>
      %add3A_1405 = arith.addi %broadcast_in_dim3A_1403, %add3A_1404 : vector<16xi32>
      %broadcast_in_dim3A_1406 = arith.constant 0.000000e+00 : f32
      %broadcast_in_dim3A_1407 = vector.broadcast %broadcast_in_dim3A_1406 : f32 to vector<16xf32>
      %add3A_1408 = vector.broadcast %reduce_sum3A_1401 : f32 to vector<16xf32>
      %add3A_1409 = arith.addf %broadcast_in_dim3A_1407, %add3A_1408 : vector<16xf32>
      %eq3A_1410 = arith.constant 0 : i32
      %eq3A_1411 = vector.broadcast %eq3A_1410 : i32 to vector<16xi32>
      %eq3A_1412 = arith.cmpi eq, %iota3A, %eq3A_1411 : vector<16xi32>
      tpu.vector_store_idx %arg24[%add3A_1405], %add3A_1409 masked %eq3A_1412 : memref<512xf32, #tpu.memory_space<vmem>>[vector<16xi32>], vector<16xf32>, vector<16xi1>
      %add3A_1413 = arith.constant 8 : i32
      %add3A_1414 = arith.addi %add3A_1346, %add3A_1413 : i32
      %broadcast_in_dim3A_1415 = arith.constant 0 : i32
      %broadcast_in_dim3A_1416 = vector.broadcast %broadcast_in_dim3A_1415 : i32 to vector<16xi32>
      %add3A_1417 = vector.broadcast %add3A_1414 : i32 to vector<16xi32>
      %add3A_1418 = arith.addi %broadcast_in_dim3A_1416, %add3A_1417 : vector<16xi32>
      %gather3A_1419 = tpu.vector_load_idx %arg33[%add3A_1418] : memref<528xi32, #tpu.memory_space<vmem>>[vector<16xi32>], vector<16xi32>,
      %broadcast_in_dim3A_1420 = arith.constant 0 : i32
      %broadcast_in_dim3A_1421 = vector.broadcast %broadcast_in_dim3A_1420 : i32 to vector<16xi32>
      %add3A_1422 = vector.broadcast %add3A_1414 : i32 to vector<16xi32>
      %add3A_1423 = arith.addi %broadcast_in_dim3A_1421, %add3A_1422 : vector<16xi32>
      %gather3A_1424 = tpu.vector_load_idx %arg15[%add3A_1423] : memref<528xi32, #tpu.memory_space<vmem>>[vector<16xi32>], vector<16xi32>,
      %slice3A_1425 = vector.extract_strided_slice %gather3A_1419 {offsets = [0], sizes = [1], strides = [1]} : vector<16xi32> to vector<1xi32>
      %squeeze3A_1426 = vector.extract %slice3A_1425[0] : i32 from vector<1xi32>
      %slice3A_1427 = vector.extract_strided_slice %gather3A_1424 {offsets = [0], sizes = [1], strides = [1]} : vector<16xi32> to vector<1xi32>
      %squeeze3A_1428 = vector.extract %slice3A_1427[0] : i32 from vector<1xi32>
      %shift_right_arithmetic3A_1429 = arith.constant 7 : i32
      %shift_right_arithmetic3A_1430 = arith.shrsi %squeeze3A_1426, %shift_right_arithmetic3A_1429 : i32
      %shift_left3A_1431 = arith.constant 7 : i32
      %shift_left3A_1432 = arith.shli %shift_right_arithmetic3A_1430, %shift_left3A_1431 : i32
      %multiple_of3A_1433 = tpu.assume_multiple %shift_left3A_1432, 128 : i32
      %shift_right_arithmetic3A_1434 = arith.constant 7 : i32
      %shift_right_arithmetic3A_1435 = arith.shrsi %squeeze3A_1428, %shift_right_arithmetic3A_1434 : i32
      %shift_left3A_1436 = arith.constant 7 : i32
      %shift_left3A_1437 = arith.shli %shift_right_arithmetic3A_1435, %shift_left3A_1436 : i32
      %multiple_of3A_1438 = tpu.assume_multiple %shift_left3A_1437, 128 : i32
      %dma_start3A_1439 = arith.constant 0 : i32
      %dma_start3A_1440 = tpu.memref_slice %arg4[%dma_start3A_1439, %multiple_of3A_1433] : memref<32x1000000xf32, #tpu.memory_space<hbm>> -> memref<32x128xf32, #tpu.memory_space<hbm>>
      %dma_start3A_1441 = arith.constant 0 : i32
      %dma_start3A_1442 = tpu.memref_slice %arg4[%dma_start3A_1441, %multiple_of3A_1433] : memref<32x1000000xf32, #tpu.memory_space<hbm>> -> memref<32x128xf32, #tpu.memory_space<hbm>>
      tpu.enqueue_dma source(%dma_start3A_1442 : memref<32x128xf32, #tpu.memory_space<hbm>>) target(%arg30 : memref<32x128xf32, #tpu.memory_space<vmem>>) target_semaphore(%arg39 : memref<!tpu.dma_semaphore, #tpu.memory_space<semaphore_mem>>)
      %dma_start3A_1443 = arith.constant 0 : i32
      %dma_start3A_1444 = tpu.memref_slice %arg5[%dma_start3A_1443, %multiple_of3A_1438] : memref<32x1000000xf32, #tpu.memory_space<hbm>> -> memref<32x128xf32, #tpu.memory_space<hbm>>
      %dma_start3A_1445 = arith.constant 0 : i32
      %dma_start3A_1446 = tpu.memref_slice %arg5[%dma_start3A_1445, %multiple_of3A_1438] : memref<32x1000000xf32, #tpu.memory_space<hbm>> -> memref<32x128xf32, #tpu.memory_space<hbm>>
      tpu.enqueue_dma source(%dma_start3A_1446 : memref<32x128xf32, #tpu.memory_space<hbm>>) target(%arg12 : memref<32x128xf32, #tpu.memory_space<vmem>>) target_semaphore(%arg21 : memref<!tpu.dma_semaphore, #tpu.memory_space<semaphore_mem>>)
      %mul3A_1447 = arith.constant 8 : i32
      %mul3A_1448 = arith.muli %scan3A_821, %mul3A_1447 : i32
      %add3A_1449 = arith.constant 6 : i32
      %add3A_1450 = arith.addi %mul3A_1448, %add3A_1449 : i32
      %dma_wait3A_1451 = arith.constant 0 : i32
      %dma_wait3A_1452 = arith.constant 0 : i32
      %dma_wait3A_1453 = tpu.memref_slice %arg4[%dma_wait3A_1451, %dma_wait3A_1452] : memref<32x1000000xf32, #tpu.memory_space<hbm>> -> memref<32x128xf32, #tpu.memory_space<hbm>>
      %dma_wait3A_1454 = arith.constant 0 : i32
      %dma_wait3A_1455 = arith.constant 0 : i32
      %dma_wait3A_1456 = tpu.memref_slice %arg4[%dma_wait3A_1454, %dma_wait3A_1455] : memref<32x1000000xf32, #tpu.memory_space<hbm>> -> memref<32x128xf32, #tpu.memory_space<hbm>>
      tpu.wait_dma2 semaphore(%arg40 : memref<!tpu.dma_semaphore, #tpu.memory_space<semaphore_mem>>) src(%dma_wait3A_1456 : memref<32x128xf32, #tpu.memory_space<hbm>>) dst(%arg31 : memref<32x128xf32, #tpu.memory_space<vmem>>)
      %dma_wait3A_1457 = arith.constant 0 : i32
      %dma_wait3A_1458 = arith.constant 0 : i32
      %dma_wait3A_1459 = tpu.memref_slice %arg5[%dma_wait3A_1457, %dma_wait3A_1458] : memref<32x1000000xf32, #tpu.memory_space<hbm>> -> memref<32x128xf32, #tpu.memory_space<hbm>>
      %dma_wait3A_1460 = arith.constant 0 : i32
      %dma_wait3A_1461 = arith.constant 0 : i32
      %dma_wait3A_1462 = tpu.memref_slice %arg5[%dma_wait3A_1460, %dma_wait3A_1461] : memref<32x1000000xf32, #tpu.memory_space<hbm>> -> memref<32x128xf32, #tpu.memory_space<hbm>>
      tpu.wait_dma2 semaphore(%arg22 : memref<!tpu.dma_semaphore, #tpu.memory_space<semaphore_mem>>) src(%dma_wait3A_1462 : memref<32x128xf32, #tpu.memory_space<hbm>>) dst(%arg13 : memref<32x128xf32, #tpu.memory_space<vmem>>)
      %broadcast_in_dim3A_1463 = arith.constant 0 : i32
      %broadcast_in_dim3A_1464 = vector.broadcast %broadcast_in_dim3A_1463 : i32 to vector<16xi32>
      %add3A_1465 = vector.broadcast %add3A_1450 : i32 to vector<16xi32>
      %add3A_1466 = arith.addi %broadcast_in_dim3A_1464, %add3A_1465 : vector<16xi32>
      %gather3A_1467 = tpu.vector_load_idx %arg33[%add3A_1466] : memref<528xi32, #tpu.memory_space<vmem>>[vector<16xi32>], vector<16xi32>,
      %broadcast_in_dim3A_1468 = arith.constant 0 : i32
      %broadcast_in_dim3A_1469 = vector.broadcast %broadcast_in_dim3A_1468 : i32 to vector<16xi32>
      %add3A_1470 = vector.broadcast %add3A_1450 : i32 to vector<16xi32>
      %add3A_1471 = arith.addi %broadcast_in_dim3A_1469, %add3A_1470 : vector<16xi32>
      %gather3A_1472 = tpu.vector_load_idx %arg15[%add3A_1471] : memref<528xi32, #tpu.memory_space<vmem>>[vector<16xi32>], vector<16xi32>,
      %slice3A_1473 = vector.extract_strided_slice %gather3A_1467 {offsets = [0], sizes = [1], strides = [1]} : vector<16xi32> to vector<1xi32>
      %squeeze3A_1474 = vector.extract %slice3A_1473[0] : i32 from vector<1xi32>
      %slice3A_1475 = vector.extract_strided_slice %gather3A_1472 {offsets = [0], sizes = [1], strides = [1]} : vector<16xi32> to vector<1xi32>
      %squeeze3A_1476 = vector.extract %slice3A_1475[0] : i32 from vector<1xi32>
      %broadcast_in_dim3A_1477 = arith.constant 0 : i32
      %broadcast_in_dim3A_1478 = vector.broadcast %broadcast_in_dim3A_1477 : i32 to vector<16xi32>
      %and3A_1479 = arith.constant 127 : i32
      %and3A_1480 = arith.andi %squeeze3A_1474, %and3A_1479 : i32
      %add3A_1481 = vector.broadcast %and3A_1480 : i32 to vector<16xi32>
      %add3A_1482 = arith.addi %broadcast_in_dim3A_1478, %add3A_1481 : vector<16xi32>
      %broadcast_in_dim3A_1483 = arith.constant 0 : i32
      %broadcast_in_dim3A_1484 = vector.broadcast %broadcast_in_dim3A_1483 : i32 to vector<16xi32>
      %and3A_1485 = arith.constant 127 : i32
      %and3A_1486 = arith.andi %squeeze3A_1476, %and3A_1485 : i32
      %add3A_1487 = vector.broadcast %and3A_1486 : i32 to vector<16xi32>
      %add3A_1488 = arith.addi %broadcast_in_dim3A_1484, %add3A_1487 : vector<16xi32>
      %gather3A_1489 = tpu.vector_load_idx %arg31[%iota3A, %add3A_1482] : memref<32x128xf32, #tpu.memory_space<vmem>>[vector<16xi32>, vector<16xi32>], vector<16xf32>,
      %add3A_1490 = arith.constant 16 : i32
      %add3A_1491 = vector.broadcast %add3A_1490 : i32 to vector<16xi32>
      %add3A_1492 = arith.addi %iota3A, %add3A_1491 : vector<16xi32>
      %gather3A_1493 = tpu.vector_load_idx %arg31[%add3A_1492, %add3A_1482] : memref<32x128xf32, #tpu.memory_space<vmem>>[vector<16xi32>, vector<16xi32>], vector<16xf32>,
      %gather3A_1494 = tpu.vector_load_idx %arg13[%iota3A, %add3A_1488] : memref<32x128xf32, #tpu.memory_space<vmem>>[vector<16xi32>, vector<16xi32>], vector<16xf32>,
      %add3A_1495 = arith.constant 16 : i32
      %add3A_1496 = vector.broadcast %add3A_1495 : i32 to vector<16xi32>
      %add3A_1497 = arith.addi %iota3A, %add3A_1496 : vector<16xi32>
      %gather3A_1498 = tpu.vector_load_idx %arg13[%add3A_1497, %add3A_1488] : memref<32x128xf32, #tpu.memory_space<vmem>>[vector<16xi32>, vector<16xi32>], vector<16xf32>,
      %mul3A_1499 = arith.mulf %gather3A_1489, %gather3A_1494 : vector<16xf32>
      %mul3A_1500 = arith.mulf %gather3A_1493, %gather3A_1498 : vector<16xf32>
      %add3A_1501 = arith.addf %mul3A_1499, %mul3A_1500 : vector<16xf32>
      %reduce_sum3A_1502 = arith.constant true
      %reduce_sum3A_1503 = vector.broadcast %reduce_sum3A_1502 : i1 to vector<16xi1>
      %reduce_sum3A_1504 = tpu.scan <sum>, %add3A_1501 masked %reduce_sum3A_1503 : vector<16xf32>, vector<16xi1> -> vector<16xf32>
      %reduce_sum3A_1505 = vector.extract %reduce_sum3A_1504[15] : f32 from vector<16xf32>
      %broadcast_in_dim3A_1506 = arith.constant 0 : i32
      %broadcast_in_dim3A_1507 = vector.broadcast %broadcast_in_dim3A_1506 : i32 to vector<16xi32>
      %add3A_1508 = vector.broadcast %add3A_1450 : i32 to vector<16xi32>
      %add3A_1509 = arith.addi %broadcast_in_dim3A_1507, %add3A_1508 : vector<16xi32>
      %broadcast_in_dim3A_1510 = arith.constant 0.000000e+00 : f32
      %broadcast_in_dim3A_1511 = vector.broadcast %broadcast_in_dim3A_1510 : f32 to vector<16xf32>
      %add3A_1512 = vector.broadcast %reduce_sum3A_1505 : f32 to vector<16xf32>
      %add3A_1513 = arith.addf %broadcast_in_dim3A_1511, %add3A_1512 : vector<16xf32>
      %eq3A_1514 = arith.constant 0 : i32
      %eq3A_1515 = vector.broadcast %eq3A_1514 : i32 to vector<16xi32>
      %eq3A_1516 = arith.cmpi eq, %iota3A, %eq3A_1515 : vector<16xi32>
      tpu.vector_store_idx %arg24[%add3A_1509], %add3A_1513 masked %eq3A_1516 : memref<512xf32, #tpu.memory_space<vmem>>[vector<16xi32>], vector<16xf32>, vector<16xi1>
      %add3A_1517 = arith.constant 8 : i32
      %add3A_1518 = arith.addi %add3A_1450, %add3A_1517 : i32
      %broadcast_in_dim3A_1519 = arith.constant 0 : i32
      %broadcast_in_dim3A_1520 = vector.broadcast %broadcast_in_dim3A_1519 : i32 to vector<16xi32>
      %add3A_1521 = vector.broadcast %add3A_1518 : i32 to vector<16xi32>
      %add3A_1522 = arith.addi %broadcast_in_dim3A_1520, %add3A_1521 : vector<16xi32>
      %gather3A_1523 = tpu.vector_load_idx %arg33[%add3A_1522] : memref<528xi32, #tpu.memory_space<vmem>>[vector<16xi32>], vector<16xi32>,
      %broadcast_in_dim3A_1524 = arith.constant 0 : i32
      %broadcast_in_dim3A_1525 = vector.broadcast %broadcast_in_dim3A_1524 : i32 to vector<16xi32>
      %add3A_1526 = vector.broadcast %add3A_1518 : i32 to vector<16xi32>
      %add3A_1527 = arith.addi %broadcast_in_dim3A_1525, %add3A_1526 : vector<16xi32>
      %gather3A_1528 = tpu.vector_load_idx %arg15[%add3A_1527] : memref<528xi32, #tpu.memory_space<vmem>>[vector<16xi32>], vector<16xi32>,
      %slice3A_1529 = vector.extract_strided_slice %gather3A_1523 {offsets = [0], sizes = [1], strides = [1]} : vector<16xi32> to vector<1xi32>
      %squeeze3A_1530 = vector.extract %slice3A_1529[0] : i32 from vector<1xi32>
      %slice3A_1531 = vector.extract_strided_slice %gather3A_1528 {offsets = [0], sizes = [1], strides = [1]} : vector<16xi32> to vector<1xi32>
      %squeeze3A_1532 = vector.extract %slice3A_1531[0] : i32 from vector<1xi32>
      %shift_right_arithmetic3A_1533 = arith.constant 7 : i32
      %shift_right_arithmetic3A_1534 = arith.shrsi %squeeze3A_1530, %shift_right_arithmetic3A_1533 : i32
      %shift_left3A_1535 = arith.constant 7 : i32
      %shift_left3A_1536 = arith.shli %shift_right_arithmetic3A_1534, %shift_left3A_1535 : i32
      %multiple_of3A_1537 = tpu.assume_multiple %shift_left3A_1536, 128 : i32
      %shift_right_arithmetic3A_1538 = arith.constant 7 : i32
      %shift_right_arithmetic3A_1539 = arith.shrsi %squeeze3A_1532, %shift_right_arithmetic3A_1538 : i32
      %shift_left3A_1540 = arith.constant 7 : i32
      %shift_left3A_1541 = arith.shli %shift_right_arithmetic3A_1539, %shift_left3A_1540 : i32
      %multiple_of3A_1542 = tpu.assume_multiple %shift_left3A_1541, 128 : i32
      %dma_start3A_1543 = arith.constant 0 : i32
      %dma_start3A_1544 = tpu.memref_slice %arg4[%dma_start3A_1543, %multiple_of3A_1537] : memref<32x1000000xf32, #tpu.memory_space<hbm>> -> memref<32x128xf32, #tpu.memory_space<hbm>>
      %dma_start3A_1545 = arith.constant 0 : i32
      %dma_start3A_1546 = tpu.memref_slice %arg4[%dma_start3A_1545, %multiple_of3A_1537] : memref<32x1000000xf32, #tpu.memory_space<hbm>> -> memref<32x128xf32, #tpu.memory_space<hbm>>
      tpu.enqueue_dma source(%dma_start3A_1546 : memref<32x128xf32, #tpu.memory_space<hbm>>) target(%arg31 : memref<32x128xf32, #tpu.memory_space<vmem>>) target_semaphore(%arg40 : memref<!tpu.dma_semaphore, #tpu.memory_space<semaphore_mem>>)
      %dma_start3A_1547 = arith.constant 0 : i32
      %dma_start3A_1548 = tpu.memref_slice %arg5[%dma_start3A_1547, %multiple_of3A_1542] : memref<32x1000000xf32, #tpu.memory_space<hbm>> -> memref<32x128xf32, #tpu.memory_space<hbm>>
      %dma_start3A_1549 = arith.constant 0 : i32
      %dma_start3A_1550 = tpu.memref_slice %arg5[%dma_start3A_1549, %multiple_of3A_1542] : memref<32x1000000xf32, #tpu.memory_space<hbm>> -> memref<32x128xf32, #tpu.memory_space<hbm>>
      tpu.enqueue_dma source(%dma_start3A_1550 : memref<32x128xf32, #tpu.memory_space<hbm>>) target(%arg13 : memref<32x128xf32, #tpu.memory_space<vmem>>) target_semaphore(%arg22 : memref<!tpu.dma_semaphore, #tpu.memory_space<semaphore_mem>>)
      %mul3A_1551 = arith.constant 8 : i32
      %mul3A_1552 = arith.muli %scan3A_821, %mul3A_1551 : i32
      %add3A_1553 = arith.constant 7 : i32
      %add3A_1554 = arith.addi %mul3A_1552, %add3A_1553 : i32
      %dma_wait3A_1555 = arith.constant 0 : i32
      %dma_wait3A_1556 = arith.constant 0 : i32
      %dma_wait3A_1557 = tpu.memref_slice %arg4[%dma_wait3A_1555, %dma_wait3A_1556] : memref<32x1000000xf32, #tpu.memory_space<hbm>> -> memref<32x128xf32, #tpu.memory_space<hbm>>
      %dma_wait3A_1558 = arith.constant 0 : i32
      %dma_wait3A_1559 = arith.constant 0 : i32
      %dma_wait3A_1560 = tpu.memref_slice %arg4[%dma_wait3A_1558, %dma_wait3A_1559] : memref<32x1000000xf32, #tpu.memory_space<hbm>> -> memref<32x128xf32, #tpu.memory_space<hbm>>
      tpu.wait_dma2 semaphore(%arg41 : memref<!tpu.dma_semaphore, #tpu.memory_space<semaphore_mem>>) src(%dma_wait3A_1560 : memref<32x128xf32, #tpu.memory_space<hbm>>) dst(%arg32 : memref<32x128xf32, #tpu.memory_space<vmem>>)
      %dma_wait3A_1561 = arith.constant 0 : i32
      %dma_wait3A_1562 = arith.constant 0 : i32
      %dma_wait3A_1563 = tpu.memref_slice %arg5[%dma_wait3A_1561, %dma_wait3A_1562] : memref<32x1000000xf32, #tpu.memory_space<hbm>> -> memref<32x128xf32, #tpu.memory_space<hbm>>
      %dma_wait3A_1564 = arith.constant 0 : i32
      %dma_wait3A_1565 = arith.constant 0 : i32
      %dma_wait3A_1566 = tpu.memref_slice %arg5[%dma_wait3A_1564, %dma_wait3A_1565] : memref<32x1000000xf32, #tpu.memory_space<hbm>> -> memref<32x128xf32, #tpu.memory_space<hbm>>
      tpu.wait_dma2 semaphore(%arg23 : memref<!tpu.dma_semaphore, #tpu.memory_space<semaphore_mem>>) src(%dma_wait3A_1566 : memref<32x128xf32, #tpu.memory_space<hbm>>) dst(%arg14 : memref<32x128xf32, #tpu.memory_space<vmem>>)
      %broadcast_in_dim3A_1567 = arith.constant 0 : i32
      %broadcast_in_dim3A_1568 = vector.broadcast %broadcast_in_dim3A_1567 : i32 to vector<16xi32>
      %add3A_1569 = vector.broadcast %add3A_1554 : i32 to vector<16xi32>
      %add3A_1570 = arith.addi %broadcast_in_dim3A_1568, %add3A_1569 : vector<16xi32>
      %gather3A_1571 = tpu.vector_load_idx %arg33[%add3A_1570] : memref<528xi32, #tpu.memory_space<vmem>>[vector<16xi32>], vector<16xi32>,
      %broadcast_in_dim3A_1572 = arith.constant 0 : i32
      %broadcast_in_dim3A_1573 = vector.broadcast %broadcast_in_dim3A_1572 : i32 to vector<16xi32>
      %add3A_1574 = vector.broadcast %add3A_1554 : i32 to vector<16xi32>
      %add3A_1575 = arith.addi %broadcast_in_dim3A_1573, %add3A_1574 : vector<16xi32>
      %gather3A_1576 = tpu.vector_load_idx %arg15[%add3A_1575] : memref<528xi32, #tpu.memory_space<vmem>>[vector<16xi32>], vector<16xi32>,
      %slice3A_1577 = vector.extract_strided_slice %gather3A_1571 {offsets = [0], sizes = [1], strides = [1]} : vector<16xi32> to vector<1xi32>
      %squeeze3A_1578 = vector.extract %slice3A_1577[0] : i32 from vector<1xi32>
      %slice3A_1579 = vector.extract_strided_slice %gather3A_1576 {offsets = [0], sizes = [1], strides = [1]} : vector<16xi32> to vector<1xi32>
      %squeeze3A_1580 = vector.extract %slice3A_1579[0] : i32 from vector<1xi32>
      %broadcast_in_dim3A_1581 = arith.constant 0 : i32
      %broadcast_in_dim3A_1582 = vector.broadcast %broadcast_in_dim3A_1581 : i32 to vector<16xi32>
      %and3A_1583 = arith.constant 127 : i32
      %and3A_1584 = arith.andi %squeeze3A_1578, %and3A_1583 : i32
      %add3A_1585 = vector.broadcast %and3A_1584 : i32 to vector<16xi32>
      %add3A_1586 = arith.addi %broadcast_in_dim3A_1582, %add3A_1585 : vector<16xi32>
      %broadcast_in_dim3A_1587 = arith.constant 0 : i32
      %broadcast_in_dim3A_1588 = vector.broadcast %broadcast_in_dim3A_1587 : i32 to vector<16xi32>
      %and3A_1589 = arith.constant 127 : i32
      %and3A_1590 = arith.andi %squeeze3A_1580, %and3A_1589 : i32
      %add3A_1591 = vector.broadcast %and3A_1590 : i32 to vector<16xi32>
      %add3A_1592 = arith.addi %broadcast_in_dim3A_1588, %add3A_1591 : vector<16xi32>
      %gather3A_1593 = tpu.vector_load_idx %arg32[%iota3A, %add3A_1586] : memref<32x128xf32, #tpu.memory_space<vmem>>[vector<16xi32>, vector<16xi32>], vector<16xf32>,
      %add3A_1594 = arith.constant 16 : i32
      %add3A_1595 = vector.broadcast %add3A_1594 : i32 to vector<16xi32>
      %add3A_1596 = arith.addi %iota3A, %add3A_1595 : vector<16xi32>
      %gather3A_1597 = tpu.vector_load_idx %arg32[%add3A_1596, %add3A_1586] : memref<32x128xf32, #tpu.memory_space<vmem>>[vector<16xi32>, vector<16xi32>], vector<16xf32>,
      %gather3A_1598 = tpu.vector_load_idx %arg14[%iota3A, %add3A_1592] : memref<32x128xf32, #tpu.memory_space<vmem>>[vector<16xi32>, vector<16xi32>], vector<16xf32>,
      %add3A_1599 = arith.constant 16 : i32
      %add3A_1600 = vector.broadcast %add3A_1599 : i32 to vector<16xi32>
      %add3A_1601 = arith.addi %iota3A, %add3A_1600 : vector<16xi32>
      %gather3A_1602 = tpu.vector_load_idx %arg14[%add3A_1601, %add3A_1592] : memref<32x128xf32, #tpu.memory_space<vmem>>[vector<16xi32>, vector<16xi32>], vector<16xf32>,
      %mul3A_1603 = arith.mulf %gather3A_1593, %gather3A_1598 : vector<16xf32>
      %mul3A_1604 = arith.mulf %gather3A_1597, %gather3A_1602 : vector<16xf32>
      %add3A_1605 = arith.addf %mul3A_1603, %mul3A_1604 : vector<16xf32>
      %reduce_sum3A_1606 = arith.constant true
      %reduce_sum3A_1607 = vector.broadcast %reduce_sum3A_1606 : i1 to vector<16xi1>
      %reduce_sum3A_1608 = tpu.scan <sum>, %add3A_1605 masked %reduce_sum3A_1607 : vector<16xf32>, vector<16xi1> -> vector<16xf32>
      %reduce_sum3A_1609 = vector.extract %reduce_sum3A_1608[15] : f32 from vector<16xf32>
      %broadcast_in_dim3A_1610 = arith.constant 0 : i32
      %broadcast_in_dim3A_1611 = vector.broadcast %broadcast_in_dim3A_1610 : i32 to vector<16xi32>
      %add3A_1612 = vector.broadcast %add3A_1554 : i32 to vector<16xi32>
      %add3A_1613 = arith.addi %broadcast_in_dim3A_1611, %add3A_1612 : vector<16xi32>
      %broadcast_in_dim3A_1614 = arith.constant 0.000000e+00 : f32
      %broadcast_in_dim3A_1615 = vector.broadcast %broadcast_in_dim3A_1614 : f32 to vector<16xf32>
      %add3A_1616 = vector.broadcast %reduce_sum3A_1609 : f32 to vector<16xf32>
      %add3A_1617 = arith.addf %broadcast_in_dim3A_1615, %add3A_1616 : vector<16xf32>
      %eq3A_1618 = arith.constant 0 : i32
      %eq3A_1619 = vector.broadcast %eq3A_1618 : i32 to vector<16xi32>
      %eq3A_1620 = arith.cmpi eq, %iota3A, %eq3A_1619 : vector<16xi32>
      tpu.vector_store_idx %arg24[%add3A_1613], %add3A_1617 masked %eq3A_1620 : memref<512xf32, #tpu.memory_space<vmem>>[vector<16xi32>], vector<16xf32>, vector<16xi1>
      %add3A_1621 = arith.constant 8 : i32
      %add3A_1622 = arith.addi %add3A_1554, %add3A_1621 : i32
      %broadcast_in_dim3A_1623 = arith.constant 0 : i32
      %broadcast_in_dim3A_1624 = vector.broadcast %broadcast_in_dim3A_1623 : i32 to vector<16xi32>
      %add3A_1625 = vector.broadcast %add3A_1622 : i32 to vector<16xi32>
      %add3A_1626 = arith.addi %broadcast_in_dim3A_1624, %add3A_1625 : vector<16xi32>
      %gather3A_1627 = tpu.vector_load_idx %arg33[%add3A_1626] : memref<528xi32, #tpu.memory_space<vmem>>[vector<16xi32>], vector<16xi32>,
      %broadcast_in_dim3A_1628 = arith.constant 0 : i32
      %broadcast_in_dim3A_1629 = vector.broadcast %broadcast_in_dim3A_1628 : i32 to vector<16xi32>
      %add3A_1630 = vector.broadcast %add3A_1622 : i32 to vector<16xi32>
      %add3A_1631 = arith.addi %broadcast_in_dim3A_1629, %add3A_1630 : vector<16xi32>
      %gather3A_1632 = tpu.vector_load_idx %arg15[%add3A_1631] : memref<528xi32, #tpu.memory_space<vmem>>[vector<16xi32>], vector<16xi32>,
      %slice3A_1633 = vector.extract_strided_slice %gather3A_1627 {offsets = [0], sizes = [1], strides = [1]} : vector<16xi32> to vector<1xi32>
      %squeeze3A_1634 = vector.extract %slice3A_1633[0] : i32 from vector<1xi32>
      %slice3A_1635 = vector.extract_strided_slice %gather3A_1632 {offsets = [0], sizes = [1], strides = [1]} : vector<16xi32> to vector<1xi32>
      %squeeze3A_1636 = vector.extract %slice3A_1635[0] : i32 from vector<1xi32>
      %shift_right_arithmetic3A_1637 = arith.constant 7 : i32
      %shift_right_arithmetic3A_1638 = arith.shrsi %squeeze3A_1634, %shift_right_arithmetic3A_1637 : i32
      %shift_left3A_1639 = arith.constant 7 : i32
      %shift_left3A_1640 = arith.shli %shift_right_arithmetic3A_1638, %shift_left3A_1639 : i32
      %multiple_of3A_1641 = tpu.assume_multiple %shift_left3A_1640, 128 : i32
      %shift_right_arithmetic3A_1642 = arith.constant 7 : i32
      %shift_right_arithmetic3A_1643 = arith.shrsi %squeeze3A_1636, %shift_right_arithmetic3A_1642 : i32
      %shift_left3A_1644 = arith.constant 7 : i32
      %shift_left3A_1645 = arith.shli %shift_right_arithmetic3A_1643, %shift_left3A_1644 : i32
      %multiple_of3A_1646 = tpu.assume_multiple %shift_left3A_1645, 128 : i32
      %dma_start3A_1647 = arith.constant 0 : i32
      %dma_start3A_1648 = tpu.memref_slice %arg4[%dma_start3A_1647, %multiple_of3A_1641] : memref<32x1000000xf32, #tpu.memory_space<hbm>> -> memref<32x128xf32, #tpu.memory_space<hbm>>
      %dma_start3A_1649 = arith.constant 0 : i32
      %dma_start3A_1650 = tpu.memref_slice %arg4[%dma_start3A_1649, %multiple_of3A_1641] : memref<32x1000000xf32, #tpu.memory_space<hbm>> -> memref<32x128xf32, #tpu.memory_space<hbm>>
      tpu.enqueue_dma source(%dma_start3A_1650 : memref<32x128xf32, #tpu.memory_space<hbm>>) target(%arg32 : memref<32x128xf32, #tpu.memory_space<vmem>>) target_semaphore(%arg41 : memref<!tpu.dma_semaphore, #tpu.memory_space<semaphore_mem>>)
      %dma_start3A_1651 = arith.constant 0 : i32
      %dma_start3A_1652 = tpu.memref_slice %arg5[%dma_start3A_1651, %multiple_of3A_1646] : memref<32x1000000xf32, #tpu.memory_space<hbm>> -> memref<32x128xf32, #tpu.memory_space<hbm>>
      %dma_start3A_1653 = arith.constant 0 : i32
      %dma_start3A_1654 = tpu.memref_slice %arg5[%dma_start3A_1653, %multiple_of3A_1646] : memref<32x1000000xf32, #tpu.memory_space<hbm>> -> memref<32x128xf32, #tpu.memory_space<hbm>>
      tpu.enqueue_dma source(%dma_start3A_1654 : memref<32x128xf32, #tpu.memory_space<hbm>>) target(%arg14 : memref<32x128xf32, #tpu.memory_space<vmem>>) target_semaphore(%arg23 : memref<!tpu.dma_semaphore, #tpu.memory_space<semaphore_mem>>)
      %scan3A_1655 = arith.constant 0 : i32
      scf.yield %scan3A_1655 : i32
    }
    %scan3A_272 = arith.constant 63 : i32
    %dma_wait3A = arith.constant 0 : i32
    %dma_wait3A_273 = arith.constant 0 : i32
    %dma_wait3A_274 = tpu.memref_slice %arg4[%dma_wait3A, %dma_wait3A_273] : memref<32x1000000xf32, #tpu.memory_space<hbm>> -> memref<32x128xf32, #tpu.memory_space<hbm>>
    %dma_wait3A_275 = arith.constant 0 : i32
    %dma_wait3A_276 = arith.constant 0 : i32
    %dma_wait3A_277 = tpu.memref_slice %arg4[%dma_wait3A_275, %dma_wait3A_276] : memref<32x1000000xf32, #tpu.memory_space<hbm>> -> memref<32x128xf32, #tpu.memory_space<hbm>>
    tpu.wait_dma2 semaphore(%arg34 : memref<!tpu.dma_semaphore, #tpu.memory_space<semaphore_mem>>) src(%dma_wait3A_277 : memref<32x128xf32, #tpu.memory_space<hbm>>) dst(%arg25 : memref<32x128xf32, #tpu.memory_space<vmem>>)
    %dma_wait3A_278 = arith.constant 0 : i32
    %dma_wait3A_279 = arith.constant 0 : i32
    %dma_wait3A_280 = tpu.memref_slice %arg5[%dma_wait3A_278, %dma_wait3A_279] : memref<32x1000000xf32, #tpu.memory_space<hbm>> -> memref<32x128xf32, #tpu.memory_space<hbm>>
    %dma_wait3A_281 = arith.constant 0 : i32
    %dma_wait3A_282 = arith.constant 0 : i32
    %dma_wait3A_283 = tpu.memref_slice %arg5[%dma_wait3A_281, %dma_wait3A_282] : memref<32x1000000xf32, #tpu.memory_space<hbm>> -> memref<32x128xf32, #tpu.memory_space<hbm>>
    tpu.wait_dma2 semaphore(%arg16 : memref<!tpu.dma_semaphore, #tpu.memory_space<semaphore_mem>>) src(%dma_wait3A_283 : memref<32x128xf32, #tpu.memory_space<hbm>>) dst(%arg7 : memref<32x128xf32, #tpu.memory_space<vmem>>)
    %broadcast_in_dim3A_284 = arith.constant 0 : i32
    %broadcast_in_dim3A_285 = vector.broadcast %broadcast_in_dim3A_284 : i32 to vector<16xi32>
    %add3A_286 = arith.constant 504 : i32
    %add3A_287 = vector.broadcast %add3A_286 : i32 to vector<16xi32>
    %add3A_288 = arith.addi %broadcast_in_dim3A_285, %add3A_287 : vector<16xi32>
    %gather3A_289 = tpu.vector_load_idx %arg33[%add3A_288] : memref<528xi32, #tpu.memory_space<vmem>>[vector<16xi32>], vector<16xi32>,
    %broadcast_in_dim3A_290 = arith.constant 0 : i32
    %broadcast_in_dim3A_291 = vector.broadcast %broadcast_in_dim3A_290 : i32 to vector<16xi32>
    %add3A_292 = arith.constant 504 : i32
    %add3A_293 = vector.broadcast %add3A_292 : i32 to vector<16xi32>
    %add3A_294 = arith.addi %broadcast_in_dim3A_291, %add3A_293 : vector<16xi32>
    %gather3A_295 = tpu.vector_load_idx %arg15[%add3A_294] : memref<528xi32, #tpu.memory_space<vmem>>[vector<16xi32>], vector<16xi32>,
    %slice3A_296 = vector.extract_strided_slice %gather3A_289 {offsets = [0], sizes = [1], strides = [1]} : vector<16xi32> to vector<1xi32>
    %squeeze3A_297 = vector.extract %slice3A_296[0] : i32 from vector<1xi32>
    %slice3A_298 = vector.extract_strided_slice %gather3A_295 {offsets = [0], sizes = [1], strides = [1]} : vector<16xi32> to vector<1xi32>
    %squeeze3A_299 = vector.extract %slice3A_298[0] : i32 from vector<1xi32>
    %broadcast_in_dim3A_300 = arith.constant 0 : i32
    %broadcast_in_dim3A_301 = vector.broadcast %broadcast_in_dim3A_300 : i32 to vector<16xi32>
    %and3A = arith.constant 127 : i32
    %and3A_302 = arith.andi %squeeze3A_297, %and3A : i32
    %add3A_303 = vector.broadcast %and3A_302 : i32 to vector<16xi32>
    %add3A_304 = arith.addi %broadcast_in_dim3A_301, %add3A_303 : vector<16xi32>
    %broadcast_in_dim3A_305 = arith.constant 0 : i32
    %broadcast_in_dim3A_306 = vector.broadcast %broadcast_in_dim3A_305 : i32 to vector<16xi32>
    %and3A_307 = arith.constant 127 : i32
    %and3A_308 = arith.andi %squeeze3A_299, %and3A_307 : i32
    %add3A_309 = vector.broadcast %and3A_308 : i32 to vector<16xi32>
    %add3A_310 = arith.addi %broadcast_in_dim3A_306, %add3A_309 : vector<16xi32>
    %gather3A_311 = tpu.vector_load_idx %arg25[%iota3A, %add3A_304] : memref<32x128xf32, #tpu.memory_space<vmem>>[vector<16xi32>, vector<16xi32>], vector<16xf32>,
    %add3A_312 = arith.constant 16 : i32
    %add3A_313 = vector.broadcast %add3A_312 : i32 to vector<16xi32>
    %add3A_314 = arith.addi %iota3A, %add3A_313 : vector<16xi32>
    %gather3A_315 = tpu.vector_load_idx %arg25[%add3A_314, %add3A_304] : memref<32x128xf32, #tpu.memory_space<vmem>>[vector<16xi32>, vector<16xi32>], vector<16xf32>,
    %gather3A_316 = tpu.vector_load_idx %arg7[%iota3A, %add3A_310] : memref<32x128xf32, #tpu.memory_space<vmem>>[vector<16xi32>, vector<16xi32>], vector<16xf32>,
    %add3A_317 = arith.constant 16 : i32
    %add3A_318 = vector.broadcast %add3A_317 : i32 to vector<16xi32>
    %add3A_319 = arith.addi %iota3A, %add3A_318 : vector<16xi32>
    %gather3A_320 = tpu.vector_load_idx %arg7[%add3A_319, %add3A_310] : memref<32x128xf32, #tpu.memory_space<vmem>>[vector<16xi32>, vector<16xi32>], vector<16xf32>,
    %mul3A_321 = arith.mulf %gather3A_311, %gather3A_316 : vector<16xf32>
    %mul3A_322 = arith.mulf %gather3A_315, %gather3A_320 : vector<16xf32>
    %add3A_323 = arith.addf %mul3A_321, %mul3A_322 : vector<16xf32>
    %reduce_sum3A = arith.constant true
    %reduce_sum3A_324 = vector.broadcast %reduce_sum3A : i1 to vector<16xi1>
    %reduce_sum3A_325 = tpu.scan <sum>, %add3A_323 masked %reduce_sum3A_324 : vector<16xf32>, vector<16xi1> -> vector<16xf32>
    %reduce_sum3A_326 = vector.extract %reduce_sum3A_325[15] : f32 from vector<16xf32>
    %broadcast_in_dim3A_327 = arith.constant 0 : i32
    %broadcast_in_dim3A_328 = vector.broadcast %broadcast_in_dim3A_327 : i32 to vector<16xi32>
    %add3A_329 = arith.constant 504 : i32
    %add3A_330 = vector.broadcast %add3A_329 : i32 to vector<16xi32>
    %add3A_331 = arith.addi %broadcast_in_dim3A_328, %add3A_330 : vector<16xi32>
    %broadcast_in_dim3A_332 = arith.constant 0.000000e+00 : f32
    %broadcast_in_dim3A_333 = vector.broadcast %broadcast_in_dim3A_332 : f32 to vector<16xf32>
    %add3A_334 = vector.broadcast %reduce_sum3A_326 : f32 to vector<16xf32>
    %add3A_335 = arith.addf %broadcast_in_dim3A_333, %add3A_334 : vector<16xf32>
    %eq3A = arith.constant 0 : i32
    %eq3A_336 = vector.broadcast %eq3A : i32 to vector<16xi32>
    %eq3A_337 = arith.cmpi eq, %iota3A, %eq3A_336 : vector<16xi32>
    tpu.vector_store_idx %arg24[%add3A_331], %add3A_335 masked %eq3A_337 : memref<512xf32, #tpu.memory_space<vmem>>[vector<16xi32>], vector<16xf32>, vector<16xi1>
    %dma_wait3A_338 = arith.constant 0 : i32
    %dma_wait3A_339 = arith.constant 0 : i32
    %dma_wait3A_340 = tpu.memref_slice %arg4[%dma_wait3A_338, %dma_wait3A_339] : memref<32x1000000xf32, #tpu.memory_space<hbm>> -> memref<32x128xf32, #tpu.memory_space<hbm>>
    %dma_wait3A_341 = arith.constant 0 : i32
    %dma_wait3A_342 = arith.constant 0 : i32
    %dma_wait3A_343 = tpu.memref_slice %arg4[%dma_wait3A_341, %dma_wait3A_342] : memref<32x1000000xf32, #tpu.memory_space<hbm>> -> memref<32x128xf32, #tpu.memory_space<hbm>>
    tpu.wait_dma2 semaphore(%arg35 : memref<!tpu.dma_semaphore, #tpu.memory_space<semaphore_mem>>) src(%dma_wait3A_343 : memref<32x128xf32, #tpu.memory_space<hbm>>) dst(%arg26 : memref<32x128xf32, #tpu.memory_space<vmem>>)
    %dma_wait3A_344 = arith.constant 0 : i32
    %dma_wait3A_345 = arith.constant 0 : i32
    %dma_wait3A_346 = tpu.memref_slice %arg5[%dma_wait3A_344, %dma_wait3A_345] : memref<32x1000000xf32, #tpu.memory_space<hbm>> -> memref<32x128xf32, #tpu.memory_space<hbm>>
    %dma_wait3A_347 = arith.constant 0 : i32
    %dma_wait3A_348 = arith.constant 0 : i32
    %dma_wait3A_349 = tpu.memref_slice %arg5[%dma_wait3A_347, %dma_wait3A_348] : memref<32x1000000xf32, #tpu.memory_space<hbm>> -> memref<32x128xf32, #tpu.memory_space<hbm>>
    tpu.wait_dma2 semaphore(%arg17 : memref<!tpu.dma_semaphore, #tpu.memory_space<semaphore_mem>>) src(%dma_wait3A_349 : memref<32x128xf32, #tpu.memory_space<hbm>>) dst(%arg8 : memref<32x128xf32, #tpu.memory_space<vmem>>)
    %broadcast_in_dim3A_350 = arith.constant 0 : i32
    %broadcast_in_dim3A_351 = vector.broadcast %broadcast_in_dim3A_350 : i32 to vector<16xi32>
    %add3A_352 = arith.constant 505 : i32
    %add3A_353 = vector.broadcast %add3A_352 : i32 to vector<16xi32>
    %add3A_354 = arith.addi %broadcast_in_dim3A_351, %add3A_353 : vector<16xi32>
    %gather3A_355 = tpu.vector_load_idx %arg33[%add3A_354] : memref<528xi32, #tpu.memory_space<vmem>>[vector<16xi32>], vector<16xi32>,
    %broadcast_in_dim3A_356 = arith.constant 0 : i32
    %broadcast_in_dim3A_357 = vector.broadcast %broadcast_in_dim3A_356 : i32 to vector<16xi32>
    %add3A_358 = arith.constant 505 : i32
    %add3A_359 = vector.broadcast %add3A_358 : i32 to vector<16xi32>
    %add3A_360 = arith.addi %broadcast_in_dim3A_357, %add3A_359 : vector<16xi32>
    %gather3A_361 = tpu.vector_load_idx %arg15[%add3A_360] : memref<528xi32, #tpu.memory_space<vmem>>[vector<16xi32>], vector<16xi32>,
    %slice3A_362 = vector.extract_strided_slice %gather3A_355 {offsets = [0], sizes = [1], strides = [1]} : vector<16xi32> to vector<1xi32>
    %squeeze3A_363 = vector.extract %slice3A_362[0] : i32 from vector<1xi32>
    %slice3A_364 = vector.extract_strided_slice %gather3A_361 {offsets = [0], sizes = [1], strides = [1]} : vector<16xi32> to vector<1xi32>
    %squeeze3A_365 = vector.extract %slice3A_364[0] : i32 from vector<1xi32>
    %broadcast_in_dim3A_366 = arith.constant 0 : i32
    %broadcast_in_dim3A_367 = vector.broadcast %broadcast_in_dim3A_366 : i32 to vector<16xi32>
    %and3A_368 = arith.constant 127 : i32
    %and3A_369 = arith.andi %squeeze3A_363, %and3A_368 : i32
    %add3A_370 = vector.broadcast %and3A_369 : i32 to vector<16xi32>
    %add3A_371 = arith.addi %broadcast_in_dim3A_367, %add3A_370 : vector<16xi32>
    %broadcast_in_dim3A_372 = arith.constant 0 : i32
    %broadcast_in_dim3A_373 = vector.broadcast %broadcast_in_dim3A_372 : i32 to vector<16xi32>
    %and3A_374 = arith.constant 127 : i32
    %and3A_375 = arith.andi %squeeze3A_365, %and3A_374 : i32
    %add3A_376 = vector.broadcast %and3A_375 : i32 to vector<16xi32>
    %add3A_377 = arith.addi %broadcast_in_dim3A_373, %add3A_376 : vector<16xi32>
    %gather3A_378 = tpu.vector_load_idx %arg26[%iota3A, %add3A_371] : memref<32x128xf32, #tpu.memory_space<vmem>>[vector<16xi32>, vector<16xi32>], vector<16xf32>,
    %add3A_379 = arith.constant 16 : i32
    %add3A_380 = vector.broadcast %add3A_379 : i32 to vector<16xi32>
    %add3A_381 = arith.addi %iota3A, %add3A_380 : vector<16xi32>
    %gather3A_382 = tpu.vector_load_idx %arg26[%add3A_381, %add3A_371] : memref<32x128xf32, #tpu.memory_space<vmem>>[vector<16xi32>, vector<16xi32>], vector<16xf32>,
    %gather3A_383 = tpu.vector_load_idx %arg8[%iota3A, %add3A_377] : memref<32x128xf32, #tpu.memory_space<vmem>>[vector<16xi32>, vector<16xi32>], vector<16xf32>,
    %add3A_384 = arith.constant 16 : i32
    %add3A_385 = vector.broadcast %add3A_384 : i32 to vector<16xi32>
    %add3A_386 = arith.addi %iota3A, %add3A_385 : vector<16xi32>
    %gather3A_387 = tpu.vector_load_idx %arg8[%add3A_386, %add3A_377] : memref<32x128xf32, #tpu.memory_space<vmem>>[vector<16xi32>, vector<16xi32>], vector<16xf32>,
    %mul3A_388 = arith.mulf %gather3A_378, %gather3A_383 : vector<16xf32>
    %mul3A_389 = arith.mulf %gather3A_382, %gather3A_387 : vector<16xf32>
    %add3A_390 = arith.addf %mul3A_388, %mul3A_389 : vector<16xf32>
    %reduce_sum3A_391 = arith.constant true
    %reduce_sum3A_392 = vector.broadcast %reduce_sum3A_391 : i1 to vector<16xi1>
    %reduce_sum3A_393 = tpu.scan <sum>, %add3A_390 masked %reduce_sum3A_392 : vector<16xf32>, vector<16xi1> -> vector<16xf32>
    %reduce_sum3A_394 = vector.extract %reduce_sum3A_393[15] : f32 from vector<16xf32>
    %broadcast_in_dim3A_395 = arith.constant 0 : i32
    %broadcast_in_dim3A_396 = vector.broadcast %broadcast_in_dim3A_395 : i32 to vector<16xi32>
    %add3A_397 = arith.constant 505 : i32
    %add3A_398 = vector.broadcast %add3A_397 : i32 to vector<16xi32>
    %add3A_399 = arith.addi %broadcast_in_dim3A_396, %add3A_398 : vector<16xi32>
    %broadcast_in_dim3A_400 = arith.constant 0.000000e+00 : f32
    %broadcast_in_dim3A_401 = vector.broadcast %broadcast_in_dim3A_400 : f32 to vector<16xf32>
    %add3A_402 = vector.broadcast %reduce_sum3A_394 : f32 to vector<16xf32>
    %add3A_403 = arith.addf %broadcast_in_dim3A_401, %add3A_402 : vector<16xf32>
    %eq3A_404 = arith.constant 0 : i32
    %eq3A_405 = vector.broadcast %eq3A_404 : i32 to vector<16xi32>
    %eq3A_406 = arith.cmpi eq, %iota3A, %eq3A_405 : vector<16xi32>
    tpu.vector_store_idx %arg24[%add3A_399], %add3A_403 masked %eq3A_406 : memref<512xf32, #tpu.memory_space<vmem>>[vector<16xi32>], vector<16xf32>, vector<16xi1>
    %dma_wait3A_407 = arith.constant 0 : i32
    %dma_wait3A_408 = arith.constant 0 : i32
    %dma_wait3A_409 = tpu.memref_slice %arg4[%dma_wait3A_407, %dma_wait3A_408] : memref<32x1000000xf32, #tpu.memory_space<hbm>> -> memref<32x128xf32, #tpu.memory_space<hbm>>
    %dma_wait3A_410 = arith.constant 0 : i32
    %dma_wait3A_411 = arith.constant 0 : i32
    %dma_wait3A_412 = tpu.memref_slice %arg4[%dma_wait3A_410, %dma_wait3A_411] : memref<32x1000000xf32, #tpu.memory_space<hbm>> -> memref<32x128xf32, #tpu.memory_space<hbm>>
    tpu.wait_dma2 semaphore(%arg36 : memref<!tpu.dma_semaphore, #tpu.memory_space<semaphore_mem>>) src(%dma_wait3A_412 : memref<32x128xf32, #tpu.memory_space<hbm>>) dst(%arg27 : memref<32x128xf32, #tpu.memory_space<vmem>>)
    %dma_wait3A_413 = arith.constant 0 : i32
    %dma_wait3A_414 = arith.constant 0 : i32
    %dma_wait3A_415 = tpu.memref_slice %arg5[%dma_wait3A_413, %dma_wait3A_414] : memref<32x1000000xf32, #tpu.memory_space<hbm>> -> memref<32x128xf32, #tpu.memory_space<hbm>>
    %dma_wait3A_416 = arith.constant 0 : i32
    %dma_wait3A_417 = arith.constant 0 : i32
    %dma_wait3A_418 = tpu.memref_slice %arg5[%dma_wait3A_416, %dma_wait3A_417] : memref<32x1000000xf32, #tpu.memory_space<hbm>> -> memref<32x128xf32, #tpu.memory_space<hbm>>
    tpu.wait_dma2 semaphore(%arg18 : memref<!tpu.dma_semaphore, #tpu.memory_space<semaphore_mem>>) src(%dma_wait3A_418 : memref<32x128xf32, #tpu.memory_space<hbm>>) dst(%arg9 : memref<32x128xf32, #tpu.memory_space<vmem>>)
    %broadcast_in_dim3A_419 = arith.constant 0 : i32
    %broadcast_in_dim3A_420 = vector.broadcast %broadcast_in_dim3A_419 : i32 to vector<16xi32>
    %add3A_421 = arith.constant 506 : i32
    %add3A_422 = vector.broadcast %add3A_421 : i32 to vector<16xi32>
    %add3A_423 = arith.addi %broadcast_in_dim3A_420, %add3A_422 : vector<16xi32>
    %gather3A_424 = tpu.vector_load_idx %arg33[%add3A_423] : memref<528xi32, #tpu.memory_space<vmem>>[vector<16xi32>], vector<16xi32>,
    %broadcast_in_dim3A_425 = arith.constant 0 : i32
    %broadcast_in_dim3A_426 = vector.broadcast %broadcast_in_dim3A_425 : i32 to vector<16xi32>
    %add3A_427 = arith.constant 506 : i32
    %add3A_428 = vector.broadcast %add3A_427 : i32 to vector<16xi32>
    %add3A_429 = arith.addi %broadcast_in_dim3A_426, %add3A_428 : vector<16xi32>
    %gather3A_430 = tpu.vector_load_idx %arg15[%add3A_429] : memref<528xi32, #tpu.memory_space<vmem>>[vector<16xi32>], vector<16xi32>,
    %slice3A_431 = vector.extract_strided_slice %gather3A_424 {offsets = [0], sizes = [1], strides = [1]} : vector<16xi32> to vector<1xi32>
    %squeeze3A_432 = vector.extract %slice3A_431[0] : i32 from vector<1xi32>
    %slice3A_433 = vector.extract_strided_slice %gather3A_430 {offsets = [0], sizes = [1], strides = [1]} : vector<16xi32> to vector<1xi32>
    %squeeze3A_434 = vector.extract %slice3A_433[0] : i32 from vector<1xi32>
    %broadcast_in_dim3A_435 = arith.constant 0 : i32
    %broadcast_in_dim3A_436 = vector.broadcast %broadcast_in_dim3A_435 : i32 to vector<16xi32>
    %and3A_437 = arith.constant 127 : i32
    %and3A_438 = arith.andi %squeeze3A_432, %and3A_437 : i32
    %add3A_439 = vector.broadcast %and3A_438 : i32 to vector<16xi32>
    %add3A_440 = arith.addi %broadcast_in_dim3A_436, %add3A_439 : vector<16xi32>
    %broadcast_in_dim3A_441 = arith.constant 0 : i32
    %broadcast_in_dim3A_442 = vector.broadcast %broadcast_in_dim3A_441 : i32 to vector<16xi32>
    %and3A_443 = arith.constant 127 : i32
    %and3A_444 = arith.andi %squeeze3A_434, %and3A_443 : i32
    %add3A_445 = vector.broadcast %and3A_444 : i32 to vector<16xi32>
    %add3A_446 = arith.addi %broadcast_in_dim3A_442, %add3A_445 : vector<16xi32>
    %gather3A_447 = tpu.vector_load_idx %arg27[%iota3A, %add3A_440] : memref<32x128xf32, #tpu.memory_space<vmem>>[vector<16xi32>, vector<16xi32>], vector<16xf32>,
    %add3A_448 = arith.constant 16 : i32
    %add3A_449 = vector.broadcast %add3A_448 : i32 to vector<16xi32>
    %add3A_450 = arith.addi %iota3A, %add3A_449 : vector<16xi32>
    %gather3A_451 = tpu.vector_load_idx %arg27[%add3A_450, %add3A_440] : memref<32x128xf32, #tpu.memory_space<vmem>>[vector<16xi32>, vector<16xi32>], vector<16xf32>,
    %gather3A_452 = tpu.vector_load_idx %arg9[%iota3A, %add3A_446] : memref<32x128xf32, #tpu.memory_space<vmem>>[vector<16xi32>, vector<16xi32>], vector<16xf32>,
    %add3A_453 = arith.constant 16 : i32
    %add3A_454 = vector.broadcast %add3A_453 : i32 to vector<16xi32>
    %add3A_455 = arith.addi %iota3A, %add3A_454 : vector<16xi32>
    %gather3A_456 = tpu.vector_load_idx %arg9[%add3A_455, %add3A_446] : memref<32x128xf32, #tpu.memory_space<vmem>>[vector<16xi32>, vector<16xi32>], vector<16xf32>,
    %mul3A_457 = arith.mulf %gather3A_447, %gather3A_452 : vector<16xf32>
    %mul3A_458 = arith.mulf %gather3A_451, %gather3A_456 : vector<16xf32>
    %add3A_459 = arith.addf %mul3A_457, %mul3A_458 : vector<16xf32>
    %reduce_sum3A_460 = arith.constant true
    %reduce_sum3A_461 = vector.broadcast %reduce_sum3A_460 : i1 to vector<16xi1>
    %reduce_sum3A_462 = tpu.scan <sum>, %add3A_459 masked %reduce_sum3A_461 : vector<16xf32>, vector<16xi1> -> vector<16xf32>
    %reduce_sum3A_463 = vector.extract %reduce_sum3A_462[15] : f32 from vector<16xf32>
    %broadcast_in_dim3A_464 = arith.constant 0 : i32
    %broadcast_in_dim3A_465 = vector.broadcast %broadcast_in_dim3A_464 : i32 to vector<16xi32>
    %add3A_466 = arith.constant 506 : i32
    %add3A_467 = vector.broadcast %add3A_466 : i32 to vector<16xi32>
    %add3A_468 = arith.addi %broadcast_in_dim3A_465, %add3A_467 : vector<16xi32>
    %broadcast_in_dim3A_469 = arith.constant 0.000000e+00 : f32
    %broadcast_in_dim3A_470 = vector.broadcast %broadcast_in_dim3A_469 : f32 to vector<16xf32>
    %add3A_471 = vector.broadcast %reduce_sum3A_463 : f32 to vector<16xf32>
    %add3A_472 = arith.addf %broadcast_in_dim3A_470, %add3A_471 : vector<16xf32>
    %eq3A_473 = arith.constant 0 : i32
    %eq3A_474 = vector.broadcast %eq3A_473 : i32 to vector<16xi32>
    %eq3A_475 = arith.cmpi eq, %iota3A, %eq3A_474 : vector<16xi32>
    tpu.vector_store_idx %arg24[%add3A_468], %add3A_472 masked %eq3A_475 : memref<512xf32, #tpu.memory_space<vmem>>[vector<16xi32>], vector<16xf32>, vector<16xi1>
    %dma_wait3A_476 = arith.constant 0 : i32
    %dma_wait3A_477 = arith.constant 0 : i32
    %dma_wait3A_478 = tpu.memref_slice %arg4[%dma_wait3A_476, %dma_wait3A_477] : memref<32x1000000xf32, #tpu.memory_space<hbm>> -> memref<32x128xf32, #tpu.memory_space<hbm>>
    %dma_wait3A_479 = arith.constant 0 : i32
    %dma_wait3A_480 = arith.constant 0 : i32
    %dma_wait3A_481 = tpu.memref_slice %arg4[%dma_wait3A_479, %dma_wait3A_480] : memref<32x1000000xf32, #tpu.memory_space<hbm>> -> memref<32x128xf32, #tpu.memory_space<hbm>>
    tpu.wait_dma2 semaphore(%arg37 : memref<!tpu.dma_semaphore, #tpu.memory_space<semaphore_mem>>) src(%dma_wait3A_481 : memref<32x128xf32, #tpu.memory_space<hbm>>) dst(%arg28 : memref<32x128xf32, #tpu.memory_space<vmem>>)
    %dma_wait3A_482 = arith.constant 0 : i32
    %dma_wait3A_483 = arith.constant 0 : i32
    %dma_wait3A_484 = tpu.memref_slice %arg5[%dma_wait3A_482, %dma_wait3A_483] : memref<32x1000000xf32, #tpu.memory_space<hbm>> -> memref<32x128xf32, #tpu.memory_space<hbm>>
    %dma_wait3A_485 = arith.constant 0 : i32
    %dma_wait3A_486 = arith.constant 0 : i32
    %dma_wait3A_487 = tpu.memref_slice %arg5[%dma_wait3A_485, %dma_wait3A_486] : memref<32x1000000xf32, #tpu.memory_space<hbm>> -> memref<32x128xf32, #tpu.memory_space<hbm>>
    tpu.wait_dma2 semaphore(%arg19 : memref<!tpu.dma_semaphore, #tpu.memory_space<semaphore_mem>>) src(%dma_wait3A_487 : memref<32x128xf32, #tpu.memory_space<hbm>>) dst(%arg10 : memref<32x128xf32, #tpu.memory_space<vmem>>)
    %broadcast_in_dim3A_488 = arith.constant 0 : i32
    %broadcast_in_dim3A_489 = vector.broadcast %broadcast_in_dim3A_488 : i32 to vector<16xi32>
    %add3A_490 = arith.constant 507 : i32
    %add3A_491 = vector.broadcast %add3A_490 : i32 to vector<16xi32>
    %add3A_492 = arith.addi %broadcast_in_dim3A_489, %add3A_491 : vector<16xi32>
    %gather3A_493 = tpu.vector_load_idx %arg33[%add3A_492] : memref<528xi32, #tpu.memory_space<vmem>>[vector<16xi32>], vector<16xi32>,
    %broadcast_in_dim3A_494 = arith.constant 0 : i32
    %broadcast_in_dim3A_495 = vector.broadcast %broadcast_in_dim3A_494 : i32 to vector<16xi32>
    %add3A_496 = arith.constant 507 : i32
    %add3A_497 = vector.broadcast %add3A_496 : i32 to vector<16xi32>
    %add3A_498 = arith.addi %broadcast_in_dim3A_495, %add3A_497 : vector<16xi32>
    %gather3A_499 = tpu.vector_load_idx %arg15[%add3A_498] : memref<528xi32, #tpu.memory_space<vmem>>[vector<16xi32>], vector<16xi32>,
    %slice3A_500 = vector.extract_strided_slice %gather3A_493 {offsets = [0], sizes = [1], strides = [1]} : vector<16xi32> to vector<1xi32>
    %squeeze3A_501 = vector.extract %slice3A_500[0] : i32 from vector<1xi32>
    %slice3A_502 = vector.extract_strided_slice %gather3A_499 {offsets = [0], sizes = [1], strides = [1]} : vector<16xi32> to vector<1xi32>
    %squeeze3A_503 = vector.extract %slice3A_502[0] : i32 from vector<1xi32>
    %broadcast_in_dim3A_504 = arith.constant 0 : i32
    %broadcast_in_dim3A_505 = vector.broadcast %broadcast_in_dim3A_504 : i32 to vector<16xi32>
    %and3A_506 = arith.constant 127 : i32
    %and3A_507 = arith.andi %squeeze3A_501, %and3A_506 : i32
    %add3A_508 = vector.broadcast %and3A_507 : i32 to vector<16xi32>
    %add3A_509 = arith.addi %broadcast_in_dim3A_505, %add3A_508 : vector<16xi32>
    %broadcast_in_dim3A_510 = arith.constant 0 : i32
    %broadcast_in_dim3A_511 = vector.broadcast %broadcast_in_dim3A_510 : i32 to vector<16xi32>
    %and3A_512 = arith.constant 127 : i32
    %and3A_513 = arith.andi %squeeze3A_503, %and3A_512 : i32
    %add3A_514 = vector.broadcast %and3A_513 : i32 to vector<16xi32>
    %add3A_515 = arith.addi %broadcast_in_dim3A_511, %add3A_514 : vector<16xi32>
    %gather3A_516 = tpu.vector_load_idx %arg28[%iota3A, %add3A_509] : memref<32x128xf32, #tpu.memory_space<vmem>>[vector<16xi32>, vector<16xi32>], vector<16xf32>,
    %add3A_517 = arith.constant 16 : i32
    %add3A_518 = vector.broadcast %add3A_517 : i32 to vector<16xi32>
    %add3A_519 = arith.addi %iota3A, %add3A_518 : vector<16xi32>
    %gather3A_520 = tpu.vector_load_idx %arg28[%add3A_519, %add3A_509] : memref<32x128xf32, #tpu.memory_space<vmem>>[vector<16xi32>, vector<16xi32>], vector<16xf32>,
    %gather3A_521 = tpu.vector_load_idx %arg10[%iota3A, %add3A_515] : memref<32x128xf32, #tpu.memory_space<vmem>>[vector<16xi32>, vector<16xi32>], vector<16xf32>,
    %add3A_522 = arith.constant 16 : i32
    %add3A_523 = vector.broadcast %add3A_522 : i32 to vector<16xi32>
    %add3A_524 = arith.addi %iota3A, %add3A_523 : vector<16xi32>
    %gather3A_525 = tpu.vector_load_idx %arg10[%add3A_524, %add3A_515] : memref<32x128xf32, #tpu.memory_space<vmem>>[vector<16xi32>, vector<16xi32>], vector<16xf32>,
    %mul3A_526 = arith.mulf %gather3A_516, %gather3A_521 : vector<16xf32>
    %mul3A_527 = arith.mulf %gather3A_520, %gather3A_525 : vector<16xf32>
    %add3A_528 = arith.addf %mul3A_526, %mul3A_527 : vector<16xf32>
    %reduce_sum3A_529 = arith.constant true
    %reduce_sum3A_530 = vector.broadcast %reduce_sum3A_529 : i1 to vector<16xi1>
    %reduce_sum3A_531 = tpu.scan <sum>, %add3A_528 masked %reduce_sum3A_530 : vector<16xf32>, vector<16xi1> -> vector<16xf32>
    %reduce_sum3A_532 = vector.extract %reduce_sum3A_531[15] : f32 from vector<16xf32>
    %broadcast_in_dim3A_533 = arith.constant 0 : i32
    %broadcast_in_dim3A_534 = vector.broadcast %broadcast_in_dim3A_533 : i32 to vector<16xi32>
    %add3A_535 = arith.constant 507 : i32
    %add3A_536 = vector.broadcast %add3A_535 : i32 to vector<16xi32>
    %add3A_537 = arith.addi %broadcast_in_dim3A_534, %add3A_536 : vector<16xi32>
    %broadcast_in_dim3A_538 = arith.constant 0.000000e+00 : f32
    %broadcast_in_dim3A_539 = vector.broadcast %broadcast_in_dim3A_538 : f32 to vector<16xf32>
    %add3A_540 = vector.broadcast %reduce_sum3A_532 : f32 to vector<16xf32>
    %add3A_541 = arith.addf %broadcast_in_dim3A_539, %add3A_540 : vector<16xf32>
    %eq3A_542 = arith.constant 0 : i32
    %eq3A_543 = vector.broadcast %eq3A_542 : i32 to vector<16xi32>
    %eq3A_544 = arith.cmpi eq, %iota3A, %eq3A_543 : vector<16xi32>
    tpu.vector_store_idx %arg24[%add3A_537], %add3A_541 masked %eq3A_544 : memref<512xf32, #tpu.memory_space<vmem>>[vector<16xi32>], vector<16xf32>, vector<16xi1>
    %dma_wait3A_545 = arith.constant 0 : i32
    %dma_wait3A_546 = arith.constant 0 : i32
    %dma_wait3A_547 = tpu.memref_slice %arg4[%dma_wait3A_545, %dma_wait3A_546] : memref<32x1000000xf32, #tpu.memory_space<hbm>> -> memref<32x128xf32, #tpu.memory_space<hbm>>
    %dma_wait3A_548 = arith.constant 0 : i32
    %dma_wait3A_549 = arith.constant 0 : i32
    %dma_wait3A_550 = tpu.memref_slice %arg4[%dma_wait3A_548, %dma_wait3A_549] : memref<32x1000000xf32, #tpu.memory_space<hbm>> -> memref<32x128xf32, #tpu.memory_space<hbm>>
    tpu.wait_dma2 semaphore(%arg38 : memref<!tpu.dma_semaphore, #tpu.memory_space<semaphore_mem>>) src(%dma_wait3A_550 : memref<32x128xf32, #tpu.memory_space<hbm>>) dst(%arg29 : memref<32x128xf32, #tpu.memory_space<vmem>>)
    %dma_wait3A_551 = arith.constant 0 : i32
    %dma_wait3A_552 = arith.constant 0 : i32
    %dma_wait3A_553 = tpu.memref_slice %arg5[%dma_wait3A_551, %dma_wait3A_552] : memref<32x1000000xf32, #tpu.memory_space<hbm>> -> memref<32x128xf32, #tpu.memory_space<hbm>>
    %dma_wait3A_554 = arith.constant 0 : i32
    %dma_wait3A_555 = arith.constant 0 : i32
    %dma_wait3A_556 = tpu.memref_slice %arg5[%dma_wait3A_554, %dma_wait3A_555] : memref<32x1000000xf32, #tpu.memory_space<hbm>> -> memref<32x128xf32, #tpu.memory_space<hbm>>
    tpu.wait_dma2 semaphore(%arg20 : memref<!tpu.dma_semaphore, #tpu.memory_space<semaphore_mem>>) src(%dma_wait3A_556 : memref<32x128xf32, #tpu.memory_space<hbm>>) dst(%arg11 : memref<32x128xf32, #tpu.memory_space<vmem>>)
    %broadcast_in_dim3A_557 = arith.constant 0 : i32
    %broadcast_in_dim3A_558 = vector.broadcast %broadcast_in_dim3A_557 : i32 to vector<16xi32>
    %add3A_559 = arith.constant 508 : i32
    %add3A_560 = vector.broadcast %add3A_559 : i32 to vector<16xi32>
    %add3A_561 = arith.addi %broadcast_in_dim3A_558, %add3A_560 : vector<16xi32>
    %gather3A_562 = tpu.vector_load_idx %arg33[%add3A_561] : memref<528xi32, #tpu.memory_space<vmem>>[vector<16xi32>], vector<16xi32>,
    %broadcast_in_dim3A_563 = arith.constant 0 : i32
    %broadcast_in_dim3A_564 = vector.broadcast %broadcast_in_dim3A_563 : i32 to vector<16xi32>
    %add3A_565 = arith.constant 508 : i32
    %add3A_566 = vector.broadcast %add3A_565 : i32 to vector<16xi32>
    %add3A_567 = arith.addi %broadcast_in_dim3A_564, %add3A_566 : vector<16xi32>
    %gather3A_568 = tpu.vector_load_idx %arg15[%add3A_567] : memref<528xi32, #tpu.memory_space<vmem>>[vector<16xi32>], vector<16xi32>,
    %slice3A_569 = vector.extract_strided_slice %gather3A_562 {offsets = [0], sizes = [1], strides = [1]} : vector<16xi32> to vector<1xi32>
    %squeeze3A_570 = vector.extract %slice3A_569[0] : i32 from vector<1xi32>
    %slice3A_571 = vector.extract_strided_slice %gather3A_568 {offsets = [0], sizes = [1], strides = [1]} : vector<16xi32> to vector<1xi32>
    %squeeze3A_572 = vector.extract %slice3A_571[0] : i32 from vector<1xi32>
    %broadcast_in_dim3A_573 = arith.constant 0 : i32
    %broadcast_in_dim3A_574 = vector.broadcast %broadcast_in_dim3A_573 : i32 to vector<16xi32>
    %and3A_575 = arith.constant 127 : i32
    %and3A_576 = arith.andi %squeeze3A_570, %and3A_575 : i32
    %add3A_577 = vector.broadcast %and3A_576 : i32 to vector<16xi32>
    %add3A_578 = arith.addi %broadcast_in_dim3A_574, %add3A_577 : vector<16xi32>
    %broadcast_in_dim3A_579 = arith.constant 0 : i32
    %broadcast_in_dim3A_580 = vector.broadcast %broadcast_in_dim3A_579 : i32 to vector<16xi32>
    %and3A_581 = arith.constant 127 : i32
    %and3A_582 = arith.andi %squeeze3A_572, %and3A_581 : i32
    %add3A_583 = vector.broadcast %and3A_582 : i32 to vector<16xi32>
    %add3A_584 = arith.addi %broadcast_in_dim3A_580, %add3A_583 : vector<16xi32>
    %gather3A_585 = tpu.vector_load_idx %arg29[%iota3A, %add3A_578] : memref<32x128xf32, #tpu.memory_space<vmem>>[vector<16xi32>, vector<16xi32>], vector<16xf32>,
    %add3A_586 = arith.constant 16 : i32
    %add3A_587 = vector.broadcast %add3A_586 : i32 to vector<16xi32>
    %add3A_588 = arith.addi %iota3A, %add3A_587 : vector<16xi32>
    %gather3A_589 = tpu.vector_load_idx %arg29[%add3A_588, %add3A_578] : memref<32x128xf32, #tpu.memory_space<vmem>>[vector<16xi32>, vector<16xi32>], vector<16xf32>,
    %gather3A_590 = tpu.vector_load_idx %arg11[%iota3A, %add3A_584] : memref<32x128xf32, #tpu.memory_space<vmem>>[vector<16xi32>, vector<16xi32>], vector<16xf32>,
    %add3A_591 = arith.constant 16 : i32
    %add3A_592 = vector.broadcast %add3A_591 : i32 to vector<16xi32>
    %add3A_593 = arith.addi %iota3A, %add3A_592 : vector<16xi32>
    %gather3A_594 = tpu.vector_load_idx %arg11[%add3A_593, %add3A_584] : memref<32x128xf32, #tpu.memory_space<vmem>>[vector<16xi32>, vector<16xi32>], vector<16xf32>,
    %mul3A_595 = arith.mulf %gather3A_585, %gather3A_590 : vector<16xf32>
    %mul3A_596 = arith.mulf %gather3A_589, %gather3A_594 : vector<16xf32>
    %add3A_597 = arith.addf %mul3A_595, %mul3A_596 : vector<16xf32>
    %reduce_sum3A_598 = arith.constant true
    %reduce_sum3A_599 = vector.broadcast %reduce_sum3A_598 : i1 to vector<16xi1>
    %reduce_sum3A_600 = tpu.scan <sum>, %add3A_597 masked %reduce_sum3A_599 : vector<16xf32>, vector<16xi1> -> vector<16xf32>
    %reduce_sum3A_601 = vector.extract %reduce_sum3A_600[15] : f32 from vector<16xf32>
    %broadcast_in_dim3A_602 = arith.constant 0 : i32
    %broadcast_in_dim3A_603 = vector.broadcast %broadcast_in_dim3A_602 : i32 to vector<16xi32>
    %add3A_604 = arith.constant 508 : i32
    %add3A_605 = vector.broadcast %add3A_604 : i32 to vector<16xi32>
    %add3A_606 = arith.addi %broadcast_in_dim3A_603, %add3A_605 : vector<16xi32>
    %broadcast_in_dim3A_607 = arith.constant 0.000000e+00 : f32
    %broadcast_in_dim3A_608 = vector.broadcast %broadcast_in_dim3A_607 : f32 to vector<16xf32>
    %add3A_609 = vector.broadcast %reduce_sum3A_601 : f32 to vector<16xf32>
    %add3A_610 = arith.addf %broadcast_in_dim3A_608, %add3A_609 : vector<16xf32>
    %eq3A_611 = arith.constant 0 : i32
    %eq3A_612 = vector.broadcast %eq3A_611 : i32 to vector<16xi32>
    %eq3A_613 = arith.cmpi eq, %iota3A, %eq3A_612 : vector<16xi32>
    tpu.vector_store_idx %arg24[%add3A_606], %add3A_610 masked %eq3A_613 : memref<512xf32, #tpu.memory_space<vmem>>[vector<16xi32>], vector<16xf32>, vector<16xi1>
    %dma_wait3A_614 = arith.constant 0 : i32
    %dma_wait3A_615 = arith.constant 0 : i32
    %dma_wait3A_616 = tpu.memref_slice %arg4[%dma_wait3A_614, %dma_wait3A_615] : memref<32x1000000xf32, #tpu.memory_space<hbm>> -> memref<32x128xf32, #tpu.memory_space<hbm>>
    %dma_wait3A_617 = arith.constant 0 : i32
    %dma_wait3A_618 = arith.constant 0 : i32
    %dma_wait3A_619 = tpu.memref_slice %arg4[%dma_wait3A_617, %dma_wait3A_618] : memref<32x1000000xf32, #tpu.memory_space<hbm>> -> memref<32x128xf32, #tpu.memory_space<hbm>>
    tpu.wait_dma2 semaphore(%arg39 : memref<!tpu.dma_semaphore, #tpu.memory_space<semaphore_mem>>) src(%dma_wait3A_619 : memref<32x128xf32, #tpu.memory_space<hbm>>) dst(%arg30 : memref<32x128xf32, #tpu.memory_space<vmem>>)
    %dma_wait3A_620 = arith.constant 0 : i32
    %dma_wait3A_621 = arith.constant 0 : i32
    %dma_wait3A_622 = tpu.memref_slice %arg5[%dma_wait3A_620, %dma_wait3A_621] : memref<32x1000000xf32, #tpu.memory_space<hbm>> -> memref<32x128xf32, #tpu.memory_space<hbm>>
    %dma_wait3A_623 = arith.constant 0 : i32
    %dma_wait3A_624 = arith.constant 0 : i32
    %dma_wait3A_625 = tpu.memref_slice %arg5[%dma_wait3A_623, %dma_wait3A_624] : memref<32x1000000xf32, #tpu.memory_space<hbm>> -> memref<32x128xf32, #tpu.memory_space<hbm>>
    tpu.wait_dma2 semaphore(%arg21 : memref<!tpu.dma_semaphore, #tpu.memory_space<semaphore_mem>>) src(%dma_wait3A_625 : memref<32x128xf32, #tpu.memory_space<hbm>>) dst(%arg12 : memref<32x128xf32, #tpu.memory_space<vmem>>)
    %broadcast_in_dim3A_626 = arith.constant 0 : i32
    %broadcast_in_dim3A_627 = vector.broadcast %broadcast_in_dim3A_626 : i32 to vector<16xi32>
    %add3A_628 = arith.constant 509 : i32
    %add3A_629 = vector.broadcast %add3A_628 : i32 to vector<16xi32>
    %add3A_630 = arith.addi %broadcast_in_dim3A_627, %add3A_629 : vector<16xi32>
    %gather3A_631 = tpu.vector_load_idx %arg33[%add3A_630] : memref<528xi32, #tpu.memory_space<vmem>>[vector<16xi32>], vector<16xi32>,
    %broadcast_in_dim3A_632 = arith.constant 0 : i32
    %broadcast_in_dim3A_633 = vector.broadcast %broadcast_in_dim3A_632 : i32 to vector<16xi32>
    %add3A_634 = arith.constant 509 : i32
    %add3A_635 = vector.broadcast %add3A_634 : i32 to vector<16xi32>
    %add3A_636 = arith.addi %broadcast_in_dim3A_633, %add3A_635 : vector<16xi32>
    %gather3A_637 = tpu.vector_load_idx %arg15[%add3A_636] : memref<528xi32, #tpu.memory_space<vmem>>[vector<16xi32>], vector<16xi32>,
    %slice3A_638 = vector.extract_strided_slice %gather3A_631 {offsets = [0], sizes = [1], strides = [1]} : vector<16xi32> to vector<1xi32>
    %squeeze3A_639 = vector.extract %slice3A_638[0] : i32 from vector<1xi32>
    %slice3A_640 = vector.extract_strided_slice %gather3A_637 {offsets = [0], sizes = [1], strides = [1]} : vector<16xi32> to vector<1xi32>
    %squeeze3A_641 = vector.extract %slice3A_640[0] : i32 from vector<1xi32>
    %broadcast_in_dim3A_642 = arith.constant 0 : i32
    %broadcast_in_dim3A_643 = vector.broadcast %broadcast_in_dim3A_642 : i32 to vector<16xi32>
    %and3A_644 = arith.constant 127 : i32
    %and3A_645 = arith.andi %squeeze3A_639, %and3A_644 : i32
    %add3A_646 = vector.broadcast %and3A_645 : i32 to vector<16xi32>
    %add3A_647 = arith.addi %broadcast_in_dim3A_643, %add3A_646 : vector<16xi32>
    %broadcast_in_dim3A_648 = arith.constant 0 : i32
    %broadcast_in_dim3A_649 = vector.broadcast %broadcast_in_dim3A_648 : i32 to vector<16xi32>
    %and3A_650 = arith.constant 127 : i32
    %and3A_651 = arith.andi %squeeze3A_641, %and3A_650 : i32
    %add3A_652 = vector.broadcast %and3A_651 : i32 to vector<16xi32>
    %add3A_653 = arith.addi %broadcast_in_dim3A_649, %add3A_652 : vector<16xi32>
    %gather3A_654 = tpu.vector_load_idx %arg30[%iota3A, %add3A_647] : memref<32x128xf32, #tpu.memory_space<vmem>>[vector<16xi32>, vector<16xi32>], vector<16xf32>,
    %add3A_655 = arith.constant 16 : i32
    %add3A_656 = vector.broadcast %add3A_655 : i32 to vector<16xi32>
    %add3A_657 = arith.addi %iota3A, %add3A_656 : vector<16xi32>
    %gather3A_658 = tpu.vector_load_idx %arg30[%add3A_657, %add3A_647] : memref<32x128xf32, #tpu.memory_space<vmem>>[vector<16xi32>, vector<16xi32>], vector<16xf32>,
    %gather3A_659 = tpu.vector_load_idx %arg12[%iota3A, %add3A_653] : memref<32x128xf32, #tpu.memory_space<vmem>>[vector<16xi32>, vector<16xi32>], vector<16xf32>,
    %add3A_660 = arith.constant 16 : i32
    %add3A_661 = vector.broadcast %add3A_660 : i32 to vector<16xi32>
    %add3A_662 = arith.addi %iota3A, %add3A_661 : vector<16xi32>
    %gather3A_663 = tpu.vector_load_idx %arg12[%add3A_662, %add3A_653] : memref<32x128xf32, #tpu.memory_space<vmem>>[vector<16xi32>, vector<16xi32>], vector<16xf32>,
    %mul3A_664 = arith.mulf %gather3A_654, %gather3A_659 : vector<16xf32>
    %mul3A_665 = arith.mulf %gather3A_658, %gather3A_663 : vector<16xf32>
    %add3A_666 = arith.addf %mul3A_664, %mul3A_665 : vector<16xf32>
    %reduce_sum3A_667 = arith.constant true
    %reduce_sum3A_668 = vector.broadcast %reduce_sum3A_667 : i1 to vector<16xi1>
    %reduce_sum3A_669 = tpu.scan <sum>, %add3A_666 masked %reduce_sum3A_668 : vector<16xf32>, vector<16xi1> -> vector<16xf32>
    %reduce_sum3A_670 = vector.extract %reduce_sum3A_669[15] : f32 from vector<16xf32>
    %broadcast_in_dim3A_671 = arith.constant 0 : i32
    %broadcast_in_dim3A_672 = vector.broadcast %broadcast_in_dim3A_671 : i32 to vector<16xi32>
    %add3A_673 = arith.constant 509 : i32
    %add3A_674 = vector.broadcast %add3A_673 : i32 to vector<16xi32>
    %add3A_675 = arith.addi %broadcast_in_dim3A_672, %add3A_674 : vector<16xi32>
    %broadcast_in_dim3A_676 = arith.constant 0.000000e+00 : f32
    %broadcast_in_dim3A_677 = vector.broadcast %broadcast_in_dim3A_676 : f32 to vector<16xf32>
    %add3A_678 = vector.broadcast %reduce_sum3A_670 : f32 to vector<16xf32>
    %add3A_679 = arith.addf %broadcast_in_dim3A_677, %add3A_678 : vector<16xf32>
    %eq3A_680 = arith.constant 0 : i32
    %eq3A_681 = vector.broadcast %eq3A_680 : i32 to vector<16xi32>
    %eq3A_682 = arith.cmpi eq, %iota3A, %eq3A_681 : vector<16xi32>
    tpu.vector_store_idx %arg24[%add3A_675], %add3A_679 masked %eq3A_682 : memref<512xf32, #tpu.memory_space<vmem>>[vector<16xi32>], vector<16xf32>, vector<16xi1>
    %dma_wait3A_683 = arith.constant 0 : i32
    %dma_wait3A_684 = arith.constant 0 : i32
    %dma_wait3A_685 = tpu.memref_slice %arg4[%dma_wait3A_683, %dma_wait3A_684] : memref<32x1000000xf32, #tpu.memory_space<hbm>> -> memref<32x128xf32, #tpu.memory_space<hbm>>
    %dma_wait3A_686 = arith.constant 0 : i32
    %dma_wait3A_687 = arith.constant 0 : i32
    %dma_wait3A_688 = tpu.memref_slice %arg4[%dma_wait3A_686, %dma_wait3A_687] : memref<32x1000000xf32, #tpu.memory_space<hbm>> -> memref<32x128xf32, #tpu.memory_space<hbm>>
    tpu.wait_dma2 semaphore(%arg40 : memref<!tpu.dma_semaphore, #tpu.memory_space<semaphore_mem>>) src(%dma_wait3A_688 : memref<32x128xf32, #tpu.memory_space<hbm>>) dst(%arg31 : memref<32x128xf32, #tpu.memory_space<vmem>>)
    %dma_wait3A_689 = arith.constant 0 : i32
    %dma_wait3A_690 = arith.constant 0 : i32
    %dma_wait3A_691 = tpu.memref_slice %arg5[%dma_wait3A_689, %dma_wait3A_690] : memref<32x1000000xf32, #tpu.memory_space<hbm>> -> memref<32x128xf32, #tpu.memory_space<hbm>>
    %dma_wait3A_692 = arith.constant 0 : i32
    %dma_wait3A_693 = arith.constant 0 : i32
    %dma_wait3A_694 = tpu.memref_slice %arg5[%dma_wait3A_692, %dma_wait3A_693] : memref<32x1000000xf32, #tpu.memory_space<hbm>> -> memref<32x128xf32, #tpu.memory_space<hbm>>
    tpu.wait_dma2 semaphore(%arg22 : memref<!tpu.dma_semaphore, #tpu.memory_space<semaphore_mem>>) src(%dma_wait3A_694 : memref<32x128xf32, #tpu.memory_space<hbm>>) dst(%arg13 : memref<32x128xf32, #tpu.memory_space<vmem>>)
    %broadcast_in_dim3A_695 = arith.constant 0 : i32
    %broadcast_in_dim3A_696 = vector.broadcast %broadcast_in_dim3A_695 : i32 to vector<16xi32>
    %add3A_697 = arith.constant 510 : i32
    %add3A_698 = vector.broadcast %add3A_697 : i32 to vector<16xi32>
    %add3A_699 = arith.addi %broadcast_in_dim3A_696, %add3A_698 : vector<16xi32>
    %gather3A_700 = tpu.vector_load_idx %arg33[%add3A_699] : memref<528xi32, #tpu.memory_space<vmem>>[vector<16xi32>], vector<16xi32>,
    %broadcast_in_dim3A_701 = arith.constant 0 : i32
    %broadcast_in_dim3A_702 = vector.broadcast %broadcast_in_dim3A_701 : i32 to vector<16xi32>
    %add3A_703 = arith.constant 510 : i32
    %add3A_704 = vector.broadcast %add3A_703 : i32 to vector<16xi32>
    %add3A_705 = arith.addi %broadcast_in_dim3A_702, %add3A_704 : vector<16xi32>
    %gather3A_706 = tpu.vector_load_idx %arg15[%add3A_705] : memref<528xi32, #tpu.memory_space<vmem>>[vector<16xi32>], vector<16xi32>,
    %slice3A_707 = vector.extract_strided_slice %gather3A_700 {offsets = [0], sizes = [1], strides = [1]} : vector<16xi32> to vector<1xi32>
    %squeeze3A_708 = vector.extract %slice3A_707[0] : i32 from vector<1xi32>
    %slice3A_709 = vector.extract_strided_slice %gather3A_706 {offsets = [0], sizes = [1], strides = [1]} : vector<16xi32> to vector<1xi32>
    %squeeze3A_710 = vector.extract %slice3A_709[0] : i32 from vector<1xi32>
    %broadcast_in_dim3A_711 = arith.constant 0 : i32
    %broadcast_in_dim3A_712 = vector.broadcast %broadcast_in_dim3A_711 : i32 to vector<16xi32>
    %and3A_713 = arith.constant 127 : i32
    %and3A_714 = arith.andi %squeeze3A_708, %and3A_713 : i32
    %add3A_715 = vector.broadcast %and3A_714 : i32 to vector<16xi32>
    %add3A_716 = arith.addi %broadcast_in_dim3A_712, %add3A_715 : vector<16xi32>
    %broadcast_in_dim3A_717 = arith.constant 0 : i32
    %broadcast_in_dim3A_718 = vector.broadcast %broadcast_in_dim3A_717 : i32 to vector<16xi32>
    %and3A_719 = arith.constant 127 : i32
    %and3A_720 = arith.andi %squeeze3A_710, %and3A_719 : i32
    %add3A_721 = vector.broadcast %and3A_720 : i32 to vector<16xi32>
    %add3A_722 = arith.addi %broadcast_in_dim3A_718, %add3A_721 : vector<16xi32>
    %gather3A_723 = tpu.vector_load_idx %arg31[%iota3A, %add3A_716] : memref<32x128xf32, #tpu.memory_space<vmem>>[vector<16xi32>, vector<16xi32>], vector<16xf32>,
    %add3A_724 = arith.constant 16 : i32
    %add3A_725 = vector.broadcast %add3A_724 : i32 to vector<16xi32>
    %add3A_726 = arith.addi %iota3A, %add3A_725 : vector<16xi32>
    %gather3A_727 = tpu.vector_load_idx %arg31[%add3A_726, %add3A_716] : memref<32x128xf32, #tpu.memory_space<vmem>>[vector<16xi32>, vector<16xi32>], vector<16xf32>,
    %gather3A_728 = tpu.vector_load_idx %arg13[%iota3A, %add3A_722] : memref<32x128xf32, #tpu.memory_space<vmem>>[vector<16xi32>, vector<16xi32>], vector<16xf32>,
    %add3A_729 = arith.constant 16 : i32
    %add3A_730 = vector.broadcast %add3A_729 : i32 to vector<16xi32>
    %add3A_731 = arith.addi %iota3A, %add3A_730 : vector<16xi32>
    %gather3A_732 = tpu.vector_load_idx %arg13[%add3A_731, %add3A_722] : memref<32x128xf32, #tpu.memory_space<vmem>>[vector<16xi32>, vector<16xi32>], vector<16xf32>,
    %mul3A_733 = arith.mulf %gather3A_723, %gather3A_728 : vector<16xf32>
    %mul3A_734 = arith.mulf %gather3A_727, %gather3A_732 : vector<16xf32>
    %add3A_735 = arith.addf %mul3A_733, %mul3A_734 : vector<16xf32>
    %reduce_sum3A_736 = arith.constant true
    %reduce_sum3A_737 = vector.broadcast %reduce_sum3A_736 : i1 to vector<16xi1>
    %reduce_sum3A_738 = tpu.scan <sum>, %add3A_735 masked %reduce_sum3A_737 : vector<16xf32>, vector<16xi1> -> vector<16xf32>
    %reduce_sum3A_739 = vector.extract %reduce_sum3A_738[15] : f32 from vector<16xf32>
    %broadcast_in_dim3A_740 = arith.constant 0 : i32
    %broadcast_in_dim3A_741 = vector.broadcast %broadcast_in_dim3A_740 : i32 to vector<16xi32>
    %add3A_742 = arith.constant 510 : i32
    %add3A_743 = vector.broadcast %add3A_742 : i32 to vector<16xi32>
    %add3A_744 = arith.addi %broadcast_in_dim3A_741, %add3A_743 : vector<16xi32>
    %broadcast_in_dim3A_745 = arith.constant 0.000000e+00 : f32
    %broadcast_in_dim3A_746 = vector.broadcast %broadcast_in_dim3A_745 : f32 to vector<16xf32>
    %add3A_747 = vector.broadcast %reduce_sum3A_739 : f32 to vector<16xf32>
    %add3A_748 = arith.addf %broadcast_in_dim3A_746, %add3A_747 : vector<16xf32>
    %eq3A_749 = arith.constant 0 : i32
    %eq3A_750 = vector.broadcast %eq3A_749 : i32 to vector<16xi32>
    %eq3A_751 = arith.cmpi eq, %iota3A, %eq3A_750 : vector<16xi32>
    tpu.vector_store_idx %arg24[%add3A_744], %add3A_748 masked %eq3A_751 : memref<512xf32, #tpu.memory_space<vmem>>[vector<16xi32>], vector<16xf32>, vector<16xi1>
    %dma_wait3A_752 = arith.constant 0 : i32
    %dma_wait3A_753 = arith.constant 0 : i32
    %dma_wait3A_754 = tpu.memref_slice %arg4[%dma_wait3A_752, %dma_wait3A_753] : memref<32x1000000xf32, #tpu.memory_space<hbm>> -> memref<32x128xf32, #tpu.memory_space<hbm>>
    %dma_wait3A_755 = arith.constant 0 : i32
    %dma_wait3A_756 = arith.constant 0 : i32
    %dma_wait3A_757 = tpu.memref_slice %arg4[%dma_wait3A_755, %dma_wait3A_756] : memref<32x1000000xf32, #tpu.memory_space<hbm>> -> memref<32x128xf32, #tpu.memory_space<hbm>>
    tpu.wait_dma2 semaphore(%arg41 : memref<!tpu.dma_semaphore, #tpu.memory_space<semaphore_mem>>) src(%dma_wait3A_757 : memref<32x128xf32, #tpu.memory_space<hbm>>) dst(%arg32 : memref<32x128xf32, #tpu.memory_space<vmem>>)
    %dma_wait3A_758 = arith.constant 0 : i32
    %dma_wait3A_759 = arith.constant 0 : i32
    %dma_wait3A_760 = tpu.memref_slice %arg5[%dma_wait3A_758, %dma_wait3A_759] : memref<32x1000000xf32, #tpu.memory_space<hbm>> -> memref<32x128xf32, #tpu.memory_space<hbm>>
    %dma_wait3A_761 = arith.constant 0 : i32
    %dma_wait3A_762 = arith.constant 0 : i32
    %dma_wait3A_763 = tpu.memref_slice %arg5[%dma_wait3A_761, %dma_wait3A_762] : memref<32x1000000xf32, #tpu.memory_space<hbm>> -> memref<32x128xf32, #tpu.memory_space<hbm>>
    tpu.wait_dma2 semaphore(%arg23 : memref<!tpu.dma_semaphore, #tpu.memory_space<semaphore_mem>>) src(%dma_wait3A_763 : memref<32x128xf32, #tpu.memory_space<hbm>>) dst(%arg14 : memref<32x128xf32, #tpu.memory_space<vmem>>)
    %broadcast_in_dim3A_764 = arith.constant 0 : i32
    %broadcast_in_dim3A_765 = vector.broadcast %broadcast_in_dim3A_764 : i32 to vector<16xi32>
    %add3A_766 = arith.constant 511 : i32
    %add3A_767 = vector.broadcast %add3A_766 : i32 to vector<16xi32>
    %add3A_768 = arith.addi %broadcast_in_dim3A_765, %add3A_767 : vector<16xi32>
    %gather3A_769 = tpu.vector_load_idx %arg33[%add3A_768] : memref<528xi32, #tpu.memory_space<vmem>>[vector<16xi32>], vector<16xi32>,
    %broadcast_in_dim3A_770 = arith.constant 0 : i32
    %broadcast_in_dim3A_771 = vector.broadcast %broadcast_in_dim3A_770 : i32 to vector<16xi32>
    %add3A_772 = arith.constant 511 : i32
    %add3A_773 = vector.broadcast %add3A_772 : i32 to vector<16xi32>
    %add3A_774 = arith.addi %broadcast_in_dim3A_771, %add3A_773 : vector<16xi32>
    %gather3A_775 = tpu.vector_load_idx %arg15[%add3A_774] : memref<528xi32, #tpu.memory_space<vmem>>[vector<16xi32>], vector<16xi32>,
    %slice3A_776 = vector.extract_strided_slice %gather3A_769 {offsets = [0], sizes = [1], strides = [1]} : vector<16xi32> to vector<1xi32>
    %squeeze3A_777 = vector.extract %slice3A_776[0] : i32 from vector<1xi32>
    %slice3A_778 = vector.extract_strided_slice %gather3A_775 {offsets = [0], sizes = [1], strides = [1]} : vector<16xi32> to vector<1xi32>
    %squeeze3A_779 = vector.extract %slice3A_778[0] : i32 from vector<1xi32>
    %broadcast_in_dim3A_780 = arith.constant 0 : i32
    %broadcast_in_dim3A_781 = vector.broadcast %broadcast_in_dim3A_780 : i32 to vector<16xi32>
    %and3A_782 = arith.constant 127 : i32
    %and3A_783 = arith.andi %squeeze3A_777, %and3A_782 : i32
    %add3A_784 = vector.broadcast %and3A_783 : i32 to vector<16xi32>
    %add3A_785 = arith.addi %broadcast_in_dim3A_781, %add3A_784 : vector<16xi32>
    %broadcast_in_dim3A_786 = arith.constant 0 : i32
    %broadcast_in_dim3A_787 = vector.broadcast %broadcast_in_dim3A_786 : i32 to vector<16xi32>
    %and3A_788 = arith.constant 127 : i32
    %and3A_789 = arith.andi %squeeze3A_779, %and3A_788 : i32
    %add3A_790 = vector.broadcast %and3A_789 : i32 to vector<16xi32>
    %add3A_791 = arith.addi %broadcast_in_dim3A_787, %add3A_790 : vector<16xi32>
    %gather3A_792 = tpu.vector_load_idx %arg32[%iota3A, %add3A_785] : memref<32x128xf32, #tpu.memory_space<vmem>>[vector<16xi32>, vector<16xi32>], vector<16xf32>,
    %add3A_793 = arith.constant 16 : i32
    %add3A_794 = vector.broadcast %add3A_793 : i32 to vector<16xi32>
    %add3A_795 = arith.addi %iota3A, %add3A_794 : vector<16xi32>
    %gather3A_796 = tpu.vector_load_idx %arg32[%add3A_795, %add3A_785] : memref<32x128xf32, #tpu.memory_space<vmem>>[vector<16xi32>, vector<16xi32>], vector<16xf32>,
    %gather3A_797 = tpu.vector_load_idx %arg14[%iota3A, %add3A_791] : memref<32x128xf32, #tpu.memory_space<vmem>>[vector<16xi32>, vector<16xi32>], vector<16xf32>,
    %add3A_798 = arith.constant 16 : i32
    %add3A_799 = vector.broadcast %add3A_798 : i32 to vector<16xi32>
    %add3A_800 = arith.addi %iota3A, %add3A_799 : vector<16xi32>
    %gather3A_801 = tpu.vector_load_idx %arg14[%add3A_800, %add3A_791] : memref<32x128xf32, #tpu.memory_space<vmem>>[vector<16xi32>, vector<16xi32>], vector<16xf32>,
    %mul3A_802 = arith.mulf %gather3A_792, %gather3A_797 : vector<16xf32>
    %mul3A_803 = arith.mulf %gather3A_796, %gather3A_801 : vector<16xf32>
    %add3A_804 = arith.addf %mul3A_802, %mul3A_803 : vector<16xf32>
    %reduce_sum3A_805 = arith.constant true
    %reduce_sum3A_806 = vector.broadcast %reduce_sum3A_805 : i1 to vector<16xi1>
    %reduce_sum3A_807 = tpu.scan <sum>, %add3A_804 masked %reduce_sum3A_806 : vector<16xf32>, vector<16xi1> -> vector<16xf32>
    %reduce_sum3A_808 = vector.extract %reduce_sum3A_807[15] : f32 from vector<16xf32>
    %broadcast_in_dim3A_809 = arith.constant 0 : i32
    %broadcast_in_dim3A_810 = vector.broadcast %broadcast_in_dim3A_809 : i32 to vector<16xi32>
    %add3A_811 = arith.constant 511 : i32
    %add3A_812 = vector.broadcast %add3A_811 : i32 to vector<16xi32>
    %add3A_813 = arith.addi %broadcast_in_dim3A_810, %add3A_812 : vector<16xi32>
    %broadcast_in_dim3A_814 = arith.constant 0.000000e+00 : f32
    %broadcast_in_dim3A_815 = vector.broadcast %broadcast_in_dim3A_814 : f32 to vector<16xf32>
    %add3A_816 = vector.broadcast %reduce_sum3A_808 : f32 to vector<16xf32>
    %add3A_817 = arith.addf %broadcast_in_dim3A_815, %add3A_816 : vector<16xf32>
    %eq3A_818 = arith.constant 0 : i32
    %eq3A_819 = vector.broadcast %eq3A_818 : i32 to vector<16xi32>
    %eq3A_820 = arith.cmpi eq, %iota3A, %eq3A_819 : vector<16xi32>
    tpu.vector_store_idx %arg24[%add3A_813], %add3A_817 masked %eq3A_820 : memref<512xf32, #tpu.memory_space<vmem>>[vector<16xi32>], vector<16xf32>, vector<16xi1>
    "tpu.region"() ({
      %run_scoped3A = tpu.sem_alloc : memref<!tpu.dma_semaphore, #tpu.memory_space<semaphore_mem>>
      %dma_start3A_821 = tpu.memref_slice %arg6[%mul3A_2] : memref<16384xf32, #tpu.memory_space<hbm>> -> memref<512xf32, #tpu.memory_space<hbm>>
      %dma_start3A_822 = tpu.memref_slice %arg6[%mul3A_2] : memref<16384xf32, #tpu.memory_space<hbm>> -> memref<512xf32, #tpu.memory_space<hbm>>
      tpu.enqueue_dma source(%arg24 : memref<512xf32, #tpu.memory_space<vmem>>) target(%dma_start3A_822 : memref<512xf32, #tpu.memory_space<hbm>>) target_semaphore(%run_scoped3A : memref<!tpu.dma_semaphore, #tpu.memory_space<semaphore_mem>>)
      %dma_wait3A_823 = tpu.memref_slice %arg6[%mul3A_2] : memref<16384xf32, #tpu.memory_space<hbm>> -> memref<512xf32, #tpu.memory_space<hbm>>
      %dma_wait3A_824 = tpu.memref_slice %arg6[%mul3A_2] : memref<16384xf32, #tpu.memory_space<hbm>> -> memref<512xf32, #tpu.memory_space<hbm>>
      tpu.wait_dma2 semaphore(%run_scoped3A : memref<!tpu.dma_semaphore, #tpu.memory_space<semaphore_mem>>) src(%arg24 : memref<512xf32, #tpu.memory_space<vmem>>) dst(%dma_wait3A_824 : memref<512xf32, #tpu.memory_space<hbm>>)
      tpu.yield
    }) : () -> ()
    return
  }
}

</mosaic_0001>

<sc_bundles>
// kernel: kernel.3.cloned.1.call-start
scs
__scs_entry_jumppad:
0x0: {  	(pc) =	sbr.rel $0x88, $3  }
0x1: {  	(tag) =	ssettag $0x0;
	lr =	simm.s32 $0x1  }
0x2: {  	[smem:$0x3F9D] =	sst lr;
	_ =	strace $0xD0000000  }
0x3: {  	_ = 	snop  }
0x4: {  	_ = 	snop  }
0x5: {  	_ = 	snop  }
0x6: {  	_ = 	snop  }
0x7: {  	_ = 	snop  }
__scs_overlays_trampoline_lowered:
0x8: {  	[smem:$0x3FAC] =	sst s0  }
0x9: {  	[smem:$0x3FAD] =	sst s1  }
0xa: {  	[smem:$0x3FAE] =	sst s2  }
0xb: {  	[smem:$0x3FAF] =	sst s3  }
0xc: {  	[smem:$0x3FB0] =	sst s4  }
0xd: {  	[smem:$0x3FB1] =	sst s5  }
0xe: {  	[smem:$0x3FB2] =	sst s6  }
0xf: {  	[smem:$0x3FB3] =	sst s7  }
0x10: {  	[smem:$0x3FB4] =	sst s8  }
0x11: {  	[smem:$0x3FB5] =	sst s9;
	s0 =	simm.s32 @!p0 $0x0  }
0x12: {  	s1 =	sld [smem:$0x3F9B];
	s0 =	simm.s32 @p0 $0x1  }
0x13: {  	[smem:$0x3FB6] =	sst s0;
	s0 =	simm.s32 @!p1 $0x0  }
0x14: {  	s2 =	sld [smem:$0x3F9A];
	s0 =	simm.s32 @p1 $0x1  }
0x15: {  	[smem:$0x3FB7] =	sst s0;
	s0 =	simm.s32 @!p2 $0x0  }
0x16: {  	s3 =	sld [smem:$0x3FDB];
	s0 =	simm.s32 @p2 $0x1  }
0x17: {  	s4 =	simm.s32 $0x1BF5;
	[smem:$0x3FB9] =	sst s0  }
0x18: {  	s0 =	sld [smem:$0x3F9C];
	_ =	swait.ge [sflag:s4], $0x0  }
0x19: {  	s7 =	sld [smem:$0x3F9D]  }
0x1a: {  	s8 =	sadd.s32 $0xFFFFE003, lr  }
0x1b: {  	s9 =	sadd.s32 $0xFFFFFEF7, lr;
	s5 =	simm.s32 $0xFFFFFFFF;
	p2 =	slt.u32 s8, $0xFFFFF086  }
0x1c: {  	p1 =	slt.u32 s9, $0xF7A;
	s5 =	simm.s32 @!p2 $0x0  }
0x1d: {  	s5 =	simm.s32 @p1 $0x1;
	p0 =	seq.s32 s7, s2  }
0x1e: {  	s7 =	smul.u32 @!p0 $0xF7A, s2;
	p2 =	seq.s32 @!p0 s5, $0x0  }
0x1f: {  	s9 =	smul.u32 $0xF7A, s1;
	s8 =	simm.s32 @!p0 $0x1BF5;
	p2 =	por !p2, p0  }
0x20: {  	[sflag:s8] =	ssyncset.s32 @!p0 $0xFFFFF086;
	s6 =	sadd.s32 @!p0 s3, s7;
	s7 =	simm.s32 @!p0 $0x108  }
0x21: {  	s3 =	sadd.s32 s3, s9;
	s6 =	sadd.s32 @!p0 $0x88, s6;
	s7 =	simm.s32 @p2 $0x1082  }
0x22: {  	[simem:s7], [sflag:s8] =	dma.local @!p0 [hbm:s6], $0xF7A  }
0x23: {  	s9 =	sor.u32 $0xD0000000, s2;
	s6 =	simm.s32 $0x108;
	_ =	swait.ge @!p0 [sflag:s8], $0x0  }
0x24: {  	s3 =	sadd.s32 $0x88, s3;
	s6 =	simm.s32 @!p1 $0x1082;
	[sflag:s4] =	ssyncset.s32 $0xFFFFF086  }
0x25: {  	[simem:s6], [sflag:s4] =	dma.local [hbm:s3], $0xF7A  }
0x26: {  	[smem:$0x3F9D] =	sst s1;
	(tag) =	ssettag s2;
	_ =	strace s9  }
0x27: {  	s1 =	sld [smem:$0x3FAD]  }
0x28: {  	s2 =	sld [smem:$0x3FAE]  }
0x29: {  	s4 =	sld [smem:$0x3FB0]  }
0x2a: {  	p0 =	seq.s32 s5, $0x0;
	s5 =	sld [smem:$0x3FB1]  }
0x2b: {  	s6 =	sld [smem:$0x3FB2]  }
0x2c: {  	s7 =	sld [smem:$0x3FB3]  }
0x2d: {  	s3 =	simm.s32 $0x108;
	s8 =	sld [smem:$0x3FB4]  }
0x2e: {  	s3 =	simm.s32 @!p0 $0x1082;
	s9 =	sld [smem:$0x3FB5]  }
0x2f: {  	lr =	sadd.s32 s0, s3;
	s0 =	sld [smem:$0x3FAC]  }
0x30: {  	s3 =	sld [smem:$0x3FAF]  }
0x31: {  	[smem:$0x3FB8] =	sst s10  }
0x32: {  	s10 =	sld [smem:$0x3FB6];
	_ =	sdelay $0x3  }
0x33: {  	p0 =	seq.s32 s10, $0x1;
	s10 =	sld [smem:$0x3FB8];
	_ =	sdelay $0x3  }
0x34: {  	[smem:$0x3FB8] =	sst s10  }
0x35: {  	s10 =	sld [smem:$0x3FB7];
	_ =	sdelay $0x3  }
0x36: {  	p1 =	seq.s32 s10, $0x1;
	s10 =	sld [smem:$0x3FB8];
	_ =	sdelay $0x3  }
0x37: {  	[smem:$0x3FB8] =	sst s10  }
0x38: {  	s10 =	sld [smem:$0x3FB9]  }
0x39: {  	_ = 	snop;
	(pc) =	sbr.ind lr, $3  }
0x3a: {  	_ = 	snop  }
0x3b: {  	_ = 	snop  }
0x3c: {  	p2 =	seq.s32 s10, $0x1;
	s10 =	sld [smem:$0x3FB8]  }
0x3d: {  	_ =	shalt  }
0x3e: {  	_ =	shalt  }
0x3f: {  	_ =	shalt  }
0x40: {  	_ =	shalt  }
0x41: {  	_ =	shalt  }
0x42: {  	_ =	shalt  }
0x43: {  	_ =	shalt  }
0x44: {  	_ =	shalt  }
0x45: {  	_ =	shalt  }
0x46: {  	_ =	shalt  }
0x47: {  	_ =	shalt  }
0x48: {  	_ =	shalt  }
0x49: {  	_ =	shalt  }
0x4a: {  	_ =	shalt  }
0x4b: {  	_ =	shalt  }
0x4c: {  	_ =	shalt  }
0x4d: {  	_ =	shalt  }
0x4e: {  	_ =	shalt  }
0x4f: {  	_ =	shalt  }
0x50: {  	_ =	shalt  }
0x51: {  	_ =	shalt  }
0x52: {  	_ =	shalt  }
0x53: {  	_ =	shalt  }
0x54: {  	_ =	shalt  }
0x55: {  	_ =	shalt  }
0x56: {  	_ =	shalt  }
0x57: {  	_ =	shalt  }
0x58: {  	_ =	shalt  }
0x59: {  	_ =	shalt  }
0x5a: {  	_ =	shalt  }
0x5b: {  	_ =	shalt  }
0x5c: {  	_ =	shalt  }
0x5d: {  	_ =	shalt  }
0x5e: {  	_ =	shalt  }
0x5f: {  	_ =	shalt  }
0x60: {  	_ =	shalt  }
0x61: {  	_ =	shalt  }
0x62: {  	_ =	shalt  }
0x63: {  	_ =	shalt  }
0x64: {  	_ =	shalt  }
0x65: {  	_ =	shalt  }
0x66: {  	_ =	shalt  }
0x67: {  	_ =	shalt  }
0x68: {  	_ =	shalt  }
0x69: {  	_ =	shalt  }
0x6a: {  	_ =	shalt  }
0x6b: {  	_ =	shalt  }
0x6c: {  	_ =	shalt  }
0x6d: {  	_ =	shalt  }
0x6e: {  	_ =	shalt  }
0x6f: {  	_ =	shalt  }
0x70: {  	_ =	shalt  }
0x71: {  	_ =	shalt  }
0x72: {  	_ =	shalt  }
0x73: {  	_ =	shalt  }
0x74: {  	_ =	shalt  }
0x75: {  	_ =	shalt  }
0x76: {  	_ =	shalt  }
0x77: {  	_ =	shalt  }
0x78: {  	_ =	shalt  }
0x79: {  	_ =	shalt  }
0x7a: {  	_ =	shalt  }
0x7b: {  	_ =	shalt  }
0x7c: {  	_ =	shalt  }
0x7d: {  	_ =	shalt  }
0x7e: {  	_ =	shalt  }
0x7f: {  	_ =	shalt  }
0x80: {  	_ =	shalt  }
0x81: {  	_ =	shalt  }
0x82: {  	_ =	shalt  }
0x83: {  	_ =	shalt  }
0x84: {  	_ =	shalt  }
0x85: {  	_ =	shalt  }
0x86: {  	_ =	shalt  }
0x87: {  	_ =	shalt  }
.Lfunc_end0:
.L_simem_size_0:
called_computation_lowered:
.L_overlay_start_0:
0x88: {  	s2 =	sld [smem:$0x3FD9]  }
0x89: {  	s3 =	sld [smem:$0x3FFE];
	_ =	sdelay $0x1  }
0x8a: {  	s1 =	srdreg.scid  }
0x8b: {  	s0 =	sand.u32 $0x1, s1  }
0x8c: {  	s18 =	sshll.u32 s0, $0xA;
	s2 =	sadd.s32 s3, s2  }
0x8d: {  	s2 =	sadd.s32 s2, s18  }
0x8e: {  	[smem:$0x3FC4] =	sst s2  }
0x8f: {  	_ = 	snop  }
0x90: {  	s2 =	sld [smem:$0x3FC9]  }
0x91: {  	s19 =	sld [smem:$0x3FC8]  }
0x92: {  	s4 =	sld [smem:$0x3FC7]  }
0x93: {  	s5 =	sld [smem:$0x3FC6]  }
0x94: {  	s6 =	sld [smem:$0x3FD0];
	(tm) =	ssettm $0x1  }
0x95: {  	s7 =	sld [smem:$0x3FFB];
	_ =	sdelay $0x3  }
0x96: {  	_ =	strace s7  }
0x97: {  	s7 =	sld [smem:$0x3FFC];
	_ =	sdelay $0x3  }
0x98: {  	_ =	strace s7  }
0x99: {  	s7 =	sld [smem:$0x3FFD];
	_ =	sdelay $0x3  }
0x9a: {  	_ =	strace s7  }
0x9b: {  	_ =	strace $0x8FFFFFFF  }
0x9c: {  	s20 =	sld [smem:$0x3FDB];
	_ =	sdelay $0x1  }
0x9d: {  	s8 =	simm.s32 $_scs_section_size  }
0x9e: {  	s9 =	simm.s32 $_size__tile_overlayer_lowered;
	s10 =	simm.s32 $_tile_overlayer_lowered  }
0x9f: {  	s23 =	simm.s32 $0x1BFF;
	s22 =	sshll.u32 s10, $0x1;
	s7 =	sadd.s32 s8, s20  }
0xa0: {  	s11 =	simm.s32 $0x0;
	s21 =	sshll.u32 s9, $0x1;
	s9 =	sadd.s32 s22, s7  }
0xa1: {  	[timem:s11], [sflag:s23] =	dma.local [hbm:s9], s21  }
0xa2: {  	_ =	swait.ge [sflag:s23], s21  }
0xa3: {  	s8 =	ssub.s32 $0x0, s21;
	[sflag:s23] =	ssyncset.done $0x0  }
0xa4: {  	[sflag:s23] =	ssyncadd.s32 s8;
	_ =	sdelay $0x1  }
0xa5: {  	s24 =	simm.s32 $0x1B8B  }
0xa6: {  	_ =	swait.ge [sflag:s24], $0x1  }
0xa7: {  	[sflag:s24] =	ssyncset.done $0x0  }
0xa8: {  	s25 =	simm.s32 $0x1B8E;
	[sflag:s24] =	ssyncadd.s32 $0xFFFFFFFF  }
0xa9: {  	s26 =	simm.s32 $execute0_lowered;
	[smem:$0x3FD2] =	sst s25  }
0xaa: {  	s8 =	sshll.u32 s26, $0x1;
	_ =	strace $0x80000046;
	[dreg:$0x1] =	wrdreg $0xFFFFFFFF  }
0xab: {  	s28 =	simm.s32 $_size_execute0_lowered;
	s7 =	sadd.s32 s7, s8;
	[dreg:$0x0] =	wrdreg $0x0  }
0xac: {  	s8 =	sshll.u32 s28, $0x1;
	[dreg:$0x2] =	wrdreg s7  }
0xad: {  	[dreg:$0x3] =	wrdreg s8  }
0xae: {  	[dreg:$0x4] =	wrdreg $0xC0  }
0xaf: {  	_ =	task [dreg:s11], $0x5FFFF  }
0xb0: {  	[dreg:$0x1] =	wrdreg $0xFFFFFFFF  }
0xb1: {  	[dreg:$0x0] =	wrdreg $0x60  }
0xb2: {  	[dreg:$0x2] =	wrdreg s2  }
0xb3: {  	[dreg:$0x3] =	wrdreg s19  }
0xb4: {  	[dreg:$0x4] =	wrdreg s4  }
0xb5: {  	[dreg:$0x5] =	wrdreg s5  }
0xb6: {  	[dreg:$0x6] =	wrdreg s6  }
0xb7: {  	[dreg:$0x7] =	wrdreg $0x9  }
0xb8: {  	_ =	task.clear_ibuf [dreg:s11], $0x8FFFF;
	_ =	strace $0x90000046  }
0xb9: {  	s29 =	simm.s32 $0x9;
	_ =	strace $0x80000048  }
0xba: {  	_ =	swait.ge [sflag:s29], $0x1  }
0xbb: {  	[sflag:s29] =	ssyncadd.s32 $0xFFFFFFFF  }
0xbc: {  	_ =	strace $0x90000048  }
0xbd: {  	_ =	sfence  }
0xbe: {  	s30 =	sld [smem:$0x0];
	_ =	sdelay $0x2  }
0xbf: {  	s31 =	sshll.u32 s1, $0xD;
	s1 =	sshrl.u32 s1, $0x2  }
0xc0: {  	s3 =	sand.u32 $0x4000, s31;
	s1 =	sadd.s32 s1, s30  }
0xc1: {  	s0 =	sor.u32 s3, s0;
	s1 =	sshll.u32 s1, $0x11  }
0xc2: {  	s0 =	sor.u32 s1, s0  }
0xc3: {  	s0 =	sadd.s32 $0x8F2B, s0  }
0xc4: {  	[sflag:s0] =	ssyncadd.remote.s32 $0x1  }
0xc5: {  	_ =	sfence.sel $0xFFFF  }
0xc6: {  	[dreg:$0x0] =	wrdreg $0xFFFFFFFF;
	(pc) =	sbr.abs _section_cstart, $3  }
0xc7: {  	[dreg:$0x1] =	wrdreg $0xFFFFFFFF  }
0xc8: {  	_ =	task.clear_ibuf [dreg:s11], $0x2FFFF;
	_ =	strace $0x9FFFFFFF  }
0xc9: {  	(tm) =	ssettm $0x7FFFFFFF  }
tec
execute0_lowered:
.L_overlay_start_1:
0x0: {  	(tag) =	ssettag $0x1  }
0x1: {  	s0 =	rddreg [dreg:$0x0]  }
0x2: {  	s3 =	rddreg [dreg:$0x1]  }
0x3: {  	s1 =	rddreg [dreg:$0x2]  }
0x4: {  	s2 =	rddreg [dreg:$0x3]  }
0x5: {  	s4 =	rddreg [dreg:$0x4]  }
0x6: {  	s5 =	srdreg.scid;
	s6 =	simm.s32 $0x0;
	s8 =	stileid.u32  }
0x7: {  	s9 =	simm.s32 $0x10480;
	s11 =	simm.s32 $0x8000;
	s12 =	simm.s32 $0x400  }
0x8: {  	s13 =	simm.s32 $0x7A1400;
	s28 =	simm.s32 $0xF480;
	s29 =	simm.s32 $0x7000  }
0x9: {  	s30 =	simm.s32 $0x9;
	s31 =	simm.s32 $0x1;
	s10 =	simm.s32 $0x4  }
0xa: {  	s14 =	simm.s32 $0xD;
	s15 =	simm.s32 $0x5;
	s16 =	simm.s32 $0xE  }
0xb: {  	s17 =	simm.s32 $0x6;
	s18 =	simm.s32 $0xF;
	s19 =	simm.s32 $0x7  }
0xc: {  	s20 =	simm.s32 $0x8;
	s22 =	simm.s32 $0x0;
	s5 =	sand.u32 $0x1, s5  }
0xd: {  	[smem:$0x7FF] =	sst s6;
	s8 =	sshll.u32 s8, $0x7;
	s23 =	ssub.s32 $0x2, s5  }
0xe: {  	s5 =	sshll.u32 s5, $0x6;
	_ =	strace $0x80000047;
	s7 =	sshrl.u32 s23, $0x1  }
0xf: {  	s5 =	sor.u32 s5, s8;
	s8 =	simm.s32 $0xC;
	s6 =	ssub.s32 s23, s7  }
0x10: {  	v0 =	vimm.s32 $0x1;
	v1 =	vimm.s32 $0x2;
	v4 =	vlaneseq.u32;
	s0 =	sadd.s32 s0, s5;
	s24 =	sadd.s32 s3, s5;
	s25 =	sadd.s32 s4, s5  }
0x11: {  	v2 =	vimm.s32 $0x3;
	v3 =	vimm.s32 $0x4;
	v5 =	vimm.s32 $0x5;
	s23 =	simm.s32 $0x11;
	s3 =	simm.s32 $0xA;
	[dreg:$0x6] =	wrdreg s0  }
0x12: {  	v6 =	vimm.s32 $0x6;
	v7 =	vimm.s32 $0x7;
	v9 =	vimm.s32 $0x1F8;
	s5 =	simm.s32 $0x2;
	s7 =	simm.s32 $0x3;
	[dreg:$0x7] =	wrdreg s24  }
0x13: {  	v10 =	vimm.s32 $0x1F9;
	v11 =	vimm.s32 $0x1FA;
	v4 =	vmul.u32 $0x80, v4;
	s4 =	simm.s32 $0x10;
	[dreg:$0x8] =	wrdreg s25;
	s26 =	smax.u32 s6, $0x1  }
0x14: {  	v12 =	vimm.s32 $0x1FB;
	v13 =	vimm.s32 $0x1FC;
	v14 =	vimm.s32 $0x1FD;
	s25 =	simm.s32 $0xD480;
	s24 =	simm.s32 $0xE480;
	s0 =	simm.s32 $0x8280  }
0x15: {  	v15 =	vimm.s32 $0x1FE;
	v16 =	vimm.s32 $0x1FF;
	v8 =	vor.u32 $0x800, v4;
	s6 =	simm.s32 $0xB;
	[dreg:$0x9] =	wrdreg s26;
	s26 =	simm.s32 $0x6000  }
.LBB2_1:
0x16: {  	[dreg:$0xa] =	wrdreg s22  }
0x17: {  	s22 =	simm.s32 $0x0;
	s21 =	rddreg [dreg:$0x6]  }
0x18: {  	[tilespmem:s9], [sflag:$0x11] =	stream.linear.gather [hbm4b:s21+s22], $0x200, $0x38;
	[tilespmem:$0x10700] =	vst v63  }
0x19: {  	_ =	swait.ge [sflag:s23], $0x200  }
0x1a: {  	[sflag:s23] =	ssyncset.done $0x0  }
0x1b: {  	s21 =	rddreg [dreg:$0x7];
	[sflag:s23] =	ssyncadd.s32 $0xFFFFFE00  }
0x1c: {  	[tilespmem:s11], [sflag:$0x11] =	stream.linear.gather [hbm4b:s21+s22], $0x200, $0x38;
	[tilespmem:$0x10700] =	vst v63  }
0x1d: {  	_ =	swait.ge [sflag:s23], $0x200  }
0x1e: {  	[sflag:s23] =	ssyncset.done $0x0  }
0x1f: {  	[sflag:s23] =	ssyncadd.s32 $0xFFFFFE00  }
0x20: {  	v17 =	vld.msk [tilespmem:s9+$0x0], $0xffff;
	_ =	sdelay $0x3  }
0x21: {  	v18 =	vld.msk [tilespmem:s11+$0x0], $0xffff  }
0x22: {  	(v2sf) =	vpush v17, $0x0;
	_ =	sdelay $0x3  }
0x23: {  	(v2sf) =	vpush v18, $0x0;
	_ =	sdelay $0xa  }
0x24: {  	s23 =	spop (v2sf)  }
0x25: {  	s21 =	sand.u32 $0xFFFFF80, s23  }
0x26: {  	s23 =	simm.s32 $0x8480;
	s21 =	sadd.s32 s1, s21  }
0x27: {  	[tilespmem:s23], [sflag:$0x9] =	stream.strided.gather [hbm4b:s21+s12], $0x1000, s13, s12, $0x38;
	[tilespmem:$0x10700] =	vst v63  }
0x28: {  	s23 =	spop (v2sf)  }
0x29: {  	s21 =	sand.u32 $0xFFFFF80, s23  }
0x2a: {  	s21 =	sadd.s32 s2, s21  }
0x2b: {  	[tilespmem:s22], [sflag:$0x1] =	stream.strided.gather [hbm4b:s21+s12], $0x1000, s13, s12, $0x38;
	[tilespmem:$0x10700] =	vst v63  }
0x2c: {  	v17 =	vld.idx.msk [tilespmem:v0+s9+$0x0], $0xffff;
	_ =	sdelay $0x1  }
0x2d: {  	v18 =	vld.idx.msk [tilespmem:v0+s11+$0x0], $0xffff;
	_ =	sdelay $0x2  }
0x2e: {  	(v2sf) =	vpush v17, $0x0;
	_ =	sdelay $0x1  }
0x2f: {  	(v2sf) =	vpush v18, $0x0;
	_ =	sdelay $0xc  }
0x30: {  	s22 =	spop (v2sf)  }
0x31: {  	s21 =	sand.u32 $0xFFFFF80, s22  }
0x32: {  	s23 =	simm.s32 $0x9480;
	s22 =	spop (v2sf);
	s21 =	sadd.s32 s1, s21  }
0x33: {  	[tilespmem:s23], [sflag:$0xA] =	stream.strided.gather [hbm4b:s21+s12], $0x1000, s13, s12, $0x38;
	[tilespmem:$0x10700] =	vst v63  }
0x34: {  	s21 =	sand.u32 $0xFFFFF80, s22  }
0x35: {  	s23 =	simm.s32 $0x1000;
	s21 =	sadd.s32 s2, s21  }
0x36: {  	[tilespmem:s23], [sflag:$0x2] =	stream.strided.gather [hbm4b:s21+s12], $0x1000, s13, s12, $0x38;
	[tilespmem:$0x10700] =	vst v63  }
0x37: {  	v17 =	vld.idx.msk [tilespmem:v1+s9+$0x0], $0xffff;
	_ =	sdelay $0x1  }
0x38: {  	v18 =	vld.idx.msk [tilespmem:v1+s11+$0x0], $0xffff;
	_ =	sdelay $0x2  }
0x39: {  	(v2sf) =	vpush v17, $0x0;
	_ =	sdelay $0x1  }
0x3a: {  	(v2sf) =	vpush v18, $0x0;
	_ =	sdelay $0xc  }
0x3b: {  	s22 =	spop (v2sf)  }
0x3c: {  	s21 =	sand.u32 $0xFFFFF80, s22  }
0x3d: {  	s23 =	simm.s32 $0xA480;
	s22 =	spop (v2sf);
	s21 =	sadd.s32 s1, s21  }
0x3e: {  	[tilespmem:s23], [sflag:$0xB] =	stream.strided.gather [hbm4b:s21+s12], $0x1000, s13, s12, $0x38;
	[tilespmem:$0x10700] =	vst v63  }
0x3f: {  	s21 =	sand.u32 $0xFFFFF80, s22  }
0x40: {  	s23 =	simm.s32 $0x2000;
	s21 =	sadd.s32 s2, s21  }
0x41: {  	[tilespmem:s23], [sflag:$0x3] =	stream.strided.gather [hbm4b:s21+s12], $0x1000, s13, s12, $0x38;
	[tilespmem:$0x10700] =	vst v63  }
0x42: {  	v17 =	vld.idx.msk [tilespmem:v2+s9+$0x0], $0xffff;
	_ =	sdelay $0x1  }
0x43: {  	v18 =	vld.idx.msk [tilespmem:v2+s11+$0x0], $0xffff;
	_ =	sdelay $0x2  }
0x44: {  	(v2sf) =	vpush v17, $0x0;
	_ =	sdelay $0x1  }
0x45: {  	(v2sf) =	vpush v18, $0x0;
	_ =	sdelay $0xc  }
0x46: {  	s22 =	spop (v2sf)  }
0x47: {  	s21 =	sand.u32 $0xFFFFF80, s22  }
0x48: {  	s23 =	simm.s32 $0xB480;
	s22 =	spop (v2sf);
	s21 =	sadd.s32 s1, s21  }
0x49: {  	[tilespmem:s23], [sflag:$0xC] =	stream.strided.gather [hbm4b:s21+s12], $0x1000, s13, s12, $0x38;
	[tilespmem:$0x10700] =	vst v63  }
0x4a: {  	s21 =	sand.u32 $0xFFFFF80, s22  }
0x4b: {  	s23 =	simm.s32 $0x3000;
	s21 =	sadd.s32 s2, s21  }
0x4c: {  	[tilespmem:s23], [sflag:$0x4] =	stream.strided.gather [hbm4b:s21+s12], $0x1000, s13, s12, $0x38;
	[tilespmem:$0x10700] =	vst v63  }
0x4d: {  	v17 =	vld.idx.msk [tilespmem:v3+s9+$0x0], $0xffff;
	_ =	sdelay $0x1  }
0x4e: {  	v18 =	vld.idx.msk [tilespmem:v3+s11+$0x0], $0xffff;
	_ =	sdelay $0x2  }
0x4f: {  	(v2sf) =	vpush v17, $0x0;
	_ =	sdelay $0x1  }
0x50: {  	(v2sf) =	vpush v18, $0x0;
	_ =	sdelay $0xc  }
0x51: {  	s22 =	spop (v2sf)  }
0x52: {  	s21 =	sand.u32 $0xFFFFF80, s22  }
0x53: {  	s23 =	simm.s32 $0xC480;
	s22 =	spop (v2sf);
	s21 =	sadd.s32 s1, s21  }
0x54: {  	[tilespmem:s23], [sflag:$0xD] =	stream.strided.gather [hbm4b:s21+s12], $0x1000, s13, s12, $0x38;
	[tilespmem:$0x10700] =	vst v63  }
0x55: {  	s21 =	sand.u32 $0xFFFFF80, s22  }
0x56: {  	s23 =	simm.s32 $0x4000;
	s21 =	sadd.s32 s2, s21  }
0x57: {  	[tilespmem:s23], [sflag:$0x5] =	stream.strided.gather [hbm4b:s21+s12], $0x1000, s13, s12, $0x38;
	[tilespmem:$0x10700] =	vst v63  }
0x58: {  	v17 =	vld.idx.msk [tilespmem:v5+s9+$0x0], $0xffff;
	_ =	sdelay $0x1  }
0x59: {  	v18 =	vld.idx.msk [tilespmem:v5+s11+$0x0], $0xffff;
	_ =	sdelay $0x2  }
0x5a: {  	(v2sf) =	vpush v17, $0x0;
	_ =	sdelay $0x1  }
0x5b: {  	(v2sf) =	vpush v18, $0x0;
	_ =	sdelay $0xc  }
0x5c: {  	s22 =	spop (v2sf)  }
0x5d: {  	s21 =	sand.u32 $0xFFFFF80, s22  }
0x5e: {  	s23 =	spop (v2sf);
	s21 =	sadd.s32 s1, s21  }
0x5f: {  	[tilespmem:s25], [sflag:$0xE] =	stream.strided.gather [hbm4b:s21+s12], $0x1000, s13, s12, $0x38;
	[tilespmem:$0x10700] =	vst v63  }
0x60: {  	s21 =	sand.u32 $0xFFFFF80, s23  }
0x61: {  	s25 =	simm.s32 $0x5000;
	s21 =	sadd.s32 s2, s21  }
0x62: {  	[tilespmem:s25], [sflag:$0x6] =	stream.strided.gather [hbm4b:s21+s12], $0x1000, s13, s12, $0x38;
	[tilespmem:$0x10700] =	vst v63  }
0x63: {  	v17 =	vld.idx.msk [tilespmem:v6+s9+$0x0], $0xffff;
	_ =	sdelay $0x1  }
0x64: {  	v18 =	vld.idx.msk [tilespmem:v6+s11+$0x0], $0xffff;
	_ =	sdelay $0x2  }
0x65: {  	(v2sf) =	vpush v17, $0x0;
	_ =	sdelay $0x1  }
0x66: {  	(v2sf) =	vpush v18, $0x0;
	_ =	sdelay $0xc  }
0x67: {  	s22 =	spop (v2sf)  }
0x68: {  	s21 =	sand.u32 $0xFFFFF80, s22  }
0x69: {  	s23 =	spop (v2sf);
	s21 =	sadd.s32 s1, s21  }
0x6a: {  	[tilespmem:s24], [sflag:$0xF] =	stream.strided.gather [hbm4b:s21+s12], $0x1000, s13, s12, $0x38;
	[tilespmem:$0x10700] =	vst v63  }
0x6b: {  	s21 =	sand.u32 $0xFFFFF80, s23  }
0x6c: {  	s21 =	sadd.s32 s2, s21  }
0x6d: {  	[tilespmem:s26], [sflag:$0x7] =	stream.strided.gather [hbm4b:s21+s12], $0x1000, s13, s12, $0x38;
	[tilespmem:$0x10700] =	vst v63  }
0x6e: {  	v17 =	vld.idx.msk [tilespmem:v7+s9+$0x0], $0xffff;
	_ =	sdelay $0x1  }
0x6f: {  	v18 =	vld.idx.msk [tilespmem:v7+s11+$0x0], $0xffff;
	_ =	sdelay $0x2  }
0x70: {  	(v2sf) =	vpush v17, $0x0;
	_ =	sdelay $0x1  }
0x71: {  	(v2sf) =	vpush v18, $0x0;
	_ =	sdelay $0xc  }
0x72: {  	s24 =	spop (v2sf)  }
0x73: {  	s21 =	sand.u32 $0xFFFFF80, s24  }
0x74: {  	s25 =	spop (v2sf);
	s21 =	sadd.s32 s1, s21  }
0x75: {  	[tilespmem:s28], [sflag:$0x10] =	stream.strided.gather [hbm4b:s21+s12], $0x1000, s13, s12, $0x38;
	[tilespmem:$0x10700] =	vst v63  }
0x76: {  	s21 =	sand.u32 $0xFFFFF80, s25  }
0x77: {  	s21 =	sadd.s32 s2, s21  }
0x78: {  	[tilespmem:s29], [sflag:$0x8] =	stream.strided.gather [hbm4b:s21+s12], $0x1000, s13, s12, $0x38;
	[tilespmem:$0x10700] =	vst v63  }
0x79: {  	s21 =	simm.s32 $0x0  }
.LBB2_2:
0x7a: {  	v17 =	vmov s21  }
0x7b: {  	v17 =	vand.u32 $0xFFFFFFF8, v17  }
0x7c: {  	_ =	swait.ge [sflag:s30], $0x1000;
	v17 =	vbroadcast v17, $0x0  }
0x7d: {  	[sflag:s30] =	ssyncset.done $0x0  }
0x7e: {  	[sflag:s30] =	ssyncadd.s32 $0xFFFFF000  }
0x7f: {  	_ =	swait.ge [sflag:s31], $0x1000  }
0x80: {  	[sflag:s31] =	ssyncset.done $0x0  }
0x81: {  	[sflag:s31] =	ssyncadd.s32 $0xFFFFF000  }
0x82: {  	v18 =	vld.idx.msk [tilespmem:v17+s9+$0x0], $0xffff;
	_ =	sdelay $0x1  }
0x83: {  	v19 =	vld.idx.msk [tilespmem:v17+s11+$0x0], $0xffff;
	_ =	sdelay $0x2  }
0x84: {  	(v2sf) =	vpush v18, $0x0;
	_ =	sdelay $0x1  }
0x85: {  	(v2sf) =	vpush v19, $0x0;
	_ =	sdelay $0xc  }
0x86: {  	s22 =	spop (v2sf)  }
0x87: {  	s22 =	sand.u32 $0x7F, s22  }
0x88: {  	s23 =	spop (v2sf);
	v18 =	vor.u32 s22, v4  }
0x89: {  	s23 =	sand.u32 $0x7F, s23;
	v19 =	vor.u32 s22, v8  }
0x8a: {  	v20 =	vor.u32 s23, v4  }
0x8b: {  	v21 =	vor.u32 s23, v8  }
0x8c: {  	s24 =	simm.s32 $0x8480  }
0x8d: {  	v18 =	vld.idx.msk [tilespmem:v18+s24+$0x0], $0xffff  }
0x8e: {  	s25 =	simm.s32 $0x0;
	v19 =	vld.idx.msk [tilespmem:v19+s24+$0x0], $0xffff  }
0x8f: {  	v20 =	vld.idx.msk [tilespmem:v20+s25+$0x0], $0xffff  }
0x90: {  	v21 =	vld.idx.msk [tilespmem:v21+s25+$0x0], $0xffff;
	_ =	sdelay $0x4  }
0x91: {  	v18 =	vmul.f32 v20, v18;
	v19 =	vmul.f32 v21, v19;
	_ =	sdelay $0x1  }
0x92: {  	v18 =	vadd.f32 v19, v18;
	_ =	sdelay $0x1  }
0x93: {  	(xrf2) =	vadd.scan.msk.f32 $0xffff, v18;
	_ =	sdelay $0x6  }
0x94: {  	s22 =	sadd.s32 $0x8, s21  }
0x95: {  	v18 =	vmov s22  }
0x96: {  	v18 =	vand.u32 $0xFFFFFFF8, v18  }
0x97: {  	v18 =	vbroadcast v18, $0x0;
	v19, _, _ =	vpop (xrf2)  }
0x98: {  	v19 =	vadd.f32 $0.0e+00, v19;
	_ =	sdelay $0x1  }
0x99: {  	v19 =	vbroadcast v19, $0xF;
	_ =	sdelay $0x1  }
0x9a: {  	[tilespmem:v17+s0+$0x0] =	vst.idx.msk $0x1, v19  }
0x9b: {  	v17 =	vld.idx.msk [tilespmem:v18+s9+$0x0], $0xffff;
	_ =	sdelay $0x3  }
0x9c: {  	v18 =	vld.idx.msk [tilespmem:v18+s11+$0x0], $0xffff  }
0x9d: {  	(v2sf) =	vpush v17, $0x0;
	_ =	sdelay $0x3  }
0x9e: {  	(v2sf) =	vpush v18, $0x0;
	_ =	sdelay $0xa  }
0x9f: {  	s23 =	spop (v2sf)  }
0xa0: {  	s23 =	sand.u32 $0xFFFFF80, s23  }
0xa1: {  	s23 =	sadd.s32 s1, s23  }
0xa2: {  	[tilespmem:s24], [sflag:$0x9] =	stream.strided.gather [hbm4b:s23+s12], $0x1000, s13, s12, $0x38;
	[tilespmem:$0x10700] =	vst v63  }
0xa3: {  	s24 =	spop (v2sf)  }
0xa4: {  	s23 =	sand.u32 $0xFFFFF80, s24;
	s24 =	sadd.s32 $0x1, s21  }
0xa5: {  	s23 =	sadd.s32 s2, s23;
	v17 =	vmov s24  }
0xa6: {  	[tilespmem:s25], [sflag:$0x1] =	stream.strided.gather [hbm4b:s23+s12], $0x1000, s13, s12, $0x38;
	v17 =	vand.u32 $0xFFFFFFF9, v17;
	[tilespmem:$0x10700] =	vst v63  }
0xa7: {  	_ =	swait.ge [sflag:s3], $0x1000;
	v17 =	vbroadcast v17, $0x0  }
0xa8: {  	[sflag:s3] =	ssyncset.done $0x0  }
0xa9: {  	[sflag:s3] =	ssyncadd.s32 $0xFFFFF000  }
0xaa: {  	_ =	swait.ge [sflag:s5], $0x1000  }
0xab: {  	[sflag:s5] =	ssyncset.done $0x0  }
0xac: {  	[sflag:s5] =	ssyncadd.s32 $0xFFFFF000  }
0xad: {  	v18 =	vld.idx.msk [tilespmem:v17+s9+$0x0], $0xffff;
	_ =	sdelay $0x1  }
0xae: {  	v19 =	vld.idx.msk [tilespmem:v17+s11+$0x0], $0xffff;
	_ =	sdelay $0x2  }
0xaf: {  	(v2sf) =	vpush v18, $0x0;
	_ =	sdelay $0x1  }
0xb0: {  	(v2sf) =	vpush v19, $0x0;
	_ =	sdelay $0xc  }
0xb1: {  	s24 =	spop (v2sf)  }
0xb2: {  	s23 =	sand.u32 $0x7F, s24  }
0xb3: {  	s25 =	spop (v2sf);
	v18 =	vor.u32 s23, v4  }
0xb4: {  	s24 =	sand.u32 $0x7F, s25;
	v19 =	vor.u32 s23, v8  }
0xb5: {  	v50 =	vor.u32 s24, v4  }
0xb6: {  	v51 =	vor.u32 s24, v8  }
0xb7: {  	s24 =	simm.s32 $0x9480  }
0xb8: {  	v18 =	vld.idx.msk [tilespmem:v18+s24+$0x0], $0xffff  }
0xb9: {  	s25 =	simm.s32 $0x1000;
	v19 =	vld.idx.msk [tilespmem:v19+s24+$0x0], $0xffff  }
0xba: {  	v20 =	vld.idx.msk [tilespmem:v50+s25+$0x0], $0xffff  }
0xbb: {  	v21 =	vld.idx.msk [tilespmem:v51+s25+$0x0], $0xffff;
	_ =	sdelay $0x4  }
0xbc: {  	v18 =	vmul.f32 v20, v18;
	v19 =	vmul.f32 v21, v19;
	_ =	sdelay $0x1  }
0xbd: {  	v18 =	vadd.f32 v19, v18;
	_ =	sdelay $0x1  }
0xbe: {  	(xrf2) =	vadd.scan.msk.f32 $0xffff, v18;
	_ =	sdelay $0x6  }
0xbf: {  	s23 =	sadd.s32 $0x9, s21  }
0xc0: {  	v18 =	vmov s23  }
0xc1: {  	v18 =	vand.u32 $0xFFFFFFF9, v18  }
0xc2: {  	v18 =	vbroadcast v18, $0x0;
	v19, _, _ =	vpop (xrf2)  }
0xc3: {  	v19 =	vadd.f32 $0.0e+00, v19;
	_ =	sdelay $0x1  }
0xc4: {  	v19 =	vbroadcast v19, $0xF;
	_ =	sdelay $0x1  }
0xc5: {  	[tilespmem:v17+s0+$0x0] =	vst.idx.msk $0x1, v19  }
0xc6: {  	v17 =	vld.idx.msk [tilespmem:v18+s9+$0x0], $0xffff;
	_ =	sdelay $0x3  }
0xc7: {  	v18 =	vld.idx.msk [tilespmem:v18+s11+$0x0], $0xffff  }
0xc8: {  	(v2sf) =	vpush v17, $0x0;
	_ =	sdelay $0x3  }
0xc9: {  	(v2sf) =	vpush v18, $0x0;
	_ =	sdelay $0xa  }
0xca: {  	s23 =	spop (v2sf)  }
0xcb: {  	s23 =	sand.u32 $0xFFFFF80, s23  }
0xcc: {  	s23 =	sadd.s32 s1, s23  }
0xcd: {  	[tilespmem:s24], [sflag:$0xA] =	stream.strided.gather [hbm4b:s23+s12], $0x1000, s13, s12, $0x38;
	[tilespmem:$0x10700] =	vst v63  }
0xce: {  	s24 =	spop (v2sf)  }
0xcf: {  	s23 =	sand.u32 $0xFFFFF80, s24;
	s24 =	sadd.s32 $0x2, s21  }
0xd0: {  	s23 =	sadd.s32 s2, s23;
	v17 =	vmov s24  }
0xd1: {  	[tilespmem:s25], [sflag:$0x2] =	stream.strided.gather [hbm4b:s23+s12], $0x1000, s13, s12, $0x38;
	v17 =	vand.u32 $0xFFFFFFFA, v17;
	[tilespmem:$0x10700] =	vst v63  }
0xd2: {  	_ =	swait.ge [sflag:s6], $0x1000;
	v17 =	vbroadcast v17, $0x0  }
0xd3: {  	[sflag:s6] =	ssyncset.done $0x0  }
0xd4: {  	[sflag:s6] =	ssyncadd.s32 $0xFFFFF000  }
0xd5: {  	_ =	swait.ge [sflag:s7], $0x1000  }
0xd6: {  	[sflag:s7] =	ssyncset.done $0x0  }
0xd7: {  	[sflag:s7] =	ssyncadd.s32 $0xFFFFF000  }
0xd8: {  	v18 =	vld.idx.msk [tilespmem:v17+s9+$0x0], $0xffff;
	_ =	sdelay $0x1  }
0xd9: {  	v19 =	vld.idx.msk [tilespmem:v17+s11+$0x0], $0xffff;
	_ =	sdelay $0x2  }
0xda: {  	(v2sf) =	vpush v18, $0x0;
	_ =	sdelay $0x1  }
0xdb: {  	(v2sf) =	vpush v19, $0x0;
	_ =	sdelay $0xc  }
0xdc: {  	s24 =	spop (v2sf)  }
0xdd: {  	s23 =	sand.u32 $0x7F, s24  }
0xde: {  	s25 =	spop (v2sf);
	v18 =	vor.u32 s23, v4  }
0xdf: {  	s24 =	sand.u32 $0x7F, s25;
	v19 =	vor.u32 s23, v8  }
0xe0: {  	v52 =	vor.u32 s24, v4  }
0xe1: {  	v53 =	vor.u32 s24, v8  }
0xe2: {  	s24 =	simm.s32 $0xA480  }
0xe3: {  	v18 =	vld.idx.msk [tilespmem:v18+s24+$0x0], $0xffff  }
0xe4: {  	s25 =	simm.s32 $0x2000;
	v19 =	vld.idx.msk [tilespmem:v19+s24+$0x0], $0xffff  }
0xe5: {  	v20 =	vld.idx.msk [tilespmem:v52+s25+$0x0], $0xffff  }
0xe6: {  	v21 =	vld.idx.msk [tilespmem:v53+s25+$0x0], $0xffff;
	_ =	sdelay $0x4  }
0xe7: {  	v18 =	vmul.f32 v20, v18;
	v19 =	vmul.f32 v21, v19;
	_ =	sdelay $0x1  }
0xe8: {  	v18 =	vadd.f32 v19, v18;
	_ =	sdelay $0x1  }
0xe9: {  	(xrf2) =	vadd.scan.msk.f32 $0xffff, v18;
	_ =	sdelay $0x6  }
0xea: {  	s23 =	sadd.s32 $0xA, s21  }
0xeb: {  	v18 =	vmov s23  }
0xec: {  	v18 =	vand.u32 $0xFFFFFFFA, v18  }
0xed: {  	v18 =	vbroadcast v18, $0x0;
	v19, _, _ =	vpop (xrf2)  }
0xee: {  	v19 =	vadd.f32 $0.0e+00, v19;
	_ =	sdelay $0x1  }
0xef: {  	v19 =	vbroadcast v19, $0xF;
	_ =	sdelay $0x1  }
0xf0: {  	[tilespmem:v17+s0+$0x0] =	vst.idx.msk $0x1, v19  }
0xf1: {  	v17 =	vld.idx.msk [tilespmem:v18+s9+$0x0], $0xffff;
	_ =	sdelay $0x3  }
0xf2: {  	v18 =	vld.idx.msk [tilespmem:v18+s11+$0x0], $0xffff  }
0xf3: {  	(v2sf) =	vpush v17, $0x0;
	_ =	sdelay $0x3  }
0xf4: {  	(v2sf) =	vpush v18, $0x0;
	_ =	sdelay $0xa  }
0xf5: {  	s23 =	spop (v2sf)  }
0xf6: {  	s23 =	sand.u32 $0xFFFFF80, s23  }
0xf7: {  	s23 =	sadd.s32 s1, s23  }
0xf8: {  	[tilespmem:s24], [sflag:$0xB] =	stream.strided.gather [hbm4b:s23+s12], $0x1000, s13, s12, $0x38;
	[tilespmem:$0x10700] =	vst v63  }
0xf9: {  	s24 =	spop (v2sf)  }
0xfa: {  	s23 =	sand.u32 $0xFFFFF80, s24;
	s24 =	sadd.s32 $0x3, s21  }
0xfb: {  	s23 =	sadd.s32 s2, s23;
	v17 =	vmov s24  }
0xfc: {  	[tilespmem:s25], [sflag:$0x3] =	stream.strided.gather [hbm4b:s23+s12], $0x1000, s13, s12, $0x38;
	v17 =	vand.u32 $0xFFFFFFFB, v17;
	[tilespmem:$0x10700] =	vst v63  }
0xfd: {  	_ =	swait.ge [sflag:s8], $0x1000;
	v17 =	vbroadcast v17, $0x0  }
0xfe: {  	[sflag:s8] =	ssyncset.done $0x0  }
0xff: {  	[sflag:s8] =	ssyncadd.s32 $0xFFFFF000  }
0x100: {  	_ =	swait.ge [sflag:s10], $0x1000  }
0x101: {  	[sflag:s10] =	ssyncset.done $0x0  }
0x102: {  	[sflag:s10] =	ssyncadd.s32 $0xFFFFF000  }
0x103: {  	v18 =	vld.idx.msk [tilespmem:v17+s9+$0x0], $0xffff;
	_ =	sdelay $0x1  }
0x104: {  	v19 =	vld.idx.msk [tilespmem:v17+s11+$0x0], $0xffff;
	_ =	sdelay $0x2  }
0x105: {  	(v2sf) =	vpush v18, $0x0;
	_ =	sdelay $0x1  }
0x106: {  	(v2sf) =	vpush v19, $0x0;
	_ =	sdelay $0xc  }
0x107: {  	s24 =	spop (v2sf)  }
0x108: {  	s23 =	sand.u32 $0x7F, s24  }
0x109: {  	s25 =	spop (v2sf);
	v18 =	vor.u32 s23, v4  }
0x10a: {  	s24 =	sand.u32 $0x7F, s25;
	v19 =	vor.u32 s23, v8  }
0x10b: {  	v54 =	vor.u32 s24, v4  }
0x10c: {  	v55 =	vor.u32 s24, v8  }
0x10d: {  	s24 =	simm.s32 $0xB480  }
0x10e: {  	v18 =	vld.idx.msk [tilespmem:v18+s24+$0x0], $0xffff  }
0x10f: {  	s25 =	simm.s32 $0x3000;
	v19 =	vld.idx.msk [tilespmem:v19+s24+$0x0], $0xffff  }
0x110: {  	v20 =	vld.idx.msk [tilespmem:v54+s25+$0x0], $0xffff  }
0x111: {  	v21 =	vld.idx.msk [tilespmem:v55+s25+$0x0], $0xffff;
	_ =	sdelay $0x4  }
0x112: {  	v18 =	vmul.f32 v20, v18;
	v19 =	vmul.f32 v21, v19;
	_ =	sdelay $0x1  }
0x113: {  	v18 =	vadd.f32 v19, v18;
	_ =	sdelay $0x1  }
0x114: {  	(xrf2) =	vadd.scan.msk.f32 $0xffff, v18;
	_ =	sdelay $0x6  }
0x115: {  	s23 =	sadd.s32 $0xB, s21  }
0x116: {  	v18 =	vmov s23  }
0x117: {  	v18 =	vand.u32 $0xFFFFFFFB, v18  }
0x118: {  	v18 =	vbroadcast v18, $0x0;
	v19, _, _ =	vpop (xrf2)  }
0x119: {  	v19 =	vadd.f32 $0.0e+00, v19;
	_ =	sdelay $0x1  }
0x11a: {  	v19 =	vbroadcast v19, $0xF;
	_ =	sdelay $0x1  }
0x11b: {  	[tilespmem:v17+s0+$0x0] =	vst.idx.msk $0x1, v19  }
0x11c: {  	v17 =	vld.idx.msk [tilespmem:v18+s9+$0x0], $0xffff;
	_ =	sdelay $0x3  }
0x11d: {  	v18 =	vld.idx.msk [tilespmem:v18+s11+$0x0], $0xffff  }
0x11e: {  	(v2sf) =	vpush v17, $0x0;
	_ =	sdelay $0x3  }
0x11f: {  	(v2sf) =	vpush v18, $0x0;
	_ =	sdelay $0xa  }
0x120: {  	s23 =	spop (v2sf)  }
0x121: {  	s23 =	sand.u32 $0xFFFFF80, s23  }
0x122: {  	s23 =	sadd.s32 s1, s23  }
0x123: {  	[tilespmem:s24], [sflag:$0xC] =	stream.strided.gather [hbm4b:s23+s12], $0x1000, s13, s12, $0x38;
	[tilespmem:$0x10700] =	vst v63  }
0x124: {  	s24 =	spop (v2sf)  }
0x125: {  	s23 =	sand.u32 $0xFFFFF80, s24;
	s24 =	sadd.s32 $0x4, s21  }
0x126: {  	s23 =	sadd.s32 s2, s23;
	v17 =	vmov s24  }
0x127: {  	[tilespmem:s25], [sflag:$0x4] =	stream.strided.gather [hbm4b:s23+s12], $0x1000, s13, s12, $0x38;
	v17 =	vand.u32 $0xFFFFFFFC, v17;
	[tilespmem:$0x10700] =	vst v63  }
0x128: {  	_ =	swait.ge [sflag:s14], $0x1000;
	v17 =	vbroadcast v17, $0x0  }
0x129: {  	[sflag:s14] =	ssyncset.done $0x0  }
0x12a: {  	[sflag:s14] =	ssyncadd.s32 $0xFFFFF000  }
0x12b: {  	_ =	swait.ge [sflag:s15], $0x1000  }
0x12c: {  	[sflag:s15] =	ssyncset.done $0x0  }
0x12d: {  	[sflag:s15] =	ssyncadd.s32 $0xFFFFF000  }
0x12e: {  	v18 =	vld.idx.msk [tilespmem:v17+s9+$0x0], $0xffff;
	_ =	sdelay $0x1  }
0x12f: {  	v19 =	vld.idx.msk [tilespmem:v17+s11+$0x0], $0xffff;
	_ =	sdelay $0x2  }
0x130: {  	(v2sf) =	vpush v18, $0x0;
	_ =	sdelay $0x1  }
0x131: {  	(v2sf) =	vpush v19, $0x0;
	_ =	sdelay $0xc  }
0x132: {  	s24 =	spop (v2sf)  }
0x133: {  	s23 =	sand.u32 $0x7F, s24  }
0x134: {  	s25 =	spop (v2sf);
	v18 =	vor.u32 s23, v4  }
0x135: {  	s24 =	sand.u32 $0x7F, s25;
	v19 =	vor.u32 s23, v8  }
0x136: {  	v56 =	vor.u32 s24, v4  }
0x137: {  	v57 =	vor.u32 s24, v8  }
0x138: {  	s24 =	simm.s32 $0xC480  }
0x139: {  	v18 =	vld.idx.msk [tilespmem:v18+s24+$0x0], $0xffff  }
0x13a: {  	s25 =	simm.s32 $0x4000;
	v19 =	vld.idx.msk [tilespmem:v19+s24+$0x0], $0xffff  }
0x13b: {  	v20 =	vld.idx.msk [tilespmem:v56+s25+$0x0], $0xffff  }
0x13c: {  	v21 =	vld.idx.msk [tilespmem:v57+s25+$0x0], $0xffff;
	_ =	sdelay $0x4  }
0x13d: {  	v18 =	vmul.f32 v20, v18;
	v19 =	vmul.f32 v21, v19;
	_ =	sdelay $0x1  }
0x13e: {  	v18 =	vadd.f32 v19, v18;
	_ =	sdelay $0x1  }
0x13f: {  	(xrf2) =	vadd.scan.msk.f32 $0xffff, v18;
	_ =	sdelay $0x6  }
0x140: {  	s23 =	sadd.s32 $0xC, s21  }
0x141: {  	v18 =	vmov s23  }
0x142: {  	v18 =	vand.u32 $0xFFFFFFFC, v18  }
0x143: {  	v18 =	vbroadcast v18, $0x0;
	v19, _, _ =	vpop (xrf2)  }
0x144: {  	v19 =	vadd.f32 $0.0e+00, v19;
	_ =	sdelay $0x1  }
0x145: {  	v19 =	vbroadcast v19, $0xF;
	_ =	sdelay $0x1  }
0x146: {  	[tilespmem:v17+s0+$0x0] =	vst.idx.msk $0x1, v19  }
0x147: {  	v17 =	vld.idx.msk [tilespmem:v18+s9+$0x0], $0xffff;
	_ =	sdelay $0x3  }
0x148: {  	v18 =	vld.idx.msk [tilespmem:v18+s11+$0x0], $0xffff  }
0x149: {  	(v2sf) =	vpush v17, $0x0;
	_ =	sdelay $0x3  }
0x14a: {  	(v2sf) =	vpush v18, $0x0;
	_ =	sdelay $0xa  }
0x14b: {  	s23 =	spop (v2sf)  }
0x14c: {  	s23 =	sand.u32 $0xFFFFF80, s23  }
0x14d: {  	s23 =	sadd.s32 s1, s23  }
0x14e: {  	[tilespmem:s24], [sflag:$0xD] =	stream.strided.gather [hbm4b:s23+s12], $0x1000, s13, s12, $0x38;
	[tilespmem:$0x10700] =	vst v63  }
0x14f: {  	s24 =	spop (v2sf)  }
0x150: {  	s23 =	sand.u32 $0xFFFFF80, s24;
	s24 =	sadd.s32 $0x5, s21  }
0x151: {  	s23 =	sadd.s32 s2, s23;
	v17 =	vmov s24  }
0x152: {  	[tilespmem:s25], [sflag:$0x5] =	stream.strided.gather [hbm4b:s23+s12], $0x1000, s13, s12, $0x38;
	v17 =	vand.u32 $0xFFFFFFFD, v17;
	[tilespmem:$0x10700] =	vst v63  }
0x153: {  	_ =	swait.ge [sflag:s16], $0x1000;
	v17 =	vbroadcast v17, $0x0  }
0x154: {  	[sflag:s16] =	ssyncset.done $0x0  }
0x155: {  	[sflag:s16] =	ssyncadd.s32 $0xFFFFF000  }
0x156: {  	_ =	swait.ge [sflag:s17], $0x1000  }
0x157: {  	[sflag:s17] =	ssyncset.done $0x0  }
0x158: {  	[sflag:s17] =	ssyncadd.s32 $0xFFFFF000  }
0x159: {  	v18 =	vld.idx.msk [tilespmem:v17+s9+$0x0], $0xffff;
	_ =	sdelay $0x1  }
0x15a: {  	v19 =	vld.idx.msk [tilespmem:v17+s11+$0x0], $0xffff;
	_ =	sdelay $0x2  }
0x15b: {  	(v2sf) =	vpush v18, $0x0;
	_ =	sdelay $0x1  }
0x15c: {  	(v2sf) =	vpush v19, $0x0;
	_ =	sdelay $0xc  }
0x15d: {  	s24 =	spop (v2sf)  }
0x15e: {  	s23 =	sand.u32 $0x7F, s24  }
0x15f: {  	s25 =	spop (v2sf);
	v18 =	vor.u32 s23, v4  }
0x160: {  	s24 =	sand.u32 $0x7F, s25;
	v19 =	vor.u32 s23, v8  }
0x161: {  	v58 =	vor.u32 s24, v4  }
0x162: {  	v59 =	vor.u32 s24, v8  }
0x163: {  	s24 =	simm.s32 $0xD480  }
0x164: {  	v18 =	vld.idx.msk [tilespmem:v18+s24+$0x0], $0xffff  }
0x165: {  	s25 =	simm.s32 $0x5000;
	v19 =	vld.idx.msk [tilespmem:v19+s24+$0x0], $0xffff  }
0x166: {  	v20 =	vld.idx.msk [tilespmem:v58+s25+$0x0], $0xffff  }
0x167: {  	v21 =	vld.idx.msk [tilespmem:v59+s25+$0x0], $0xffff;
	_ =	sdelay $0x4  }
0x168: {  	v18 =	vmul.f32 v20, v18;
	v19 =	vmul.f32 v21, v19;
	_ =	sdelay $0x1  }
0x169: {  	v18 =	vadd.f32 v19, v18;
	_ =	sdelay $0x1  }
0x16a: {  	(xrf2) =	vadd.scan.msk.f32 $0xffff, v18;
	_ =	sdelay $0x6  }
0x16b: {  	s23 =	sadd.s32 $0xD, s21  }
0x16c: {  	v18 =	vmov s23  }
0x16d: {  	v18 =	vand.u32 $0xFFFFFFFD, v18  }
0x16e: {  	v18 =	vbroadcast v18, $0x0;
	v19, _, _ =	vpop (xrf2)  }
0x16f: {  	v19 =	vadd.f32 $0.0e+00, v19;
	_ =	sdelay $0x1  }
0x170: {  	v19 =	vbroadcast v19, $0xF;
	_ =	sdelay $0x1  }
0x171: {  	[tilespmem:v17+s0+$0x0] =	vst.idx.msk $0x1, v19  }
0x172: {  	v17 =	vld.idx.msk [tilespmem:v18+s9+$0x0], $0xffff;
	_ =	sdelay $0x3  }
0x173: {  	v18 =	vld.idx.msk [tilespmem:v18+s11+$0x0], $0xffff  }
0x174: {  	(v2sf) =	vpush v17, $0x0;
	_ =	sdelay $0x3  }
0x175: {  	(v2sf) =	vpush v18, $0x0;
	_ =	sdelay $0xa  }
0x176: {  	s23 =	spop (v2sf)  }
0x177: {  	s23 =	sand.u32 $0xFFFFF80, s23  }
0x178: {  	s23 =	sadd.s32 s1, s23  }
0x179: {  	[tilespmem:s24], [sflag:$0xE] =	stream.strided.gather [hbm4b:s23+s12], $0x1000, s13, s12, $0x38;
	[tilespmem:$0x10700] =	vst v63  }
0x17a: {  	s24 =	spop (v2sf)  }
0x17b: {  	s23 =	sand.u32 $0xFFFFF80, s24;
	s24 =	sadd.s32 $0x6, s21  }
0x17c: {  	s23 =	sadd.s32 s2, s23;
	v17 =	vmov s24  }
0x17d: {  	[tilespmem:s25], [sflag:$0x6] =	stream.strided.gather [hbm4b:s23+s12], $0x1000, s13, s12, $0x38;
	v17 =	vand.u32 $0xFFFFFFFE, v17;
	[tilespmem:$0x10700] =	vst v63  }
0x17e: {  	_ =	swait.ge [sflag:s18], $0x1000;
	v17 =	vbroadcast v17, $0x0  }
0x17f: {  	[sflag:s18] =	ssyncset.done $0x0  }
0x180: {  	[sflag:s18] =	ssyncadd.s32 $0xFFFFF000  }
0x181: {  	_ =	swait.ge [sflag:s19], $0x1000  }
0x182: {  	[sflag:s19] =	ssyncset.done $0x0  }
0x183: {  	[sflag:s19] =	ssyncadd.s32 $0xFFFFF000  }
0x184: {  	v18 =	vld.idx.msk [tilespmem:v17+s9+$0x0], $0xffff;
	_ =	sdelay $0x1  }
0x185: {  	v19 =	vld.idx.msk [tilespmem:v17+s11+$0x0], $0xffff;
	_ =	sdelay $0x2  }
0x186: {  	(v2sf) =	vpush v18, $0x0;
	_ =	sdelay $0x1  }
0x187: {  	(v2sf) =	vpush v19, $0x0;
	_ =	sdelay $0xc  }
0x188: {  	s24 =	spop (v2sf)  }
0x189: {  	s23 =	sand.u32 $0x7F, s24  }
0x18a: {  	s25 =	spop (v2sf);
	v18 =	vor.u32 s23, v4  }
0x18b: {  	s24 =	sand.u32 $0x7F, s25;
	v19 =	vor.u32 s23, v8  }
0x18c: {  	v60 =	vor.u32 s24, v4  }
0x18d: {  	v61 =	vor.u32 s24, v8  }
0x18e: {  	s24 =	simm.s32 $0xE480  }
0x18f: {  	v18 =	vld.idx.msk [tilespmem:v18+s24+$0x0], $0xffff  }
0x190: {  	v19 =	vld.idx.msk [tilespmem:v19+s24+$0x0], $0xffff  }
0x191: {  	v20 =	vld.idx.msk [tilespmem:v60+s26+$0x0], $0xffff  }
0x192: {  	v21 =	vld.idx.msk [tilespmem:v61+s26+$0x0], $0xffff;
	_ =	sdelay $0x4  }
0x193: {  	v18 =	vmul.f32 v20, v18;
	v19 =	vmul.f32 v21, v19;
	_ =	sdelay $0x1  }
0x194: {  	v18 =	vadd.f32 v19, v18;
	_ =	sdelay $0x1  }
0x195: {  	(xrf2) =	vadd.scan.msk.f32 $0xffff, v18;
	_ =	sdelay $0x6  }
0x196: {  	s25 =	sadd.s32 $0xE, s21  }
0x197: {  	v18 =	vmov s25  }
0x198: {  	v18 =	vand.u32 $0xFFFFFFFE, v18  }
0x199: {  	v18 =	vbroadcast v18, $0x0;
	v19, _, _ =	vpop (xrf2)  }
0x19a: {  	v19 =	vadd.f32 $0.0e+00, v19;
	_ =	sdelay $0x1  }
0x19b: {  	v19 =	vbroadcast v19, $0xF;
	_ =	sdelay $0x1  }
0x19c: {  	[tilespmem:v17+s0+$0x0] =	vst.idx.msk $0x1, v19  }
0x19d: {  	v17 =	vld.idx.msk [tilespmem:v18+s9+$0x0], $0xffff;
	_ =	sdelay $0x3  }
0x19e: {  	v18 =	vld.idx.msk [tilespmem:v18+s11+$0x0], $0xffff  }
0x19f: {  	(v2sf) =	vpush v17, $0x0;
	_ =	sdelay $0x3  }
0x1a0: {  	(v2sf) =	vpush v18, $0x0;
	_ =	sdelay $0xa  }
0x1a1: {  	s25 =	spop (v2sf)  }
0x1a2: {  	s23 =	sand.u32 $0xFFFFF80, s25  }
0x1a3: {  	s23 =	sadd.s32 s1, s23  }
0x1a4: {  	[tilespmem:s24], [sflag:$0xF] =	stream.strided.gather [hbm4b:s23+s12], $0x1000, s13, s12, $0x38;
	[tilespmem:$0x10700] =	vst v63  }
0x1a5: {  	s24 =	spop (v2sf)  }
0x1a6: {  	s23 =	sand.u32 $0xFFFFF80, s24  }
0x1a7: {  	s23 =	sadd.s32 s2, s23  }
0x1a8: {  	[tilespmem:s26], [sflag:$0x7] =	stream.strided.gather [hbm4b:s23+s12], $0x1000, s13, s12, $0x38;
	[tilespmem:$0x10700] =	vst v63  }
0x1a9: {  	s25 =	sadd.s32 $0x7, s21;
	_ =	swait.ge [sflag:s4], $0x1000  }
0x1aa: {  	v17 =	vmov s25;
	[sflag:s4] =	ssyncset.done $0x0  }
0x1ab: {  	[sflag:s4] =	ssyncadd.s32 $0xFFFFF000  }
0x1ac: {  	_ =	swait.ge [sflag:s20], $0x1000  }
0x1ad: {  	[sflag:s20] =	ssyncset.done $0x0  }
0x1ae: {  	[sflag:s20] =	ssyncadd.s32 $0xFFFFF000  }
0x1af: {  	v18 =	vld.idx.msk [tilespmem:v17+s9+$0x0], $0xffff;
	_ =	sdelay $0x1  }
0x1b0: {  	v19 =	vld.idx.msk [tilespmem:v17+s11+$0x0], $0xffff;
	_ =	sdelay $0x2  }
0x1b1: {  	(v2sf) =	vpush v18, $0x0;
	_ =	sdelay $0x1  }
0x1b2: {  	(v2sf) =	vpush v19, $0x0;
	_ =	sdelay $0xc  }
0x1b3: {  	s24 =	spop (v2sf)  }
0x1b4: {  	s23 =	sand.u32 $0x7F, s24  }
0x1b5: {  	s25 =	spop (v2sf);
	v18 =	vor.u32 s23, v4  }
0x1b6: {  	v19 =	vor.u32 s23, v8;
	s24 =	sand.u32 $0x7F, s25  }
0x1b7: {  	v62 =	vor.u32 s24, v4  }
0x1b8: {  	v63 =	vor.u32 s24, v8;
	_ =	sdelay $0x1  }
0x1b9: {  	v18 =	vld.idx.msk [tilespmem:v18+s28+$0x0], $0xffff  }
0x1ba: {  	v19 =	vld.idx.msk [tilespmem:v19+s28+$0x0], $0xffff  }
0x1bb: {  	v20 =	vld.idx.msk [tilespmem:v62+s29+$0x0], $0xffff  }
0x1bc: {  	v21 =	vld.idx.msk [tilespmem:v63+s29+$0x0], $0xffff;
	_ =	sdelay $0x4  }
0x1bd: {  	v18 =	vmul.f32 v20, v18;
	v19 =	vmul.f32 v21, v19;
	_ =	sdelay $0x1  }
0x1be: {  	v18 =	vadd.f32 v19, v18;
	_ =	sdelay $0x1  }
0x1bf: {  	(xrf2) =	vadd.scan.msk.f32 $0xffff, v18;
	_ =	sdelay $0x9  }
0x1c0: {  	s25 =	sadd.s32 $0xF, s21;
	v18, _, _ =	vpop (xrf2)  }
0x1c1: {  	v19 =	vmov s25;
	v18 =	vadd.f32 $0.0e+00, v18;
	_ =	sdelay $0x1  }
0x1c2: {  	v18 =	vbroadcast v18, $0xF;
	_ =	sdelay $0x1  }
0x1c3: {  	[tilespmem:v17+s0+$0x0] =	vst.idx.msk $0x1, v18  }
0x1c4: {  	v17 =	vld.idx.msk [tilespmem:v19+s9+$0x0], $0xffff;
	_ =	sdelay $0x1  }
0x1c5: {  	v18 =	vld.idx.msk [tilespmem:v19+s11+$0x0], $0xffff;
	_ =	sdelay $0x2  }
0x1c6: {  	(v2sf) =	vpush v17, $0x0;
	_ =	sdelay $0x1  }
0x1c7: {  	(v2sf) =	vpush v18, $0x0;
	_ =	sdelay $0xc  }
0x1c8: {  	s24 =	spop (v2sf)  }
0x1c9: {  	p0 =	sne.s32 s21, $0x1F0;
	s23 =	sand.u32 $0xFFFFF80, s24  }
.Ltmp0:
0x1ca: {  	s25 =	spop (v2sf);
	s23 =	sadd.s32 s1, s23;
	(pc) =	sbr.rel @p0 .LBB2_2-.Ltmp0, $4  }
0x1cb: {  	[tilespmem:s28], [sflag:$0x10] =	stream.strided.gather [hbm4b:s23+s12], $0x1000, s13, s12, $0x38;
	[tilespmem:$0x10700] =	vst v63  }
0x1cc: {  	s23 =	sand.u32 $0xFFFFF80, s25  }
0x1cd: {  	s21 =	smov.u32 s22;
	s23 =	sadd.s32 s2, s23  }
0x1ce: {  	[tilespmem:s29], [sflag:$0x8] =	stream.strided.gather [hbm4b:s23+s12], $0x1000, s13, s12, $0x38;
	[tilespmem:$0x10700] =	vst v63  }
0x1cf: {  	_ =	swait.ge [sflag:s30], $0x1000  }
0x1d0: {  	[sflag:s30] =	ssyncset.done $0x0  }
0x1d1: {  	[sflag:s30] =	ssyncadd.s32 $0xFFFFF000  }
0x1d2: {  	_ =	swait.ge [sflag:s31], $0x1000  }
0x1d3: {  	[sflag:s31] =	ssyncset.done $0x0  }
0x1d4: {  	[sflag:s31] =	ssyncadd.s32 $0xFFFFF000  }
0x1d5: {  	v17 =	vld.idx.msk [tilespmem:v9+s9+$0x0], $0xffff;
	_ =	sdelay $0x1  }
0x1d6: {  	v18 =	vld.idx.msk [tilespmem:v9+s11+$0x0], $0xffff;
	_ =	sdelay $0x2  }
0x1d7: {  	(v2sf) =	vpush v17, $0x0;
	_ =	sdelay $0x1  }
0x1d8: {  	(v2sf) =	vpush v18, $0x0;
	_ =	sdelay $0xc  }
0x1d9: {  	s21 =	spop (v2sf)  }
0x1da: {  	s21 =	sand.u32 $0x7F, s21  }
0x1db: {  	s22 =	spop (v2sf);
	v17 =	vor.u32 s21, v4  }
0x1dc: {  	s22 =	sand.u32 $0x7F, s22;
	v18 =	vor.u32 s21, v8  }
0x1dd: {  	v19 =	vor.u32 s22, v4  }
0x1de: {  	v20 =	vor.u32 s22, v8  }
0x1df: {  	s23 =	simm.s32 $0x8480  }
0x1e0: {  	v17 =	vld.idx.msk [tilespmem:v17+s23+$0x0], $0xffff  }
0x1e1: {  	v18 =	vld.idx.msk [tilespmem:v18+s23+$0x0], $0xffff;
	s23 =	simm.s32 $0x0  }
0x1e2: {  	v19 =	vld.idx.msk [tilespmem:v19+s23+$0x0], $0xffff  }
0x1e3: {  	v20 =	vld.idx.msk [tilespmem:v20+s23+$0x0], $0xffff;
	_ =	sdelay $0x4  }
0x1e4: {  	v17 =	vmul.f32 v19, v17;
	v18 =	vmul.f32 v20, v18;
	_ =	sdelay $0x1  }
0x1e5: {  	v17 =	vadd.f32 v18, v17;
	_ =	sdelay $0x1  }
0x1e6: {  	(xrf2) =	vadd.scan.msk.f32 $0xffff, v17;
	_ =	sdelay $0x9  }
0x1e7: {  	v17, _, _ =	vpop (xrf2)  }
0x1e8: {  	v17 =	vadd.f32 $0.0e+00, v17;
	_ =	sdelay $0x1  }
0x1e9: {  	v17 =	vbroadcast v17, $0xF;
	_ =	sdelay $0x1  }
0x1ea: {  	[tilespmem:v9+s0+$0x0] =	vst.idx.msk $0x1, v17  }
0x1eb: {  	_ =	swait.ge [sflag:s3], $0x1000  }
0x1ec: {  	[sflag:s3] =	ssyncset.done $0x0  }
0x1ed: {  	[sflag:s3] =	ssyncadd.s32 $0xFFFFF000  }
0x1ee: {  	_ =	swait.ge [sflag:s5], $0x1000  }
0x1ef: {  	[sflag:s5] =	ssyncset.done $0x0  }
0x1f0: {  	[sflag:s5] =	ssyncadd.s32 $0xFFFFF000  }
0x1f1: {  	v17 =	vld.idx.msk [tilespmem:v10+s9+$0x0], $0xffff;
	_ =	sdelay $0x1  }
0x1f2: {  	v18 =	vld.idx.msk [tilespmem:v10+s11+$0x0], $0xffff;
	_ =	sdelay $0x2  }
0x1f3: {  	(v2sf) =	vpush v17, $0x0;
	_ =	sdelay $0x1  }
0x1f4: {  	(v2sf) =	vpush v18, $0x0;
	_ =	sdelay $0xc  }
0x1f5: {  	s24 =	spop (v2sf)  }
0x1f6: {  	s21 =	sand.u32 $0x7F, s24  }
0x1f7: {  	s25 =	spop (v2sf);
	v17 =	vor.u32 s21, v4  }
0x1f8: {  	s22 =	sand.u32 $0x7F, s25;
	v18 =	vor.u32 s21, v8  }
0x1f9: {  	v19 =	vor.u32 s22, v4  }
0x1fa: {  	v57 =	vor.u32 s22, v8  }
0x1fb: {  	s24 =	simm.s32 $0x9480  }
0x1fc: {  	v17 =	vld.idx.msk [tilespmem:v17+s24+$0x0], $0xffff  }
0x1fd: {  	s25 =	simm.s32 $0x1000;
	v18 =	vld.idx.msk [tilespmem:v18+s24+$0x0], $0xffff  }
0x1fe: {  	v19 =	vld.idx.msk [tilespmem:v19+s25+$0x0], $0xffff  }
0x1ff: {  	v20 =	vld.idx.msk [tilespmem:v57+s25+$0x0], $0xffff;
	_ =	sdelay $0x4  }
0x200: {  	v17 =	vmul.f32 v19, v17;
	v18 =	vmul.f32 v20, v18;
	_ =	sdelay $0x1  }
0x201: {  	v17 =	vadd.f32 v18, v17;
	_ =	sdelay $0x1  }
0x202: {  	(xrf2) =	vadd.scan.msk.f32 $0xffff, v17;
	_ =	sdelay $0x9  }
0x203: {  	v17, _, _ =	vpop (xrf2)  }
0x204: {  	v17 =	vadd.f32 $0.0e+00, v17;
	_ =	sdelay $0x1  }
0x205: {  	v17 =	vbroadcast v17, $0xF;
	_ =	sdelay $0x1  }
0x206: {  	[tilespmem:v10+s0+$0x0] =	vst.idx.msk $0x1, v17  }
0x207: {  	_ =	swait.ge [sflag:s6], $0x1000  }
0x208: {  	[sflag:s6] =	ssyncset.done $0x0  }
0x209: {  	[sflag:s6] =	ssyncadd.s32 $0xFFFFF000  }
0x20a: {  	_ =	swait.ge [sflag:s7], $0x1000  }
0x20b: {  	[sflag:s7] =	ssyncset.done $0x0  }
0x20c: {  	[sflag:s7] =	ssyncadd.s32 $0xFFFFF000  }
0x20d: {  	v17 =	vld.idx.msk [tilespmem:v11+s9+$0x0], $0xffff;
	_ =	sdelay $0x1  }
0x20e: {  	v18 =	vld.idx.msk [tilespmem:v11+s11+$0x0], $0xffff;
	_ =	sdelay $0x2  }
0x20f: {  	(v2sf) =	vpush v17, $0x0;
	_ =	sdelay $0x1  }
0x210: {  	(v2sf) =	vpush v18, $0x0;
	_ =	sdelay $0xc  }
0x211: {  	s22 =	spop (v2sf)  }
0x212: {  	s21 =	sand.u32 $0x7F, s22  }
0x213: {  	s24 =	spop (v2sf);
	v17 =	vor.u32 s21, v4  }
0x214: {  	s22 =	sand.u32 $0x7F, s24;
	v18 =	vor.u32 s21, v8  }
0x215: {  	v19 =	vor.u32 s22, v4  }
0x216: {  	v58 =	vor.u32 s22, v8  }
0x217: {  	s25 =	simm.s32 $0xA480  }
0x218: {  	v17 =	vld.idx.msk [tilespmem:v17+s25+$0x0], $0xffff  }
0x219: {  	s22 =	simm.s32 $0x2000;
	v18 =	vld.idx.msk [tilespmem:v18+s25+$0x0], $0xffff  }
0x21a: {  	v19 =	vld.idx.msk [tilespmem:v19+s22+$0x0], $0xffff  }
0x21b: {  	v20 =	vld.idx.msk [tilespmem:v58+s22+$0x0], $0xffff;
	_ =	sdelay $0x4  }
0x21c: {  	v17 =	vmul.f32 v19, v17;
	v18 =	vmul.f32 v20, v18;
	_ =	sdelay $0x1  }
0x21d: {  	v17 =	vadd.f32 v18, v17;
	_ =	sdelay $0x1  }
0x21e: {  	(xrf2) =	vadd.scan.msk.f32 $0xffff, v17;
	_ =	sdelay $0x9  }
0x21f: {  	v17, _, _ =	vpop (xrf2)  }
0x220: {  	v17 =	vadd.f32 $0.0e+00, v17;
	_ =	sdelay $0x1  }
0x221: {  	v17 =	vbroadcast v17, $0xF;
	_ =	sdelay $0x1  }
0x222: {  	[tilespmem:v11+s0+$0x0] =	vst.idx.msk $0x1, v17  }
0x223: {  	_ =	swait.ge [sflag:s8], $0x1000  }
0x224: {  	[sflag:s8] =	ssyncset.done $0x0  }
0x225: {  	[sflag:s8] =	ssyncadd.s32 $0xFFFFF000  }
0x226: {  	_ =	swait.ge [sflag:s10], $0x1000  }
0x227: {  	[sflag:s10] =	ssyncset.done $0x0  }
0x228: {  	[sflag:s10] =	ssyncadd.s32 $0xFFFFF000  }
0x229: {  	v17 =	vld.idx.msk [tilespmem:v12+s9+$0x0], $0xffff;
	_ =	sdelay $0x1  }
0x22a: {  	v18 =	vld.idx.msk [tilespmem:v12+s11+$0x0], $0xffff;
	_ =	sdelay $0x2  }
0x22b: {  	(v2sf) =	vpush v17, $0x0;
	_ =	sdelay $0x1  }
0x22c: {  	(v2sf) =	vpush v18, $0x0;
	_ =	sdelay $0xc  }
0x22d: {  	s24 =	spop (v2sf)  }
0x22e: {  	s21 =	sand.u32 $0x7F, s24  }
0x22f: {  	s25 =	spop (v2sf);
	v17 =	vor.u32 s21, v4  }
0x230: {  	s22 =	sand.u32 $0x7F, s25;
	v18 =	vor.u32 s21, v8  }
0x231: {  	v19 =	vor.u32 s22, v4  }
0x232: {  	v59 =	vor.u32 s22, v8  }
0x233: {  	s24 =	simm.s32 $0xB480  }
0x234: {  	v17 =	vld.idx.msk [tilespmem:v17+s24+$0x0], $0xffff  }
0x235: {  	s25 =	simm.s32 $0x3000;
	v18 =	vld.idx.msk [tilespmem:v18+s24+$0x0], $0xffff  }
0x236: {  	v19 =	vld.idx.msk [tilespmem:v19+s25+$0x0], $0xffff  }
0x237: {  	v20 =	vld.idx.msk [tilespmem:v59+s25+$0x0], $0xffff;
	_ =	sdelay $0x4  }
0x238: {  	v17 =	vmul.f32 v19, v17;
	v18 =	vmul.f32 v20, v18;
	_ =	sdelay $0x1  }
0x239: {  	v17 =	vadd.f32 v18, v17;
	_ =	sdelay $0x1  }
0x23a: {  	(xrf2) =	vadd.scan.msk.f32 $0xffff, v17;
	_ =	sdelay $0x9  }
0x23b: {  	v17, _, _ =	vpop (xrf2)  }
0x23c: {  	v17 =	vadd.f32 $0.0e+00, v17;
	_ =	sdelay $0x1  }
0x23d: {  	v17 =	vbroadcast v17, $0xF;
	_ =	sdelay $0x1  }
0x23e: {  	[tilespmem:v12+s0+$0x0] =	vst.idx.msk $0x1, v17  }
0x23f: {  	_ =	swait.ge [sflag:s14], $0x1000  }
0x240: {  	[sflag:s14] =	ssyncset.done $0x0  }
0x241: {  	[sflag:s14] =	ssyncadd.s32 $0xFFFFF000  }
0x242: {  	_ =	swait.ge [sflag:s15], $0x1000  }
0x243: {  	[sflag:s15] =	ssyncset.done $0x0  }
0x244: {  	[sflag:s15] =	ssyncadd.s32 $0xFFFFF000  }
0x245: {  	v17 =	vld.idx.msk [tilespmem:v13+s9+$0x0], $0xffff;
	_ =	sdelay $0x1  }
0x246: {  	v18 =	vld.idx.msk [tilespmem:v13+s11+$0x0], $0xffff;
	_ =	sdelay $0x2  }
0x247: {  	(v2sf) =	vpush v17, $0x0;
	_ =	sdelay $0x1  }
0x248: {  	(v2sf) =	vpush v18, $0x0;
	_ =	sdelay $0xc  }
0x249: {  	s22 =	spop (v2sf)  }
0x24a: {  	s21 =	sand.u32 $0x7F, s22  }
0x24b: {  	s24 =	spop (v2sf);
	v17 =	vor.u32 s21, v4  }
0x24c: {  	s22 =	sand.u32 $0x7F, s24;
	v18 =	vor.u32 s21, v8  }
0x24d: {  	v19 =	vor.u32 s22, v4  }
0x24e: {  	v60 =	vor.u32 s22, v8  }
0x24f: {  	s25 =	simm.s32 $0xC480  }
0x250: {  	v17 =	vld.idx.msk [tilespmem:v17+s25+$0x0], $0xffff  }
0x251: {  	s22 =	simm.s32 $0x4000;
	v18 =	vld.idx.msk [tilespmem:v18+s25+$0x0], $0xffff  }
0x252: {  	v19 =	vld.idx.msk [tilespmem:v19+s22+$0x0], $0xffff  }
0x253: {  	v20 =	vld.idx.msk [tilespmem:v60+s22+$0x0], $0xffff;
	_ =	sdelay $0x4  }
0x254: {  	v17 =	vmul.f32 v19, v17;
	v18 =	vmul.f32 v20, v18;
	_ =	sdelay $0x1  }
0x255: {  	v17 =	vadd.f32 v18, v17;
	_ =	sdelay $0x1  }
0x256: {  	(xrf2) =	vadd.scan.msk.f32 $0xffff, v17;
	_ =	sdelay $0x9  }
0x257: {  	v17, _, _ =	vpop (xrf2)  }
0x258: {  	v17 =	vadd.f32 $0.0e+00, v17;
	_ =	sdelay $0x1  }
0x259: {  	v17 =	vbroadcast v17, $0xF;
	_ =	sdelay $0x1  }
0x25a: {  	[tilespmem:v13+s0+$0x0] =	vst.idx.msk $0x1, v17  }
0x25b: {  	_ =	swait.ge [sflag:s16], $0x1000  }
0x25c: {  	[sflag:s16] =	ssyncset.done $0x0  }
0x25d: {  	[sflag:s16] =	ssyncadd.s32 $0xFFFFF000  }
0x25e: {  	_ =	swait.ge [sflag:s17], $0x1000  }
0x25f: {  	[sflag:s17] =	ssyncset.done $0x0  }
0x260: {  	[sflag:s17] =	ssyncadd.s32 $0xFFFFF000  }
0x261: {  	v17 =	vld.idx.msk [tilespmem:v14+s9+$0x0], $0xffff;
	_ =	sdelay $0x1  }
0x262: {  	v18 =	vld.idx.msk [tilespmem:v14+s11+$0x0], $0xffff;
	_ =	sdelay $0x2  }
0x263: {  	(v2sf) =	vpush v17, $0x0;
	_ =	sdelay $0x1  }
0x264: {  	(v2sf) =	vpush v18, $0x0;
	_ =	sdelay $0xc  }
0x265: {  	s24 =	spop (v2sf)  }
0x266: {  	s21 =	sand.u32 $0x7F, s24  }
0x267: {  	s25 =	spop (v2sf);
	v17 =	vor.u32 s21, v4  }
0x268: {  	s22 =	sand.u32 $0x7F, s25;
	v18 =	vor.u32 s21, v8  }
0x269: {  	v19 =	vor.u32 s22, v4  }
0x26a: {  	v61 =	vor.u32 s22, v8  }
0x26b: {  	s22 =	simm.s32 $0xD480  }
0x26c: {  	v17 =	vld.idx.msk [tilespmem:v17+s22+$0x0], $0xffff  }
0x26d: {  	s24 =	simm.s32 $0x5000;
	v18 =	vld.idx.msk [tilespmem:v18+s22+$0x0], $0xffff  }
0x26e: {  	v19 =	vld.idx.msk [tilespmem:v19+s24+$0x0], $0xffff  }
0x26f: {  	v20 =	vld.idx.msk [tilespmem:v61+s24+$0x0], $0xffff;
	_ =	sdelay $0x4  }
0x270: {  	v17 =	vmul.f32 v19, v17;
	v18 =	vmul.f32 v20, v18;
	_ =	sdelay $0x1  }
0x271: {  	v17 =	vadd.f32 v18, v17;
	_ =	sdelay $0x1  }
0x272: {  	(xrf2) =	vadd.scan.msk.f32 $0xffff, v17;
	_ =	sdelay $0x9  }
0x273: {  	v17, _, _ =	vpop (xrf2)  }
0x274: {  	v17 =	vadd.f32 $0.0e+00, v17;
	_ =	sdelay $0x1  }
0x275: {  	v17 =	vbroadcast v17, $0xF;
	_ =	sdelay $0x1  }
0x276: {  	[tilespmem:v14+s0+$0x0] =	vst.idx.msk $0x1, v17  }
0x277: {  	_ =	swait.ge [sflag:s18], $0x1000  }
0x278: {  	[sflag:s18] =	ssyncset.done $0x0  }
0x279: {  	[sflag:s18] =	ssyncadd.s32 $0xFFFFF000  }
0x27a: {  	_ =	swait.ge [sflag:s19], $0x1000  }
0x27b: {  	[sflag:s19] =	ssyncset.done $0x0  }
0x27c: {  	[sflag:s19] =	ssyncadd.s32 $0xFFFFF000  }
0x27d: {  	v17 =	vld.idx.msk [tilespmem:v15+s9+$0x0], $0xffff;
	_ =	sdelay $0x1  }
0x27e: {  	v18 =	vld.idx.msk [tilespmem:v15+s11+$0x0], $0xffff;
	_ =	sdelay $0x2  }
0x27f: {  	(v2sf) =	vpush v17, $0x0;
	_ =	sdelay $0x1  }
0x280: {  	(v2sf) =	vpush v18, $0x0;
	_ =	sdelay $0xc  }
0x281: {  	s22 =	spop (v2sf)  }
0x282: {  	s21 =	sand.u32 $0x7F, s22  }
0x283: {  	s24 =	spop (v2sf);
	v17 =	vor.u32 s21, v4  }
0x284: {  	s22 =	sand.u32 $0x7F, s24;
	v18 =	vor.u32 s21, v8  }
0x285: {  	v19 =	vor.u32 s22, v4  }
0x286: {  	v62 =	vor.u32 s22, v8  }
0x287: {  	s22 =	simm.s32 $0xE480  }
0x288: {  	v17 =	vld.idx.msk [tilespmem:v17+s22+$0x0], $0xffff  }
0x289: {  	v18 =	vld.idx.msk [tilespmem:v18+s22+$0x0], $0xffff  }
0x28a: {  	v19 =	vld.idx.msk [tilespmem:v19+s26+$0x0], $0xffff  }
0x28b: {  	v20 =	vld.idx.msk [tilespmem:v62+s26+$0x0], $0xffff;
	_ =	sdelay $0x4  }
0x28c: {  	v17 =	vmul.f32 v19, v17;
	v18 =	vmul.f32 v20, v18;
	_ =	sdelay $0x1  }
0x28d: {  	v17 =	vadd.f32 v18, v17;
	_ =	sdelay $0x1  }
0x28e: {  	(xrf2) =	vadd.scan.msk.f32 $0xffff, v17;
	_ =	sdelay $0x9  }
0x28f: {  	v17, _, _ =	vpop (xrf2)  }
0x290: {  	v17 =	vadd.f32 $0.0e+00, v17;
	_ =	sdelay $0x1  }
0x291: {  	v17 =	vbroadcast v17, $0xF;
	_ =	sdelay $0x1  }
0x292: {  	[tilespmem:v15+s0+$0x0] =	vst.idx.msk $0x1, v17  }
0x293: {  	_ =	swait.ge [sflag:s4], $0x1000  }
0x294: {  	[sflag:s4] =	ssyncset.done $0x0  }
0x295: {  	[sflag:s4] =	ssyncadd.s32 $0xFFFFF000  }
0x296: {  	_ =	swait.ge [sflag:s20], $0x1000  }
0x297: {  	[sflag:s20] =	ssyncset.done $0x0  }
0x298: {  	[sflag:s20] =	ssyncadd.s32 $0xFFFFF000  }
0x299: {  	v17 =	vld.idx.msk [tilespmem:v16+s9+$0x0], $0xffff;
	_ =	sdelay $0x1  }
0x29a: {  	v18 =	vld.idx.msk [tilespmem:v16+s11+$0x0], $0xffff;
	_ =	sdelay $0x2  }
0x29b: {  	(v2sf) =	vpush v17, $0x0;
	_ =	sdelay $0x1  }
0x29c: {  	(v2sf) =	vpush v18, $0x0;
	_ =	sdelay $0xc  }
0x29d: {  	s22 =	spop (v2sf)  }
0x29e: {  	s21 =	sand.u32 $0x7F, s22  }
0x29f: {  	s22 =	spop (v2sf);
	v17 =	vor.u32 s21, v4  }
0x2a0: {  	v18 =	vor.u32 s21, v8;
	s22 =	sand.u32 $0x7F, s22  }
0x2a1: {  	v19 =	vor.u32 s22, v4  }
0x2a2: {  	v63 =	vor.u32 s22, v8;
	_ =	sdelay $0x1  }
0x2a3: {  	v17 =	vld.idx.msk [tilespmem:v17+s28+$0x0], $0xffff  }
0x2a4: {  	v18 =	vld.idx.msk [tilespmem:v18+s28+$0x0], $0xffff  }
0x2a5: {  	v19 =	vld.idx.msk [tilespmem:v19+s29+$0x0], $0xffff  }
0x2a6: {  	v20 =	vld.idx.msk [tilespmem:v63+s29+$0x0], $0xffff;
	_ =	sdelay $0x4  }
0x2a7: {  	v17 =	vmul.f32 v19, v17;
	v18 =	vmul.f32 v20, v18;
	_ =	sdelay $0x1  }
0x2a8: {  	v17 =	vadd.f32 v18, v17;
	_ =	sdelay $0x1  }
0x2a9: {  	(xrf2) =	vadd.scan.msk.f32 $0xffff, v17;
	_ =	sdelay $0x9  }
0x2aa: {  	v17, _, _ =	vpop (xrf2)  }
0x2ab: {  	v17 =	vadd.f32 $0.0e+00, v17;
	_ =	sdelay $0x1  }
0x2ac: {  	v17 =	vbroadcast v17, $0xF;
	_ =	sdelay $0x1  }
0x2ad: {  	s22 =	rddreg [dreg:$0x8];
	[tilespmem:v16+s0+$0x0] =	vst.idx.msk $0x1, v17  }
0x2ae: {  	[hbm4b:s22+s23] =	stream.linear.scatter [tilespmem:s0], [sflag:$0x11], $0x200, $0x38;
	[tilespmem:$0x10700] =	vst v63  }
0x2af: {  	s23 =	simm.s32 $0x11  }
0x2b0: {  	_ =	swait.ge [sflag:s23], $0x200  }
0x2b1: {  	s21 =	rddreg [dreg:$0xa]  }
0x2b2: {  	s22 =	sadd.s32 $0x1, s21;
	s21 =	rddreg [dreg:$0x9]  }
0x2b3: {  	p0 =	sne.s32 s22, s21  }
.Ltmp1:
0x2b4: {  	_ = 	snop;
	(pc) =	sbr.rel @p0 .LBB2_1-.Ltmp1, $3  }
0x2b5: {  	_ =	sdelay $0x1  }
0x2b6: {  	[sflag:s23] =	ssyncset.done $0x0  }
0x2b7: {  	s25 =	simm.s32 $0xD480;
	s24 =	simm.s32 $0xE480;
	[sflag:s23] =	ssyncadd.s32 $0xFFFFFE00  }
0x2b8: {  	_ =	sfence.sel $0x180000  }
0x2b9: {  	[bflag:$0x0] =	sbarrier.arrive $0xFFFF  }
0x2ba: {  	_ =	strace $0x90000047  }
0x2bb: {  	s0 =	stileid.u32;
	[bflag:$0x2] =	sbarrier.arrive $0xFFFF  }
0x2bc: {  	p0 =	sne.s32 s0, $0x0;
	s0 =	rddreg [dreg:$0x5]  }
0x2bd: {  	s0 =	sadd.s32 @!p0 $0x100000, s0  }
0x2be: {  	[sflag:s0] =	ssyncadd.tile.s32 @!p0 $0x1;
	_ =	shalt  }
.Lfunc_end2:
_tile_overlayer_lowered:
.L_overlay_start_2:
0x2bf: {  	(tag) =	ssettag $0x2  }
0x2c0: {  	s0 =	rddreg [dreg:$0x0];
	s2 =	stileid.u32  }
0x2c1: {  	s1 =	rddreg [dreg:$0x1];
	p0 =	sne.s32 s2, $0x0  }
0x2c2: {  	s3 =	rddreg [dreg:$0x2];
	[bflag:$0x3] =	sbarrier.arrive $0xFFFF;
	s2 =	simm.s32 @!p0 $0x1C11  }
0x2c3: {  	[timem:s3], [sflag:s2] =	dma.local @!p0 [hbm:s0], s1  }
0x2c4: {  	s0 =	simm.s32 @!p0 $0x11  }
0x2c5: {  	_ =	swait.ge @!p0 [sflag:s0], s1  }
0x2c6: {  	s1 =	ssub.s32 @!p0 $0x0, s1;
	[sflag:s0] =	ssyncset.done @!p0 $0x0  }
0x2c7: {  	[sflag:s0] =	ssyncadd.s32 @!p0 s1  }
0x2c8: {  	[bflag:$0x3] =	sbarrier.arrive $0xFFFF  }
0x2c9: {  	_ =	shalt  }

</sc_bundles>
